<compile_context>
chip_gen: v7x
topology: tpu7x:2x2x1
jax: 0.10.2.dev20260603
libtpu: 0.0.44.dev20260713+nightly
codegen_flags: <defaults>
</compile_context>

<pallas_src>
import functools

import jax
import jax.numpy as jnp
from jax import lax
from jax.experimental import pallas as pl
from jax.experimental.pallas import tpu as pltpu
from jax.experimental.pallas import tpu_sc as plsc

N_NODES = 10000
N_EDGES = 160000
D_FEAT = 256

NC = 2
NS = 16
LANES = 16
GROUP = 128
N_GROUPS = 1280
E_PAD = N_GROUPS * GROUP
G_PER_TILE = N_GROUPS // NS
N_PAD = 10240
ROWS_PER_TILE = N_PAD // NS
DH = 128
NBUF = 2
IDXC = 8
N_CHUNK = G_PER_TILE // IDXC


def _sc_accumulate(xa, src_g, dst_g, zz, zd):
    mesh = plsc.VectorSubcoreMesh(core_axis_name="c", subcore_axis_name="s")

    @functools.partial(
        pl.kernel,
        out_type=(
            jax.ShapeDtypeStruct((NC, N_PAD, DH), jnp.float32),
            jax.ShapeDtypeStruct((NC, NS, N_PAD), jnp.float32),
        ),
        mesh=mesh,
        compiler_params=pltpu.CompilerParams(needs_layout_passes=False,
                                             use_tc_tiling_on_sc=False),
        scratch_types=[
            pltpu.VMEM((2, IDXC, GROUP), jnp.int32),
            pltpu.VMEM((2, IDXC, GROUP), jnp.int32),
            pltpu.VMEM((NBUF, GROUP, DH), jnp.float32),
            pltpu.VMEM((N_PAD,), jnp.float32),
            pltpu.VMEM_SHARED((N_PAD, DH), jnp.float32),
        ] + [pltpu.SemaphoreType.DMA] * (NBUF + 2),
    )
    def k(xa_hbm, src_hbm, dst_hbm, zz_hbm, zd_hbm, out_hbm, outd_hbm,
          src_v, dst_v, rows_v, deg_v, acc, *sems):
        gsems, isems = sems[:NBUF], sems[NBUF:]
        c = lax.axis_index("c")
        s = lax.axis_index("s")
        pltpu.sync_copy(zd_hbm, deg_v)
        r0 = s * ROWS_PER_TILE
        pltpu.sync_copy(zz_hbm, acc.at[pl.ds(r0, ROWS_PER_TILE)])

        def idx_load(ci, ib):
            sl = pl.ds(ci * IDXC, IDXC)
            pltpu.async_copy(src_hbm.at[s, sl], src_v.at[ib], isems[ib])
            pltpu.async_copy(dst_hbm.at[s, sl], dst_v.at[ib], isems[ib])

        def idx_wait(ib):
            sl = pl.ds(0, IDXC)
            pltpu.make_async_copy(src_hbm.at[s, sl], src_v.at[ib],
                                  isems[ib]).wait()
            pltpu.make_async_copy(dst_hbm.at[s, sl], dst_v.at[ib],
                                  isems[ib]).wait()

        idx_load(0, 0)
        idx_wait(0)
        plsc.subcore_barrier()
        table = xa_hbm.at[c]
        ones16 = jnp.ones((LANES,), jnp.float32)

        def gather(ib, g, b):
            pltpu.async_copy(table.at[src_v.at[ib, g]], rows_v.at[b],
                             gsems[b])

        def gather_wait(b):
            pltpu.make_async_copy(table.at[src_v.at[0, 0]], rows_v.at[b],
                                  gsems[b]).wait()

        def chunk(ci, cp):
            @pl.when(ci < N_CHUNK - 1)
            def _pf():
                idx_load(ci + 1, 1 - cp)

            for b in range(NBUF):
                gather(cp, b, b)
            for g in range(IDXC):
                b = g % NBUF
                gather_wait(b)
                pltpu.sync_copy(rows_v.at[b], acc.at[dst_v.at[cp, g]],
                                add=True)
                if g + NBUF < IDXC:
                    gather(cp, g + NBUF, b)
                @pl.when(c == cp)
                def _histo():
                    for kk in range(GROUP // LANES):
                        d = dst_v[cp, g, pl.ds(kk * LANES, LANES)]
                        plsc.addupdate_scatter(deg_v, [d], ones16)
            @pl.when(ci < N_CHUNK - 1)
            def _pfw():
                idx_wait(1 - cp)

        def outer(si, carry):
            chunk(2 * si, 0)
            chunk(2 * si + 1, 1)
            return carry

        lax.fori_loop(0, N_CHUNK // 2, outer, 0)
        plsc.subcore_barrier()
        pltpu.sync_copy(acc.at[pl.ds(r0, ROWS_PER_TILE)],
                        out_hbm.at[c, pl.ds(r0, ROWS_PER_TILE)])

        pltpu.sync_copy(deg_v, outd_hbm.at[c, s])

    return k(xa, src_g, dst_g, zz, zd)


ROW_BLK = 512


def _tc_transform(a, degs, W, b2):

    def body(a0_ref, a1_ref, deg_ref, w_ref, b_ref, o_ref):
        a0 = a0_ref[0]
        a1 = a1_ref[0]
        w = w_ref[...]
        acc = jnp.dot(a0, w[:DH, :], preferred_element_type=jnp.float32,
                      precision=lax.Precision.HIGHEST)
        acc += jnp.dot(a1, w[DH:, :], preferred_element_type=jnp.float32,
                       precision=lax.Precision.HIGHEST)
        deg = jnp.sum(deg_ref[...], axis=0)
        acc += deg[:, None] * b_ref[...]
        o_ref[...] = jnp.tanh(acc)

    return pl.pallas_call(
        body,
        grid=(N_PAD // ROW_BLK,),
        in_specs=[
            pl.BlockSpec((1, ROW_BLK, DH), lambda i: (0, i, 0)),
            pl.BlockSpec((1, ROW_BLK, DH), lambda i: (1, i, 0)),
            pl.BlockSpec((NC * NS, ROW_BLK), lambda i: (0, i)),
            pl.BlockSpec((D_FEAT, D_FEAT), lambda i: (0, 0)),
            pl.BlockSpec((1, D_FEAT), lambda i: (0, 0)),
        ],
        out_specs=pl.BlockSpec((ROW_BLK, D_FEAT), lambda i: (i, 0)),
        out_shape=jax.ShapeDtypeStruct((N_NODES, D_FEAT), jnp.float32),
    )(a, a, degs, W, b2)


def kernel(x, edge_index, W, b):
    src = edge_index[0]
    dst = edge_index[1]
    xa = jnp.stack([x[:, :DH], x[:, DH:]])
    npad = E_PAD - N_EDGES
    src_g = jnp.concatenate([src, jnp.zeros((npad,), jnp.int32)])
    dst_g = jnp.concatenate([dst, jnp.full((npad,), N_NODES, jnp.int32)])
    src_g = src_g.reshape(NS, G_PER_TILE, GROUP)
    dst_g = dst_g.reshape(NS, G_PER_TILE, GROUP)
    zz = jnp.zeros((ROWS_PER_TILE, DH), jnp.float32)
    zd = jnp.zeros((N_PAD,), jnp.float32)

    a, degs = _sc_accumulate(xa, src_g, dst_g, zz, zd)
    degs2 = degs.reshape(NC * NS, N_PAD)
    return _tc_transform(a, degs2, W, b.reshape(1, D_FEAT))

# --- scband reference (transcript-rebuilt; emitter-appended) ---
"""Pipeline reference for scband-layer-30562987278819 (READ-ONLY COPY).

The authoritative reference and input builder live on the scoring server;
editing this copy changes nothing except your own understanding.
"""

import jax, jax.numpy as jnp
import numpy as np

N_NODES = 10000
N_EDGES = 160000
D_FEAT = 256


def setup_inputs(seed: int = 0) -> dict:
    key = jax.random.key(seed)
    k1, k2, k3, k4 = jax.random.split(key, 4)
    x = jax.random.normal(k1, (N_NODES, D_FEAT), dtype=jnp.float32)
    edge_index = jax.random.randint(k2, (2, N_EDGES), 0, N_NODES, dtype=jnp.int32)
    # learned parameters of the 'linear' submodule (build_optimal_linear -> Linear 256->256)
    W = jax.random.normal(k3, (D_FEAT, D_FEAT), dtype=jnp.float32) * 0.05
    b = jax.random.normal(k4, (D_FEAT,), dtype=jnp.float32) * 0.05
    return {"x": x, "edge_index": edge_index, "W": W, "b": b}


def reference(x, edge_index, W, b):
    # Layer.forward(layer_values): linear (gather + Linear) -> aggregate (scatter sum) -> transform (tanh)
    # layer_values = {'0': x}; out written to layer_values['1'] = out_to.
    src = edge_index[0]
    dst = edge_index[1]
    # GatherModuleLike linear: gather per-edge source node features, apply Linear
    gathered = jnp.take(x, src, axis=0)            # [E, D]
    messages = gathered @ W + b                     # [E, D]
    # ScatterAggregate with aggregation='sum': segment-sum into destination nodes
    aggregated = jax.ops.segment_sum(messages, dst, num_segments=N_NODES)  # [N, D]
    # transform: tanh activation
    out = jnp.tanh(aggregated)
    return out

if __name__ == "__main__":
    import jax
    _d = setup_inputs()
    print(jax.jit(kernel)(*tuple(_d.values())))

</pallas_src>

<mosaic_0001>
#map = affine_map<(d0, d1) -> (0, 0, 0)>
#map1 = affine_map<(d0, d1) -> (0, 0)>
#map2 = affine_map<(d0, d1) -> (0)>
module attributes {stable_mosaic.version = 14 : i64} {
  func.func @k(%arg0: i32, %arg1: i32, %arg2: memref<2x10000x128xf32, #tpu.memory_space<hbm>>, %arg3: memref<16x80x128xi32, #tpu.memory_space<hbm>>, %arg4: memref<16x80x128xi32, #tpu.memory_space<hbm>>, %arg5: memref<640x128xf32, #tpu.memory_space<hbm>>, %arg6: memref<10240xf32, #tpu.memory_space<hbm>>, %arg7: memref<2x10240x128xf32, #tpu.memory_space<hbm>>, %arg8: memref<2x16x10240xf32, #tpu.memory_space<hbm>>, %arg9: memref<2x8x128xi32, #tpu.memory_space<vmem>>, %arg10: memref<2x8x128xi32, #tpu.memory_space<vmem>>, %arg11: memref<2x128x128xf32, #tpu.memory_space<vmem>>, %arg12: memref<10240xf32, #tpu.memory_space<vmem>>, %arg13: memref<10240x128xf32, #tpu.memory_space<vmem_shared>>, %arg14: memref<!tpu.dma_semaphore, #tpu.memory_space<semaphore_mem>>, %arg15: memref<!tpu.dma_semaphore, #tpu.memory_space<semaphore_mem>>, %arg16: memref<!tpu.dma_semaphore, #tpu.memory_space<semaphore_mem>>, %arg17: memref<!tpu.dma_semaphore, #tpu.memory_space<semaphore_mem>>) attributes {dimension_semantics = [#tpu.dimension_semantics<core_parallel>, #tpu.dimension_semantics<subcore_parallel>], iteration_bounds = array<i64: 2, 16>, scalar_prefetch = 0 : i64, scratch_operands = 9 : i64, tpu.core_type = #tpu.core_type<sc_vector_subcore>, window_params = [{transform_indices = #map}, {transform_indices = #map}, {transform_indices = #map}, {transform_indices = #map1}, {transform_indices = #map2}, {transform_indices = #map}, {transform_indices = #map}]} {
    "tpu.region"() ({
      %run_scoped3A = tpu.sem_alloc : memref<!tpu.dma_semaphore, #tpu.memory_space<semaphore_mem>>
      tpu.enqueue_dma source(%arg6 : memref<10240xf32, #tpu.memory_space<hbm>>) target(%arg12 : memref<10240xf32, #tpu.memory_space<vmem>>) target_semaphore(%run_scoped3A : memref<!tpu.dma_semaphore, #tpu.memory_space<semaphore_mem>>)
      tpu.wait_dma2 semaphore(%run_scoped3A : memref<!tpu.dma_semaphore, #tpu.memory_space<semaphore_mem>>) src(%arg6 : memref<10240xf32, #tpu.memory_space<hbm>>) dst(%arg12 : memref<10240xf32, #tpu.memory_space<vmem>>)
      tpu.yield
    }) : () -> ()
    %mul3A = arith.constant 640 : i32
    %mul3A_0 = arith.muli %arg1, %mul3A : i32
    "tpu.region"() ({
      %run_scoped3A = tpu.sem_alloc : memref<!tpu.dma_semaphore, #tpu.memory_space<semaphore_mem>>
      %dma_start3A_74 = arith.constant 0 : i32
      %dma_start3A_75 = tpu.memref_slice %arg13[%mul3A_0, %dma_start3A_74] : memref<10240x128xf32, #tpu.memory_space<vmem_shared>> -> memref<640x128xf32, #tpu.memory_space<vmem_shared>>
      tpu.enqueue_dma source(%arg5 : memref<640x128xf32, #tpu.memory_space<hbm>>) target(%dma_start3A_75 : memref<640x128xf32, #tpu.memory_space<vmem_shared>>) target_semaphore(%run_scoped3A : memref<!tpu.dma_semaphore, #tpu.memory_space<semaphore_mem>>)
      %dma_wait3A_76 = arith.constant 0 : i32
      %dma_wait3A_77 = tpu.memref_slice %arg13[%mul3A_0, %dma_wait3A_76] : memref<10240x128xf32, #tpu.memory_space<vmem_shared>> -> memref<640x128xf32, #tpu.memory_space<vmem_shared>>
      tpu.wait_dma2 semaphore(%run_scoped3A : memref<!tpu.dma_semaphore, #tpu.memory_space<semaphore_mem>>) src(%arg5 : memref<640x128xf32, #tpu.memory_space<hbm>>) dst(%dma_wait3A_77 : memref<640x128xf32, #tpu.memory_space<vmem_shared>>)
      tpu.yield
    }) : () -> ()
    %dma_start3A = arith.constant 0 : i32
    %dma_start3A_1 = arith.constant 0 : i32
    %dma_start3A_2 = arith.constant 0 : i32
    %dma_start3A_3 = tpu.memref_slice %arg9[%dma_start3A, %dma_start3A_1, %dma_start3A_2] : memref<2x8x128xi32, #tpu.memory_space<vmem>> -> memref<1x8x128xi32, #tpu.memory_space<vmem>>
    %dma_start3A_4 = tpu.memref_squeeze %dma_start3A_3 : memref<1x8x128xi32, #tpu.memory_space<vmem>> -> memref<8x128xi32, #tpu.memory_space<vmem>>
    %dma_start3A_5 = arith.constant 0 : i32
    %dma_start3A_6 = arith.constant 0 : i32
    %dma_start3A_7 = tpu.memref_slice %arg3[%arg1, %dma_start3A_5, %dma_start3A_6] : memref<16x80x128xi32, #tpu.memory_space<hbm>> -> memref<1x8x128xi32, #tpu.memory_space<hbm>>
    %dma_start3A_8 = tpu.memref_squeeze %dma_start3A_7 : memref<1x8x128xi32, #tpu.memory_space<hbm>> -> memref<8x128xi32, #tpu.memory_space<hbm>>
    %dma_start3A_9 = arith.constant 0 : i32
    %dma_start3A_10 = arith.constant 0 : i32
    %dma_start3A_11 = tpu.memref_slice %arg9[%dma_start3A, %dma_start3A_9, %dma_start3A_10] : memref<2x8x128xi32, #tpu.memory_space<vmem>> -> memref<1x8x128xi32, #tpu.memory_space<vmem>>
    %dma_start3A_12 = tpu.memref_squeeze %dma_start3A_11 : memref<1x8x128xi32, #tpu.memory_space<vmem>> -> memref<8x128xi32, #tpu.memory_space<vmem>>
    %dma_start3A_13 = arith.constant 0 : i32
    %dma_start3A_14 = arith.constant 0 : i32
    %dma_start3A_15 = tpu.memref_slice %arg3[%arg1, %dma_start3A_13, %dma_start3A_14] : memref<16x80x128xi32, #tpu.memory_space<hbm>> -> memref<1x8x128xi32, #tpu.memory_space<hbm>>
    %dma_start3A_16 = tpu.memref_squeeze %dma_start3A_15 : memref<1x8x128xi32, #tpu.memory_space<hbm>> -> memref<8x128xi32, #tpu.memory_space<hbm>>
    tpu.enqueue_dma source(%dma_start3A_16 : memref<8x128xi32, #tpu.memory_space<hbm>>) target(%dma_start3A_12 : memref<8x128xi32, #tpu.memory_space<vmem>>) target_semaphore(%arg16 : memref<!tpu.dma_semaphore, #tpu.memory_space<semaphore_mem>>)
    %dma_start3A_17 = arith.constant 0 : i32
    %dma_start3A_18 = arith.constant 0 : i32
    %dma_start3A_19 = arith.constant 0 : i32
    %dma_start3A_20 = tpu.memref_slice %arg10[%dma_start3A_17, %dma_start3A_18, %dma_start3A_19] : memref<2x8x128xi32, #tpu.memory_space<vmem>> -> memref<1x8x128xi32, #tpu.memory_space<vmem>>
    %dma_start3A_21 = tpu.memref_squeeze %dma_start3A_20 : memref<1x8x128xi32, #tpu.memory_space<vmem>> -> memref<8x128xi32, #tpu.memory_space<vmem>>
    %dma_start3A_22 = arith.constant 0 : i32
    %dma_start3A_23 = arith.constant 0 : i32
    %dma_start3A_24 = tpu.memref_slice %arg4[%arg1, %dma_start3A_22, %dma_start3A_23] : memref<16x80x128xi32, #tpu.memory_space<hbm>> -> memref<1x8x128xi32, #tpu.memory_space<hbm>>
    %dma_start3A_25 = tpu.memref_squeeze %dma_start3A_24 : memref<1x8x128xi32, #tpu.memory_space<hbm>> -> memref<8x128xi32, #tpu.memory_space<hbm>>
    %dma_start3A_26 = arith.constant 0 : i32
    %dma_start3A_27 = arith.constant 0 : i32
    %dma_start3A_28 = tpu.memref_slice %arg10[%dma_start3A_17, %dma_start3A_26, %dma_start3A_27] : memref<2x8x128xi32, #tpu.memory_space<vmem>> -> memref<1x8x128xi32, #tpu.memory_space<vmem>>
    %dma_start3A_29 = tpu.memref_squeeze %dma_start3A_28 : memref<1x8x128xi32, #tpu.memory_space<vmem>> -> memref<8x128xi32, #tpu.memory_space<vmem>>
    %dma_start3A_30 = arith.constant 0 : i32
    %dma_start3A_31 = arith.constant 0 : i32
    %dma_start3A_32 = tpu.memref_slice %arg4[%arg1, %dma_start3A_30, %dma_start3A_31] : memref<16x80x128xi32, #tpu.memory_space<hbm>> -> memref<1x8x128xi32, #tpu.memory_space<hbm>>
    %dma_start3A_33 = tpu.memref_squeeze %dma_start3A_32 : memref<1x8x128xi32, #tpu.memory_space<hbm>> -> memref<8x128xi32, #tpu.memory_space<hbm>>
    tpu.enqueue_dma source(%dma_start3A_33 : memref<8x128xi32, #tpu.memory_space<hbm>>) target(%dma_start3A_29 : memref<8x128xi32, #tpu.memory_space<vmem>>) target_semaphore(%arg16 : memref<!tpu.dma_semaphore, #tpu.memory_space<semaphore_mem>>)
    %dma_wait3A = arith.constant 0 : i32
    %dma_wait3A_34 = arith.constant 0 : i32
    %dma_wait3A_35 = arith.constant 0 : i32
    %dma_wait3A_36 = tpu.memref_slice %arg9[%dma_wait3A, %dma_wait3A_34, %dma_wait3A_35] : memref<2x8x128xi32, #tpu.memory_space<vmem>> -> memref<1x8x128xi32, #tpu.memory_space<vmem>>
    %dma_wait3A_37 = tpu.memref_squeeze %dma_wait3A_36 : memref<1x8x128xi32, #tpu.memory_space<vmem>> -> memref<8x128xi32, #tpu.memory_space<vmem>>
    %dma_wait3A_38 = arith.constant 0 : i32
    %dma_wait3A_39 = arith.constant 0 : i32
    %dma_wait3A_40 = tpu.memref_slice %arg3[%arg1, %dma_wait3A_38, %dma_wait3A_39] : memref<16x80x128xi32, #tpu.memory_space<hbm>> -> memref<1x8x128xi32, #tpu.memory_space<hbm>>
    %dma_wait3A_41 = tpu.memref_squeeze %dma_wait3A_40 : memref<1x8x128xi32, #tpu.memory_space<hbm>> -> memref<8x128xi32, #tpu.memory_space<hbm>>
    %dma_wait3A_42 = arith.constant 0 : i32
    %dma_wait3A_43 = arith.constant 0 : i32
    %dma_wait3A_44 = tpu.memref_slice %arg9[%dma_wait3A, %dma_wait3A_42, %dma_wait3A_43] : memref<2x8x128xi32, #tpu.memory_space<vmem>> -> memref<1x8x128xi32, #tpu.memory_space<vmem>>
    %dma_wait3A_45 = tpu.memref_squeeze %dma_wait3A_44 : memref<1x8x128xi32, #tpu.memory_space<vmem>> -> memref<8x128xi32, #tpu.memory_space<vmem>>
    %dma_wait3A_46 = arith.constant 0 : i32
    %dma_wait3A_47 = arith.constant 0 : i32
    %dma_wait3A_48 = tpu.memref_slice %arg3[%arg1, %dma_wait3A_46, %dma_wait3A_47] : memref<16x80x128xi32, #tpu.memory_space<hbm>> -> memref<1x8x128xi32, #tpu.memory_space<hbm>>
    %dma_wait3A_49 = tpu.memref_squeeze %dma_wait3A_48 : memref<1x8x128xi32, #tpu.memory_space<hbm>> -> memref<8x128xi32, #tpu.memory_space<hbm>>
    tpu.wait_dma2 semaphore(%arg16 : memref<!tpu.dma_semaphore, #tpu.memory_space<semaphore_mem>>) src(%dma_wait3A_49 : memref<8x128xi32, #tpu.memory_space<hbm>>) dst(%dma_wait3A_45 : memref<8x128xi32, #tpu.memory_space<vmem>>)
    %dma_wait3A_50 = arith.constant 0 : i32
    %dma_wait3A_51 = arith.constant 0 : i32
    %dma_wait3A_52 = arith.constant 0 : i32
    %dma_wait3A_53 = tpu.memref_slice %arg10[%dma_wait3A_50, %dma_wait3A_51, %dma_wait3A_52] : memref<2x8x128xi32, #tpu.memory_space<vmem>> -> memref<1x8x128xi32, #tpu.memory_space<vmem>>
    %dma_wait3A_54 = tpu.memref_squeeze %dma_wait3A_53 : memref<1x8x128xi32, #tpu.memory_space<vmem>> -> memref<8x128xi32, #tpu.memory_space<vmem>>
    %dma_wait3A_55 = arith.constant 0 : i32
    %dma_wait3A_56 = arith.constant 0 : i32
    %dma_wait3A_57 = tpu.memref_slice %arg4[%arg1, %dma_wait3A_55, %dma_wait3A_56] : memref<16x80x128xi32, #tpu.memory_space<hbm>> -> memref<1x8x128xi32, #tpu.memory_space<hbm>>
    %dma_wait3A_58 = tpu.memref_squeeze %dma_wait3A_57 : memref<1x8x128xi32, #tpu.memory_space<hbm>> -> memref<8x128xi32, #tpu.memory_space<hbm>>
    %dma_wait3A_59 = arith.constant 0 : i32
    %dma_wait3A_60 = arith.constant 0 : i32
    %dma_wait3A_61 = tpu.memref_slice %arg10[%dma_wait3A_50, %dma_wait3A_59, %dma_wait3A_60] : memref<2x8x128xi32, #tpu.memory_space<vmem>> -> memref<1x8x128xi32, #tpu.memory_space<vmem>>
    %dma_wait3A_62 = tpu.memref_squeeze %dma_wait3A_61 : memref<1x8x128xi32, #tpu.memory_space<vmem>> -> memref<8x128xi32, #tpu.memory_space<vmem>>
    %dma_wait3A_63 = arith.constant 0 : i32
    %dma_wait3A_64 = arith.constant 0 : i32
    %dma_wait3A_65 = tpu.memref_slice %arg4[%arg1, %dma_wait3A_63, %dma_wait3A_64] : memref<16x80x128xi32, #tpu.memory_space<hbm>> -> memref<1x8x128xi32, #tpu.memory_space<hbm>>
    %dma_wait3A_66 = tpu.memref_squeeze %dma_wait3A_65 : memref<1x8x128xi32, #tpu.memory_space<hbm>> -> memref<8x128xi32, #tpu.memory_space<hbm>>
    tpu.wait_dma2 semaphore(%arg16 : memref<!tpu.dma_semaphore, #tpu.memory_space<semaphore_mem>>) src(%dma_wait3A_66 : memref<8x128xi32, #tpu.memory_space<hbm>>) dst(%dma_wait3A_62 : memref<8x128xi32, #tpu.memory_space<vmem>>)
    %barrier3A = arith.constant 0 : index
    tpu.barrier barrier_id(%barrier3A)
    %broadcast_in_dim3A = arith.constant 1.000000e+00 : f32
    %broadcast_in_dim3A_67 = vector.broadcast %broadcast_in_dim3A : f32 to vector<16xf32>
    %scan3A = arith.constant 0 : i32
    %scan3A_68 = arith.constant 0 : i32
    %scan3A_69 = arith.constant 5 : i32
    %scan3A_70 = arith.addi %scan3A_68, %scan3A_69 : i32
    %scan3A_71 = arith.constant 1 : i32
    scf.for %scan3A_74 = %scan3A_68 to %scan3A_70 step %scan3A_71  : i32 {
      %mul3A_75 = arith.constant 2 : i32
      %mul3A_76 = arith.muli %mul3A_75, %scan3A_74 : i32
      %lt3A = arith.constant 9 : i32
      %lt3A_77 = arith.cmpi slt, %mul3A_76, %lt3A : i32
      %convert_element_type3A = arith.extui %lt3A_77 : i1 to i32
      %cond3A = arith.constant 0 : i32
      %cond3A_78 = arith.cmpi ne, %convert_element_type3A, %cond3A : i32
      scf.if %cond3A_78 {
        %add3A_767 = arith.constant 1 : i32
        %add3A_768 = arith.addi %mul3A_76, %add3A_767 : i32
        %mul3A_769 = arith.constant 8 : i32
        %mul3A_770 = arith.muli %add3A_768, %mul3A_769 : i32
        %dma_start3A_771 = arith.constant 1 : i32
        %dma_start3A_772 = arith.constant 0 : i32
        %dma_start3A_773 = arith.constant 0 : i32
        %dma_start3A_774 = tpu.memref_slice %arg9[%dma_start3A_771, %dma_start3A_772, %dma_start3A_773] : memref<2x8x128xi32, #tpu.memory_space<vmem>> -> memref<1x8x128xi32, #tpu.memory_space<vmem>>
        %dma_start3A_775 = tpu.memref_squeeze %dma_start3A_774 : memref<1x8x128xi32, #tpu.memory_space<vmem>> -> memref<8x128xi32, #tpu.memory_space<vmem>>
        %dma_start3A_776 = arith.constant 0 : i32
        %dma_start3A_777 = tpu.memref_slice %arg3[%arg1, %mul3A_770, %dma_start3A_776] : memref<16x80x128xi32, #tpu.memory_space<hbm>> -> memref<1x8x128xi32, #tpu.memory_space<hbm>>
        %dma_start3A_778 = tpu.memref_squeeze %dma_start3A_777 : memref<1x8x128xi32, #tpu.memory_space<hbm>> -> memref<8x128xi32, #tpu.memory_space<hbm>>
        %dma_start3A_779 = arith.constant 0 : i32
        %dma_start3A_780 = arith.constant 0 : i32
        %dma_start3A_781 = tpu.memref_slice %arg9[%dma_start3A_771, %dma_start3A_779, %dma_start3A_780] : memref<2x8x128xi32, #tpu.memory_space<vmem>> -> memref<1x8x128xi32, #tpu.memory_space<vmem>>
        %dma_start3A_782 = tpu.memref_squeeze %dma_start3A_781 : memref<1x8x128xi32, #tpu.memory_space<vmem>> -> memref<8x128xi32, #tpu.memory_space<vmem>>
        %dma_start3A_783 = arith.constant 0 : i32
        %dma_start3A_784 = tpu.memref_slice %arg3[%arg1, %mul3A_770, %dma_start3A_783] : memref<16x80x128xi32, #tpu.memory_space<hbm>> -> memref<1x8x128xi32, #tpu.memory_space<hbm>>
        %dma_start3A_785 = tpu.memref_squeeze %dma_start3A_784 : memref<1x8x128xi32, #tpu.memory_space<hbm>> -> memref<8x128xi32, #tpu.memory_space<hbm>>
        tpu.enqueue_dma source(%dma_start3A_785 : memref<8x128xi32, #tpu.memory_space<hbm>>) target(%dma_start3A_782 : memref<8x128xi32, #tpu.memory_space<vmem>>) target_semaphore(%arg17 : memref<!tpu.dma_semaphore, #tpu.memory_space<semaphore_mem>>)
        %dma_start3A_786 = arith.constant 1 : i32
        %dma_start3A_787 = arith.constant 0 : i32
        %dma_start3A_788 = arith.constant 0 : i32
        %dma_start3A_789 = tpu.memref_slice %arg10[%dma_start3A_786, %dma_start3A_787, %dma_start3A_788] : memref<2x8x128xi32, #tpu.memory_space<vmem>> -> memref<1x8x128xi32, #tpu.memory_space<vmem>>
        %dma_start3A_790 = tpu.memref_squeeze %dma_start3A_789 : memref<1x8x128xi32, #tpu.memory_space<vmem>> -> memref<8x128xi32, #tpu.memory_space<vmem>>
        %dma_start3A_791 = arith.constant 0 : i32
        %dma_start3A_792 = tpu.memref_slice %arg4[%arg1, %mul3A_770, %dma_start3A_791] : memref<16x80x128xi32, #tpu.memory_space<hbm>> -> memref<1x8x128xi32, #tpu.memory_space<hbm>>
        %dma_start3A_793 = tpu.memref_squeeze %dma_start3A_792 : memref<1x8x128xi32, #tpu.memory_space<hbm>> -> memref<8x128xi32, #tpu.memory_space<hbm>>
        %dma_start3A_794 = arith.constant 0 : i32
        %dma_start3A_795 = arith.constant 0 : i32
        %dma_start3A_796 = tpu.memref_slice %arg10[%dma_start3A_786, %dma_start3A_794, %dma_start3A_795] : memref<2x8x128xi32, #tpu.memory_space<vmem>> -> memref<1x8x128xi32, #tpu.memory_space<vmem>>
        %dma_start3A_797 = tpu.memref_squeeze %dma_start3A_796 : memref<1x8x128xi32, #tpu.memory_space<vmem>> -> memref<8x128xi32, #tpu.memory_space<vmem>>
        %dma_start3A_798 = arith.constant 0 : i32
        %dma_start3A_799 = tpu.memref_slice %arg4[%arg1, %mul3A_770, %dma_start3A_798] : memref<16x80x128xi32, #tpu.memory_space<hbm>> -> memref<1x8x128xi32, #tpu.memory_space<hbm>>
        %dma_start3A_800 = tpu.memref_squeeze %dma_start3A_799 : memref<1x8x128xi32, #tpu.memory_space<hbm>> -> memref<8x128xi32, #tpu.memory_space<hbm>>
        tpu.enqueue_dma source(%dma_start3A_800 : memref<8x128xi32, #tpu.memory_space<hbm>>) target(%dma_start3A_797 : memref<8x128xi32, #tpu.memory_space<vmem>>) target_semaphore(%arg17 : memref<!tpu.dma_semaphore, #tpu.memory_space<semaphore_mem>>)
      } else {
      }
      %dma_start3A_79 = arith.constant 0 : i32
      %dma_start3A_80 = arith.constant 0 : i32
      %dma_start3A_81 = arith.constant 0 : i32
      %dma_start3A_82 = arith.constant 0 : i32
      %dma_start3A_83 = arith.constant 0 : i32
      %dma_start3A_84 = tpu.memref_slice %arg11[%dma_start3A_81, %dma_start3A_82, %dma_start3A_83] : memref<2x128x128xf32, #tpu.memory_space<vmem>> -> memref<1x128x128xf32, #tpu.memory_space<vmem>>
      %dma_start3A_85 = tpu.memref_squeeze %dma_start3A_84 : memref<1x128x128xf32, #tpu.memory_space<vmem>> -> memref<128x128xf32, #tpu.memory_space<vmem>>
      %dma_start3A_86 = arith.constant 0 : i32
      %dma_start3A_87 = tpu.memref_slice %arg9[%dma_start3A_79, %dma_start3A_80, %dma_start3A_86] : memref<2x8x128xi32, #tpu.memory_space<vmem>> -> memref<1x1x128xi32, #tpu.memory_space<vmem>>
      %dma_start3A_88 = tpu.memref_squeeze %dma_start3A_87 : memref<1x1x128xi32, #tpu.memory_space<vmem>> -> memref<128xi32, #tpu.memory_space<vmem>>
      %dma_start3A_89 = arith.constant 0 : i32
      %dma_start3A_90 = arith.constant 0 : i32
      %dma_start3A_91 = tpu.memref_slice %arg2[%arg0, %dma_start3A_89, %dma_start3A_90] : memref<2x10000x128xf32, #tpu.memory_space<hbm>> -> memref<1x10000x128xf32, #tpu.memory_space<hbm>>
      %dma_start3A_92 = tpu.memref_squeeze %dma_start3A_91 : memref<1x10000x128xf32, #tpu.memory_space<hbm>> -> memref<10000x128xf32, #tpu.memory_space<hbm>>
      %dma_start3A_93 = arith.constant 0 : i32
      %dma_start3A_94 = arith.constant 0 : i32
      %dma_start3A_95 = tpu.memref_slice %dma_start3A_92[%dma_start3A_93, %dma_start3A_94] : memref<10000x128xf32, #tpu.memory_space<hbm>> -> memref<10000x128xf32, #tpu.memory_space<hbm>>
      tpu.enqueue_indirect_dma source(%dma_start3A_95 : memref<10000x128xf32, #tpu.memory_space<hbm>>) target(%dma_start3A_85 : memref<128x128xf32, #tpu.memory_space<vmem>>) offsets(%dma_start3A_88 : memref<128xi32, #tpu.memory_space<vmem>>) semaphore(%arg14 : memref<!tpu.dma_semaphore, #tpu.memory_space<semaphore_mem>>)
      %dma_start3A_96 = arith.constant 0 : i32
      %dma_start3A_97 = arith.constant 1 : i32
      %dma_start3A_98 = arith.constant 1 : i32
      %dma_start3A_99 = arith.constant 0 : i32
      %dma_start3A_100 = arith.constant 0 : i32
      %dma_start3A_101 = tpu.memref_slice %arg11[%dma_start3A_98, %dma_start3A_99, %dma_start3A_100] : memref<2x128x128xf32, #tpu.memory_space<vmem>> -> memref<1x128x128xf32, #tpu.memory_space<vmem>>
      %dma_start3A_102 = tpu.memref_squeeze %dma_start3A_101 : memref<1x128x128xf32, #tpu.memory_space<vmem>> -> memref<128x128xf32, #tpu.memory_space<vmem>>
      %dma_start3A_103 = arith.constant 0 : i32
      %dma_start3A_104 = tpu.memref_slice %arg9[%dma_start3A_96, %dma_start3A_97, %dma_start3A_103] : memref<2x8x128xi32, #tpu.memory_space<vmem>> -> memref<1x1x128xi32, #tpu.memory_space<vmem>>
      %dma_start3A_105 = tpu.memref_squeeze %dma_start3A_104 : memref<1x1x128xi32, #tpu.memory_space<vmem>> -> memref<128xi32, #tpu.memory_space<vmem>>
      %dma_start3A_106 = arith.constant 0 : i32
      %dma_start3A_107 = arith.constant 0 : i32
      %dma_start3A_108 = tpu.memref_slice %arg2[%arg0, %dma_start3A_106, %dma_start3A_107] : memref<2x10000x128xf32, #tpu.memory_space<hbm>> -> memref<1x10000x128xf32, #tpu.memory_space<hbm>>
      %dma_start3A_109 = tpu.memref_squeeze %dma_start3A_108 : memref<1x10000x128xf32, #tpu.memory_space<hbm>> -> memref<10000x128xf32, #tpu.memory_space<hbm>>
      %dma_start3A_110 = arith.constant 0 : i32
      %dma_start3A_111 = arith.constant 0 : i32
      %dma_start3A_112 = tpu.memref_slice %dma_start3A_109[%dma_start3A_110, %dma_start3A_111] : memref<10000x128xf32, #tpu.memory_space<hbm>> -> memref<10000x128xf32, #tpu.memory_space<hbm>>
      tpu.enqueue_indirect_dma source(%dma_start3A_112 : memref<10000x128xf32, #tpu.memory_space<hbm>>) target(%dma_start3A_102 : memref<128x128xf32, #tpu.memory_space<vmem>>) offsets(%dma_start3A_105 : memref<128xi32, #tpu.memory_space<vmem>>) semaphore(%arg15 : memref<!tpu.dma_semaphore, #tpu.memory_space<semaphore_mem>>)
      %dma_wait3A_113 = arith.constant 0 : i32
      %dma_wait3A_114 = arith.constant 0 : i32
      %dma_wait3A_115 = arith.constant 0 : i32
      %dma_wait3A_116 = arith.constant 0 : i32
      %dma_wait3A_117 = arith.constant 0 : i32
      %dma_wait3A_118 = tpu.memref_slice %arg11[%dma_wait3A_115, %dma_wait3A_116, %dma_wait3A_117] : memref<2x128x128xf32, #tpu.memory_space<vmem>> -> memref<1x128x128xf32, #tpu.memory_space<vmem>>
      %dma_wait3A_119 = tpu.memref_squeeze %dma_wait3A_118 : memref<1x128x128xf32, #tpu.memory_space<vmem>> -> memref<128x128xf32, #tpu.memory_space<vmem>>
      %dma_wait3A_120 = arith.constant 0 : i32
      %dma_wait3A_121 = tpu.memref_slice %arg9[%dma_wait3A_113, %dma_wait3A_114, %dma_wait3A_120] : memref<2x8x128xi32, #tpu.memory_space<vmem>> -> memref<1x1x128xi32, #tpu.memory_space<vmem>>
      %dma_wait3A_122 = tpu.memref_squeeze %dma_wait3A_121 : memref<1x1x128xi32, #tpu.memory_space<vmem>> -> memref<128xi32, #tpu.memory_space<vmem>>
      %dma_wait3A_123 = arith.constant 0 : i32
      %dma_wait3A_124 = arith.constant 0 : i32
      %dma_wait3A_125 = tpu.memref_slice %arg2[%arg0, %dma_wait3A_123, %dma_wait3A_124] : memref<2x10000x128xf32, #tpu.memory_space<hbm>> -> memref<1x10000x128xf32, #tpu.memory_space<hbm>>
      %dma_wait3A_126 = tpu.memref_squeeze %dma_wait3A_125 : memref<1x10000x128xf32, #tpu.memory_space<hbm>> -> memref<10000x128xf32, #tpu.memory_space<hbm>>
      %dma_wait3A_127 = arith.constant 0 : i32
      %dma_wait3A_128 = arith.constant 0 : i32
      %dma_wait3A_129 = tpu.memref_slice %dma_wait3A_126[%dma_wait3A_127, %dma_wait3A_128] : memref<10000x128xf32, #tpu.memory_space<hbm>> -> memref<10000x128xf32, #tpu.memory_space<hbm>>
      tpu.wait_indirect_dma semaphore(%arg14 : memref<!tpu.dma_semaphore, #tpu.memory_space<semaphore_mem>>) src(%dma_wait3A_129 : memref<10000x128xf32, #tpu.memory_space<hbm>>) dst(%dma_wait3A_119 : memref<128x128xf32, #tpu.memory_space<vmem>>)
      %run_scoped3A = arith.constant 0 : i32
      %run_scoped3A_130 = arith.constant 0 : i32
      %run_scoped3A_131 = arith.constant 0 : i32
      "tpu.region"() ({
        %run_scoped3A_767 = tpu.sem_alloc : memref<!tpu.dma_semaphore, #tpu.memory_space<semaphore_mem>>
        %dma_start3A_768 = arith.constant 0 : i32
        %dma_start3A_769 = arith.constant 0 : i32
        %dma_start3A_770 = tpu.memref_slice %arg11[%run_scoped3A, %dma_start3A_768, %dma_start3A_769] : memref<2x128x128xf32, #tpu.memory_space<vmem>> -> memref<1x128x128xf32, #tpu.memory_space<vmem>>
        %dma_start3A_771 = tpu.memref_squeeze %dma_start3A_770 : memref<1x128x128xf32, #tpu.memory_space<vmem>> -> memref<128x128xf32, #tpu.memory_space<vmem>>
        %dma_start3A_772 = arith.constant 0 : i32
        %dma_start3A_773 = tpu.memref_slice %arg10[%run_scoped3A_130, %run_scoped3A_131, %dma_start3A_772] : memref<2x8x128xi32, #tpu.memory_space<vmem>> -> memref<1x1x128xi32, #tpu.memory_space<vmem>>
        %dma_start3A_774 = tpu.memref_squeeze %dma_start3A_773 : memref<1x1x128xi32, #tpu.memory_space<vmem>> -> memref<128xi32, #tpu.memory_space<vmem>>
        %dma_start3A_775 = arith.constant 0 : i32
        %dma_start3A_776 = arith.constant 0 : i32
        %dma_start3A_777 = tpu.memref_slice %arg13[%dma_start3A_775, %dma_start3A_776] : memref<10240x128xf32, #tpu.memory_space<vmem_shared>> -> memref<10240x128xf32, #tpu.memory_space<vmem_shared>>
        tpu.enqueue_indirect_dma source(%dma_start3A_771 : memref<128x128xf32, #tpu.memory_space<vmem>>) target(%dma_start3A_777 : memref<10240x128xf32, #tpu.memory_space<vmem_shared>>) offsets(%dma_start3A_774 : memref<128xi32, #tpu.memory_space<vmem>>) semaphore(%run_scoped3A_767 : memref<!tpu.dma_semaphore, #tpu.memory_space<semaphore_mem>>) {add = true}
        %dma_wait3A_778 = arith.constant 0 : i32
        %dma_wait3A_779 = arith.constant 0 : i32
        %dma_wait3A_780 = tpu.memref_slice %arg11[%run_scoped3A, %dma_wait3A_778, %dma_wait3A_779] : memref<2x128x128xf32, #tpu.memory_space<vmem>> -> memref<1x128x128xf32, #tpu.memory_space<vmem>>
        %dma_wait3A_781 = tpu.memref_squeeze %dma_wait3A_780 : memref<1x128x128xf32, #tpu.memory_space<vmem>> -> memref<128x128xf32, #tpu.memory_space<vmem>>
        %dma_wait3A_782 = arith.constant 0 : i32
        %dma_wait3A_783 = tpu.memref_slice %arg10[%run_scoped3A_130, %run_scoped3A_131, %dma_wait3A_782] : memref<2x8x128xi32, #tpu.memory_space<vmem>> -> memref<1x1x128xi32, #tpu.memory_space<vmem>>
        %dma_wait3A_784 = tpu.memref_squeeze %dma_wait3A_783 : memref<1x1x128xi32, #tpu.memory_space<vmem>> -> memref<128xi32, #tpu.memory_space<vmem>>
        %dma_wait3A_785 = arith.constant 0 : i32
        %dma_wait3A_786 = arith.constant 0 : i32
        %dma_wait3A_787 = tpu.memref_slice %arg13[%dma_wait3A_785, %dma_wait3A_786] : memref<10240x128xf32, #tpu.memory_space<vmem_shared>> -> memref<10240x128xf32, #tpu.memory_space<vmem_shared>>
        tpu.wait_indirect_dma semaphore(%run_scoped3A_767 : memref<!tpu.dma_semaphore, #tpu.memory_space<semaphore_mem>>) src(%dma_wait3A_781 : memref<128x128xf32, #tpu.memory_space<vmem>>) dst(%dma_wait3A_787 : memref<10240x128xf32, #tpu.memory_space<vmem_shared>>)
        tpu.yield
      }) : () -> ()
      %dma_start3A_132 = arith.constant 0 : i32
      %dma_start3A_133 = arith.constant 2 : i32
      %dma_start3A_134 = arith.constant 0 : i32
      %dma_start3A_135 = arith.constant 0 : i32
      %dma_start3A_136 = arith.constant 0 : i32
      %dma_start3A_137 = tpu.memref_slice %arg11[%dma_start3A_134, %dma_start3A_135, %dma_start3A_136] : memref<2x128x128xf32, #tpu.memory_space<vmem>> -> memref<1x128x128xf32, #tpu.memory_space<vmem>>
      %dma_start3A_138 = tpu.memref_squeeze %dma_start3A_137 : memref<1x128x128xf32, #tpu.memory_space<vmem>> -> memref<128x128xf32, #tpu.memory_space<vmem>>
      %dma_start3A_139 = arith.constant 0 : i32
      %dma_start3A_140 = tpu.memref_slice %arg9[%dma_start3A_132, %dma_start3A_133, %dma_start3A_139] : memref<2x8x128xi32, #tpu.memory_space<vmem>> -> memref<1x1x128xi32, #tpu.memory_space<vmem>>
      %dma_start3A_141 = tpu.memref_squeeze %dma_start3A_140 : memref<1x1x128xi32, #tpu.memory_space<vmem>> -> memref<128xi32, #tpu.memory_space<vmem>>
      %dma_start3A_142 = arith.constant 0 : i32
      %dma_start3A_143 = arith.constant 0 : i32
      %dma_start3A_144 = tpu.memref_slice %arg2[%arg0, %dma_start3A_142, %dma_start3A_143] : memref<2x10000x128xf32, #tpu.memory_space<hbm>> -> memref<1x10000x128xf32, #tpu.memory_space<hbm>>
      %dma_start3A_145 = tpu.memref_squeeze %dma_start3A_144 : memref<1x10000x128xf32, #tpu.memory_space<hbm>> -> memref<10000x128xf32, #tpu.memory_space<hbm>>
      %dma_start3A_146 = arith.constant 0 : i32
      %dma_start3A_147 = arith.constant 0 : i32
      %dma_start3A_148 = tpu.memref_slice %dma_start3A_145[%dma_start3A_146, %dma_start3A_147] : memref<10000x128xf32, #tpu.memory_space<hbm>> -> memref<10000x128xf32, #tpu.memory_space<hbm>>
      tpu.enqueue_indirect_dma source(%dma_start3A_148 : memref<10000x128xf32, #tpu.memory_space<hbm>>) target(%dma_start3A_138 : memref<128x128xf32, #tpu.memory_space<vmem>>) offsets(%dma_start3A_141 : memref<128xi32, #tpu.memory_space<vmem>>) semaphore(%arg14 : memref<!tpu.dma_semaphore, #tpu.memory_space<semaphore_mem>>)
      %eq3A = arith.constant 0 : i32
      %eq3A_149 = arith.cmpi eq, %arg0, %eq3A : i32
      %convert_element_type3A_150 = arith.extui %eq3A_149 : i1 to i32
      %cond3A_151 = arith.constant 0 : i32
      %cond3A_152 = arith.cmpi ne, %convert_element_type3A_150, %cond3A_151 : i32
      scf.if %cond3A_152 {
        %get3A = arith.constant 0 : i32
        %get3A_767 = arith.constant 0 : i32
        %get3A_768 = arith.index_cast %get3A : i32 to index
        %get3A_769 = arith.index_cast %get3A_767 : i32 to index
        %get3A_770 = arith.constant 0 : index
        %get3A_771 = tpu.vector_load %arg10[%get3A_768, %get3A_769, %get3A_770] {strides = array<i32>} : memref<2x8x128xi32, #tpu.memory_space<vmem>>, vector<16xi32>,
        tpu.vector_store_idx %arg12[%get3A_771], %broadcast_in_dim3A_67 {add = true} : memref<10240xf32, #tpu.memory_space<vmem>>[vector<16xi32>], vector<16xf32>,
        %get3A_772 = arith.constant 0 : i32
        %get3A_773 = arith.constant 0 : i32
        %get3A_774 = arith.index_cast %get3A_772 : i32 to index
        %get3A_775 = arith.index_cast %get3A_773 : i32 to index
        %get3A_776 = arith.constant 16 : index
        %get3A_777 = tpu.vector_load %arg10[%get3A_774, %get3A_775, %get3A_776] {strides = array<i32>} : memref<2x8x128xi32, #tpu.memory_space<vmem>>, vector<16xi32>,
        tpu.vector_store_idx %arg12[%get3A_777], %broadcast_in_dim3A_67 {add = true} : memref<10240xf32, #tpu.memory_space<vmem>>[vector<16xi32>], vector<16xf32>,
        %get3A_778 = arith.constant 0 : i32
        %get3A_779 = arith.constant 0 : i32
        %get3A_780 = arith.index_cast %get3A_778 : i32 to index
        %get3A_781 = arith.index_cast %get3A_779 : i32 to index
        %get3A_782 = arith.constant 32 : index
        %get3A_783 = tpu.vector_load %arg10[%get3A_780, %get3A_781, %get3A_782] {strides = array<i32>} : memref<2x8x128xi32, #tpu.memory_space<vmem>>, vector<16xi32>,
        tpu.vector_store_idx %arg12[%get3A_783], %broadcast_in_dim3A_67 {add = true} : memref<10240xf32, #tpu.memory_space<vmem>>[vector<16xi32>], vector<16xf32>,
        %get3A_784 = arith.constant 0 : i32
        %get3A_785 = arith.constant 0 : i32
        %get3A_786 = arith.index_cast %get3A_784 : i32 to index
        %get3A_787 = arith.index_cast %get3A_785 : i32 to index
        %get3A_788 = arith.constant 48 : index
        %get3A_789 = tpu.vector_load %arg10[%get3A_786, %get3A_787, %get3A_788] {strides = array<i32>} : memref<2x8x128xi32, #tpu.memory_space<vmem>>, vector<16xi32>,
        tpu.vector_store_idx %arg12[%get3A_789], %broadcast_in_dim3A_67 {add = true} : memref<10240xf32, #tpu.memory_space<vmem>>[vector<16xi32>], vector<16xf32>,
        %get3A_790 = arith.constant 0 : i32
        %get3A_791 = arith.constant 0 : i32
        %get3A_792 = arith.index_cast %get3A_790 : i32 to index
        %get3A_793 = arith.index_cast %get3A_791 : i32 to index
        %get3A_794 = arith.constant 64 : index
        %get3A_795 = tpu.vector_load %arg10[%get3A_792, %get3A_793, %get3A_794] {strides = array<i32>} : memref<2x8x128xi32, #tpu.memory_space<vmem>>, vector<16xi32>,
        tpu.vector_store_idx %arg12[%get3A_795], %broadcast_in_dim3A_67 {add = true} : memref<10240xf32, #tpu.memory_space<vmem>>[vector<16xi32>], vector<16xf32>,
        %get3A_796 = arith.constant 0 : i32
        %get3A_797 = arith.constant 0 : i32
        %get3A_798 = arith.index_cast %get3A_796 : i32 to index
        %get3A_799 = arith.index_cast %get3A_797 : i32 to index
        %get3A_800 = arith.constant 80 : index
        %get3A_801 = tpu.vector_load %arg10[%get3A_798, %get3A_799, %get3A_800] {strides = array<i32>} : memref<2x8x128xi32, #tpu.memory_space<vmem>>, vector<16xi32>,
        tpu.vector_store_idx %arg12[%get3A_801], %broadcast_in_dim3A_67 {add = true} : memref<10240xf32, #tpu.memory_space<vmem>>[vector<16xi32>], vector<16xf32>,
        %get3A_802 = arith.constant 0 : i32
        %get3A_803 = arith.constant 0 : i32
        %get3A_804 = arith.index_cast %get3A_802 : i32 to index
        %get3A_805 = arith.index_cast %get3A_803 : i32 to index
        %get3A_806 = arith.constant 96 : index
        %get3A_807 = tpu.vector_load %arg10[%get3A_804, %get3A_805, %get3A_806] {strides = array<i32>} : memref<2x8x128xi32, #tpu.memory_space<vmem>>, vector<16xi32>,
        tpu.vector_store_idx %arg12[%get3A_807], %broadcast_in_dim3A_67 {add = true} : memref<10240xf32, #tpu.memory_space<vmem>>[vector<16xi32>], vector<16xf32>,
        %get3A_808 = arith.constant 0 : i32
        %get3A_809 = arith.constant 0 : i32
        %get3A_810 = arith.index_cast %get3A_808 : i32 to index
        %get3A_811 = arith.index_cast %get3A_809 : i32 to index
        %get3A_812 = arith.constant 112 : index
        %get3A_813 = tpu.vector_load %arg10[%get3A_810, %get3A_811, %get3A_812] {strides = array<i32>} : memref<2x8x128xi32, #tpu.memory_space<vmem>>, vector<16xi32>,
        tpu.vector_store_idx %arg12[%get3A_813], %broadcast_in_dim3A_67 {add = true} : memref<10240xf32, #tpu.memory_space<vmem>>[vector<16xi32>], vector<16xf32>,
      } else {
      }
      %dma_wait3A_153 = arith.constant 0 : i32
      %dma_wait3A_154 = arith.constant 0 : i32
      %dma_wait3A_155 = arith.constant 1 : i32
      %dma_wait3A_156 = arith.constant 0 : i32
      %dma_wait3A_157 = arith.constant 0 : i32
      %dma_wait3A_158 = tpu.memref_slice %arg11[%dma_wait3A_155, %dma_wait3A_156, %dma_wait3A_157] : memref<2x128x128xf32, #tpu.memory_space<vmem>> -> memref<1x128x128xf32, #tpu.memory_space<vmem>>
      %dma_wait3A_159 = tpu.memref_squeeze %dma_wait3A_158 : memref<1x128x128xf32, #tpu.memory_space<vmem>> -> memref<128x128xf32, #tpu.memory_space<vmem>>
      %dma_wait3A_160 = arith.constant 0 : i32
      %dma_wait3A_161 = tpu.memref_slice %arg9[%dma_wait3A_153, %dma_wait3A_154, %dma_wait3A_160] : memref<2x8x128xi32, #tpu.memory_space<vmem>> -> memref<1x1x128xi32, #tpu.memory_space<vmem>>
      %dma_wait3A_162 = tpu.memref_squeeze %dma_wait3A_161 : memref<1x1x128xi32, #tpu.memory_space<vmem>> -> memref<128xi32, #tpu.memory_space<vmem>>
      %dma_wait3A_163 = arith.constant 0 : i32
      %dma_wait3A_164 = arith.constant 0 : i32
      %dma_wait3A_165 = tpu.memref_slice %arg2[%arg0, %dma_wait3A_163, %dma_wait3A_164] : memref<2x10000x128xf32, #tpu.memory_space<hbm>> -> memref<1x10000x128xf32, #tpu.memory_space<hbm>>
      %dma_wait3A_166 = tpu.memref_squeeze %dma_wait3A_165 : memref<1x10000x128xf32, #tpu.memory_space<hbm>> -> memref<10000x128xf32, #tpu.memory_space<hbm>>
      %dma_wait3A_167 = arith.constant 0 : i32
      %dma_wait3A_168 = arith.constant 0 : i32
      %dma_wait3A_169 = tpu.memref_slice %dma_wait3A_166[%dma_wait3A_167, %dma_wait3A_168] : memref<10000x128xf32, #tpu.memory_space<hbm>> -> memref<10000x128xf32, #tpu.memory_space<hbm>>
      tpu.wait_indirect_dma semaphore(%arg15 : memref<!tpu.dma_semaphore, #tpu.memory_space<semaphore_mem>>) src(%dma_wait3A_169 : memref<10000x128xf32, #tpu.memory_space<hbm>>) dst(%dma_wait3A_159 : memref<128x128xf32, #tpu.memory_space<vmem>>)
      %run_scoped3A_170 = arith.constant 1 : i32
      %run_scoped3A_171 = arith.constant 0 : i32
      %run_scoped3A_172 = arith.constant 1 : i32
      "tpu.region"() ({
        %run_scoped3A_767 = tpu.sem_alloc : memref<!tpu.dma_semaphore, #tpu.memory_space<semaphore_mem>>
        %dma_start3A_768 = arith.constant 0 : i32
        %dma_start3A_769 = arith.constant 0 : i32
        %dma_start3A_770 = tpu.memref_slice %arg11[%run_scoped3A_170, %dma_start3A_768, %dma_start3A_769] : memref<2x128x128xf32, #tpu.memory_space<vmem>> -> memref<1x128x128xf32, #tpu.memory_space<vmem>>
        %dma_start3A_771 = tpu.memref_squeeze %dma_start3A_770 : memref<1x128x128xf32, #tpu.memory_space<vmem>> -> memref<128x128xf32, #tpu.memory_space<vmem>>
        %dma_start3A_772 = arith.constant 0 : i32
        %dma_start3A_773 = tpu.memref_slice %arg10[%run_scoped3A_171, %run_scoped3A_172, %dma_start3A_772] : memref<2x8x128xi32, #tpu.memory_space<vmem>> -> memref<1x1x128xi32, #tpu.memory_space<vmem>>
        %dma_start3A_774 = tpu.memref_squeeze %dma_start3A_773 : memref<1x1x128xi32, #tpu.memory_space<vmem>> -> memref<128xi32, #tpu.memory_space<vmem>>
        %dma_start3A_775 = arith.constant 0 : i32
        %dma_start3A_776 = arith.constant 0 : i32
        %dma_start3A_777 = tpu.memref_slice %arg13[%dma_start3A_775, %dma_start3A_776] : memref<10240x128xf32, #tpu.memory_space<vmem_shared>> -> memref<10240x128xf32, #tpu.memory_space<vmem_shared>>
        tpu.enqueue_indirect_dma source(%dma_start3A_771 : memref<128x128xf32, #tpu.memory_space<vmem>>) target(%dma_start3A_777 : memref<10240x128xf32, #tpu.memory_space<vmem_shared>>) offsets(%dma_start3A_774 : memref<128xi32, #tpu.memory_space<vmem>>) semaphore(%run_scoped3A_767 : memref<!tpu.dma_semaphore, #tpu.memory_space<semaphore_mem>>) {add = true}
        %dma_wait3A_778 = arith.constant 0 : i32
        %dma_wait3A_779 = arith.constant 0 : i32
        %dma_wait3A_780 = tpu.memref_slice %arg11[%run_scoped3A_170, %dma_wait3A_778, %dma_wait3A_779] : memref<2x128x128xf32, #tpu.memory_space<vmem>> -> memref<1x128x128xf32, #tpu.memory_space<vmem>>
        %dma_wait3A_781 = tpu.memref_squeeze %dma_wait3A_780 : memref<1x128x128xf32, #tpu.memory_space<vmem>> -> memref<128x128xf32, #tpu.memory_space<vmem>>
        %dma_wait3A_782 = arith.constant 0 : i32
        %dma_wait3A_783 = tpu.memref_slice %arg10[%run_scoped3A_171, %run_scoped3A_172, %dma_wait3A_782] : memref<2x8x128xi32, #tpu.memory_space<vmem>> -> memref<1x1x128xi32, #tpu.memory_space<vmem>>
        %dma_wait3A_784 = tpu.memref_squeeze %dma_wait3A_783 : memref<1x1x128xi32, #tpu.memory_space<vmem>> -> memref<128xi32, #tpu.memory_space<vmem>>
        %dma_wait3A_785 = arith.constant 0 : i32
        %dma_wait3A_786 = arith.constant 0 : i32
        %dma_wait3A_787 = tpu.memref_slice %arg13[%dma_wait3A_785, %dma_wait3A_786] : memref<10240x128xf32, #tpu.memory_space<vmem_shared>> -> memref<10240x128xf32, #tpu.memory_space<vmem_shared>>
        tpu.wait_indirect_dma semaphore(%run_scoped3A_767 : memref<!tpu.dma_semaphore, #tpu.memory_space<semaphore_mem>>) src(%dma_wait3A_781 : memref<128x128xf32, #tpu.memory_space<vmem>>) dst(%dma_wait3A_787 : memref<10240x128xf32, #tpu.memory_space<vmem_shared>>)
        tpu.yield
      }) : () -> ()
      %dma_start3A_173 = arith.constant 0 : i32
      %dma_start3A_174 = arith.constant 3 : i32
      %dma_start3A_175 = arith.constant 1 : i32
      %dma_start3A_176 = arith.constant 0 : i32
      %dma_start3A_177 = arith.constant 0 : i32
      %dma_start3A_178 = tpu.memref_slice %arg11[%dma_start3A_175, %dma_start3A_176, %dma_start3A_177] : memref<2x128x128xf32, #tpu.memory_space<vmem>> -> memref<1x128x128xf32, #tpu.memory_space<vmem>>
      %dma_start3A_179 = tpu.memref_squeeze %dma_start3A_178 : memref<1x128x128xf32, #tpu.memory_space<vmem>> -> memref<128x128xf32, #tpu.memory_space<vmem>>
      %dma_start3A_180 = arith.constant 0 : i32
      %dma_start3A_181 = tpu.memref_slice %arg9[%dma_start3A_173, %dma_start3A_174, %dma_start3A_180] : memref<2x8x128xi32, #tpu.memory_space<vmem>> -> memref<1x1x128xi32, #tpu.memory_space<vmem>>
      %dma_start3A_182 = tpu.memref_squeeze %dma_start3A_181 : memref<1x1x128xi32, #tpu.memory_space<vmem>> -> memref<128xi32, #tpu.memory_space<vmem>>
      %dma_start3A_183 = arith.constant 0 : i32
      %dma_start3A_184 = arith.constant 0 : i32
      %dma_start3A_185 = tpu.memref_slice %arg2[%arg0, %dma_start3A_183, %dma_start3A_184] : memref<2x10000x128xf32, #tpu.memory_space<hbm>> -> memref<1x10000x128xf32, #tpu.memory_space<hbm>>
      %dma_start3A_186 = tpu.memref_squeeze %dma_start3A_185 : memref<1x10000x128xf32, #tpu.memory_space<hbm>> -> memref<10000x128xf32, #tpu.memory_space<hbm>>
      %dma_start3A_187 = arith.constant 0 : i32
      %dma_start3A_188 = arith.constant 0 : i32
      %dma_start3A_189 = tpu.memref_slice %dma_start3A_186[%dma_start3A_187, %dma_start3A_188] : memref<10000x128xf32, #tpu.memory_space<hbm>> -> memref<10000x128xf32, #tpu.memory_space<hbm>>
      tpu.enqueue_indirect_dma source(%dma_start3A_189 : memref<10000x128xf32, #tpu.memory_space<hbm>>) target(%dma_start3A_179 : memref<128x128xf32, #tpu.memory_space<vmem>>) offsets(%dma_start3A_182 : memref<128xi32, #tpu.memory_space<vmem>>) semaphore(%arg15 : memref<!tpu.dma_semaphore, #tpu.memory_space<semaphore_mem>>)
      %eq3A_190 = arith.constant 0 : i32
      %eq3A_191 = arith.cmpi eq, %arg0, %eq3A_190 : i32
      %convert_element_type3A_192 = arith.extui %eq3A_191 : i1 to i32
      %cond3A_193 = arith.constant 0 : i32
      %cond3A_194 = arith.cmpi ne, %convert_element_type3A_192, %cond3A_193 : i32
      scf.if %cond3A_194 {
        %get3A = arith.constant 0 : i32
        %get3A_767 = arith.constant 1 : i32
        %get3A_768 = arith.index_cast %get3A : i32 to index
        %get3A_769 = arith.index_cast %get3A_767 : i32 to index
        %get3A_770 = arith.constant 0 : index
        %get3A_771 = tpu.vector_load %arg10[%get3A_768, %get3A_769, %get3A_770] {strides = array<i32>} : memref<2x8x128xi32, #tpu.memory_space<vmem>>, vector<16xi32>,
        tpu.vector_store_idx %arg12[%get3A_771], %broadcast_in_dim3A_67 {add = true} : memref<10240xf32, #tpu.memory_space<vmem>>[vector<16xi32>], vector<16xf32>,
        %get3A_772 = arith.constant 0 : i32
        %get3A_773 = arith.constant 1 : i32
        %get3A_774 = arith.index_cast %get3A_772 : i32 to index
        %get3A_775 = arith.index_cast %get3A_773 : i32 to index
        %get3A_776 = arith.constant 16 : index
        %get3A_777 = tpu.vector_load %arg10[%get3A_774, %get3A_775, %get3A_776] {strides = array<i32>} : memref<2x8x128xi32, #tpu.memory_space<vmem>>, vector<16xi32>,
        tpu.vector_store_idx %arg12[%get3A_777], %broadcast_in_dim3A_67 {add = true} : memref<10240xf32, #tpu.memory_space<vmem>>[vector<16xi32>], vector<16xf32>,
        %get3A_778 = arith.constant 0 : i32
        %get3A_779 = arith.constant 1 : i32
        %get3A_780 = arith.index_cast %get3A_778 : i32 to index
        %get3A_781 = arith.index_cast %get3A_779 : i32 to index
        %get3A_782 = arith.constant 32 : index
        %get3A_783 = tpu.vector_load %arg10[%get3A_780, %get3A_781, %get3A_782] {strides = array<i32>} : memref<2x8x128xi32, #tpu.memory_space<vmem>>, vector<16xi32>,
        tpu.vector_store_idx %arg12[%get3A_783], %broadcast_in_dim3A_67 {add = true} : memref<10240xf32, #tpu.memory_space<vmem>>[vector<16xi32>], vector<16xf32>,
        %get3A_784 = arith.constant 0 : i32
        %get3A_785 = arith.constant 1 : i32
        %get3A_786 = arith.index_cast %get3A_784 : i32 to index
        %get3A_787 = arith.index_cast %get3A_785 : i32 to index
        %get3A_788 = arith.constant 48 : index
        %get3A_789 = tpu.vector_load %arg10[%get3A_786, %get3A_787, %get3A_788] {strides = array<i32>} : memref<2x8x128xi32, #tpu.memory_space<vmem>>, vector<16xi32>,
        tpu.vector_store_idx %arg12[%get3A_789], %broadcast_in_dim3A_67 {add = true} : memref<10240xf32, #tpu.memory_space<vmem>>[vector<16xi32>], vector<16xf32>,
        %get3A_790 = arith.constant 0 : i32
        %get3A_791 = arith.constant 1 : i32
        %get3A_792 = arith.index_cast %get3A_790 : i32 to index
        %get3A_793 = arith.index_cast %get3A_791 : i32 to index
        %get3A_794 = arith.constant 64 : index
        %get3A_795 = tpu.vector_load %arg10[%get3A_792, %get3A_793, %get3A_794] {strides = array<i32>} : memref<2x8x128xi32, #tpu.memory_space<vmem>>, vector<16xi32>,
        tpu.vector_store_idx %arg12[%get3A_795], %broadcast_in_dim3A_67 {add = true} : memref<10240xf32, #tpu.memory_space<vmem>>[vector<16xi32>], vector<16xf32>,
        %get3A_796 = arith.constant 0 : i32
        %get3A_797 = arith.constant 1 : i32
        %get3A_798 = arith.index_cast %get3A_796 : i32 to index
        %get3A_799 = arith.index_cast %get3A_797 : i32 to index
        %get3A_800 = arith.constant 80 : index
        %get3A_801 = tpu.vector_load %arg10[%get3A_798, %get3A_799, %get3A_800] {strides = array<i32>} : memref<2x8x128xi32, #tpu.memory_space<vmem>>, vector<16xi32>,
        tpu.vector_store_idx %arg12[%get3A_801], %broadcast_in_dim3A_67 {add = true} : memref<10240xf32, #tpu.memory_space<vmem>>[vector<16xi32>], vector<16xf32>,
        %get3A_802 = arith.constant 0 : i32
        %get3A_803 = arith.constant 1 : i32
        %get3A_804 = arith.index_cast %get3A_802 : i32 to index
        %get3A_805 = arith.index_cast %get3A_803 : i32 to index
        %get3A_806 = arith.constant 96 : index
        %get3A_807 = tpu.vector_load %arg10[%get3A_804, %get3A_805, %get3A_806] {strides = array<i32>} : memref<2x8x128xi32, #tpu.memory_space<vmem>>, vector<16xi32>,
        tpu.vector_store_idx %arg12[%get3A_807], %broadcast_in_dim3A_67 {add = true} : memref<10240xf32, #tpu.memory_space<vmem>>[vector<16xi32>], vector<16xf32>,
        %get3A_808 = arith.constant 0 : i32
        %get3A_809 = arith.constant 1 : i32
        %get3A_810 = arith.index_cast %get3A_808 : i32 to index
        %get3A_811 = arith.index_cast %get3A_809 : i32 to index
        %get3A_812 = arith.constant 112 : index
        %get3A_813 = tpu.vector_load %arg10[%get3A_810, %get3A_811, %get3A_812] {strides = array<i32>} : memref<2x8x128xi32, #tpu.memory_space<vmem>>, vector<16xi32>,
        tpu.vector_store_idx %arg12[%get3A_813], %broadcast_in_dim3A_67 {add = true} : memref<10240xf32, #tpu.memory_space<vmem>>[vector<16xi32>], vector<16xf32>,
      } else {
      }
      %dma_wait3A_195 = arith.constant 0 : i32
      %dma_wait3A_196 = arith.constant 0 : i32
      %dma_wait3A_197 = arith.constant 0 : i32
      %dma_wait3A_198 = arith.constant 0 : i32
      %dma_wait3A_199 = arith.constant 0 : i32
      %dma_wait3A_200 = tpu.memref_slice %arg11[%dma_wait3A_197, %dma_wait3A_198, %dma_wait3A_199] : memref<2x128x128xf32, #tpu.memory_space<vmem>> -> memref<1x128x128xf32, #tpu.memory_space<vmem>>
      %dma_wait3A_201 = tpu.memref_squeeze %dma_wait3A_200 : memref<1x128x128xf32, #tpu.memory_space<vmem>> -> memref<128x128xf32, #tpu.memory_space<vmem>>
      %dma_wait3A_202 = arith.constant 0 : i32
      %dma_wait3A_203 = tpu.memref_slice %arg9[%dma_wait3A_195, %dma_wait3A_196, %dma_wait3A_202] : memref<2x8x128xi32, #tpu.memory_space<vmem>> -> memref<1x1x128xi32, #tpu.memory_space<vmem>>
      %dma_wait3A_204 = tpu.memref_squeeze %dma_wait3A_203 : memref<1x1x128xi32, #tpu.memory_space<vmem>> -> memref<128xi32, #tpu.memory_space<vmem>>
      %dma_wait3A_205 = arith.constant 0 : i32
      %dma_wait3A_206 = arith.constant 0 : i32
      %dma_wait3A_207 = tpu.memref_slice %arg2[%arg0, %dma_wait3A_205, %dma_wait3A_206] : memref<2x10000x128xf32, #tpu.memory_space<hbm>> -> memref<1x10000x128xf32, #tpu.memory_space<hbm>>
      %dma_wait3A_208 = tpu.memref_squeeze %dma_wait3A_207 : memref<1x10000x128xf32, #tpu.memory_space<hbm>> -> memref<10000x128xf32, #tpu.memory_space<hbm>>
      %dma_wait3A_209 = arith.constant 0 : i32
      %dma_wait3A_210 = arith.constant 0 : i32
      %dma_wait3A_211 = tpu.memref_slice %dma_wait3A_208[%dma_wait3A_209, %dma_wait3A_210] : memref<10000x128xf32, #tpu.memory_space<hbm>> -> memref<10000x128xf32, #tpu.memory_space<hbm>>
      tpu.wait_indirect_dma semaphore(%arg14 : memref<!tpu.dma_semaphore, #tpu.memory_space<semaphore_mem>>) src(%dma_wait3A_211 : memref<10000x128xf32, #tpu.memory_space<hbm>>) dst(%dma_wait3A_201 : memref<128x128xf32, #tpu.memory_space<vmem>>)
      %run_scoped3A_212 = arith.constant 0 : i32
      %run_scoped3A_213 = arith.constant 0 : i32
      %run_scoped3A_214 = arith.constant 2 : i32
      "tpu.region"() ({
        %run_scoped3A_767 = tpu.sem_alloc : memref<!tpu.dma_semaphore, #tpu.memory_space<semaphore_mem>>
        %dma_start3A_768 = arith.constant 0 : i32
        %dma_start3A_769 = arith.constant 0 : i32
        %dma_start3A_770 = tpu.memref_slice %arg11[%run_scoped3A_212, %dma_start3A_768, %dma_start3A_769] : memref<2x128x128xf32, #tpu.memory_space<vmem>> -> memref<1x128x128xf32, #tpu.memory_space<vmem>>
        %dma_start3A_771 = tpu.memref_squeeze %dma_start3A_770 : memref<1x128x128xf32, #tpu.memory_space<vmem>> -> memref<128x128xf32, #tpu.memory_space<vmem>>
        %dma_start3A_772 = arith.constant 0 : i32
        %dma_start3A_773 = tpu.memref_slice %arg10[%run_scoped3A_213, %run_scoped3A_214, %dma_start3A_772] : memref<2x8x128xi32, #tpu.memory_space<vmem>> -> memref<1x1x128xi32, #tpu.memory_space<vmem>>
        %dma_start3A_774 = tpu.memref_squeeze %dma_start3A_773 : memref<1x1x128xi32, #tpu.memory_space<vmem>> -> memref<128xi32, #tpu.memory_space<vmem>>
        %dma_start3A_775 = arith.constant 0 : i32
        %dma_start3A_776 = arith.constant 0 : i32
        %dma_start3A_777 = tpu.memref_slice %arg13[%dma_start3A_775, %dma_start3A_776] : memref<10240x128xf32, #tpu.memory_space<vmem_shared>> -> memref<10240x128xf32, #tpu.memory_space<vmem_shared>>
        tpu.enqueue_indirect_dma source(%dma_start3A_771 : memref<128x128xf32, #tpu.memory_space<vmem>>) target(%dma_start3A_777 : memref<10240x128xf32, #tpu.memory_space<vmem_shared>>) offsets(%dma_start3A_774 : memref<128xi32, #tpu.memory_space<vmem>>) semaphore(%run_scoped3A_767 : memref<!tpu.dma_semaphore, #tpu.memory_space<semaphore_mem>>) {add = true}
        %dma_wait3A_778 = arith.constant 0 : i32
        %dma_wait3A_779 = arith.constant 0 : i32
        %dma_wait3A_780 = tpu.memref_slice %arg11[%run_scoped3A_212, %dma_wait3A_778, %dma_wait3A_779] : memref<2x128x128xf32, #tpu.memory_space<vmem>> -> memref<1x128x128xf32, #tpu.memory_space<vmem>>
        %dma_wait3A_781 = tpu.memref_squeeze %dma_wait3A_780 : memref<1x128x128xf32, #tpu.memory_space<vmem>> -> memref<128x128xf32, #tpu.memory_space<vmem>>
        %dma_wait3A_782 = arith.constant 0 : i32
        %dma_wait3A_783 = tpu.memref_slice %arg10[%run_scoped3A_213, %run_scoped3A_214, %dma_wait3A_782] : memref<2x8x128xi32, #tpu.memory_space<vmem>> -> memref<1x1x128xi32, #tpu.memory_space<vmem>>
        %dma_wait3A_784 = tpu.memref_squeeze %dma_wait3A_783 : memref<1x1x128xi32, #tpu.memory_space<vmem>> -> memref<128xi32, #tpu.memory_space<vmem>>
        %dma_wait3A_785 = arith.constant 0 : i32
        %dma_wait3A_786 = arith.constant 0 : i32
        %dma_wait3A_787 = tpu.memref_slice %arg13[%dma_wait3A_785, %dma_wait3A_786] : memref<10240x128xf32, #tpu.memory_space<vmem_shared>> -> memref<10240x128xf32, #tpu.memory_space<vmem_shared>>
        tpu.wait_indirect_dma semaphore(%run_scoped3A_767 : memref<!tpu.dma_semaphore, #tpu.memory_space<semaphore_mem>>) src(%dma_wait3A_781 : memref<128x128xf32, #tpu.memory_space<vmem>>) dst(%dma_wait3A_787 : memref<10240x128xf32, #tpu.memory_space<vmem_shared>>)
        tpu.yield
      }) : () -> ()
      %dma_start3A_215 = arith.constant 0 : i32
      %dma_start3A_216 = arith.constant 4 : i32
      %dma_start3A_217 = arith.constant 0 : i32
      %dma_start3A_218 = arith.constant 0 : i32
      %dma_start3A_219 = arith.constant 0 : i32
      %dma_start3A_220 = tpu.memref_slice %arg11[%dma_start3A_217, %dma_start3A_218, %dma_start3A_219] : memref<2x128x128xf32, #tpu.memory_space<vmem>> -> memref<1x128x128xf32, #tpu.memory_space<vmem>>
      %dma_start3A_221 = tpu.memref_squeeze %dma_start3A_220 : memref<1x128x128xf32, #tpu.memory_space<vmem>> -> memref<128x128xf32, #tpu.memory_space<vmem>>
      %dma_start3A_222 = arith.constant 0 : i32
      %dma_start3A_223 = tpu.memref_slice %arg9[%dma_start3A_215, %dma_start3A_216, %dma_start3A_222] : memref<2x8x128xi32, #tpu.memory_space<vmem>> -> memref<1x1x128xi32, #tpu.memory_space<vmem>>
      %dma_start3A_224 = tpu.memref_squeeze %dma_start3A_223 : memref<1x1x128xi32, #tpu.memory_space<vmem>> -> memref<128xi32, #tpu.memory_space<vmem>>
      %dma_start3A_225 = arith.constant 0 : i32
      %dma_start3A_226 = arith.constant 0 : i32
      %dma_start3A_227 = tpu.memref_slice %arg2[%arg0, %dma_start3A_225, %dma_start3A_226] : memref<2x10000x128xf32, #tpu.memory_space<hbm>> -> memref<1x10000x128xf32, #tpu.memory_space<hbm>>
      %dma_start3A_228 = tpu.memref_squeeze %dma_start3A_227 : memref<1x10000x128xf32, #tpu.memory_space<hbm>> -> memref<10000x128xf32, #tpu.memory_space<hbm>>
      %dma_start3A_229 = arith.constant 0 : i32
      %dma_start3A_230 = arith.constant 0 : i32
      %dma_start3A_231 = tpu.memref_slice %dma_start3A_228[%dma_start3A_229, %dma_start3A_230] : memref<10000x128xf32, #tpu.memory_space<hbm>> -> memref<10000x128xf32, #tpu.memory_space<hbm>>
      tpu.enqueue_indirect_dma source(%dma_start3A_231 : memref<10000x128xf32, #tpu.memory_space<hbm>>) target(%dma_start3A_221 : memref<128x128xf32, #tpu.memory_space<vmem>>) offsets(%dma_start3A_224 : memref<128xi32, #tpu.memory_space<vmem>>) semaphore(%arg14 : memref<!tpu.dma_semaphore, #tpu.memory_space<semaphore_mem>>)
      %eq3A_232 = arith.constant 0 : i32
      %eq3A_233 = arith.cmpi eq, %arg0, %eq3A_232 : i32
      %convert_element_type3A_234 = arith.extui %eq3A_233 : i1 to i32
      %cond3A_235 = arith.constant 0 : i32
      %cond3A_236 = arith.cmpi ne, %convert_element_type3A_234, %cond3A_235 : i32
      scf.if %cond3A_236 {
        %get3A = arith.constant 0 : i32
        %get3A_767 = arith.constant 2 : i32
        %get3A_768 = arith.index_cast %get3A : i32 to index
        %get3A_769 = arith.index_cast %get3A_767 : i32 to index
        %get3A_770 = arith.constant 0 : index
        %get3A_771 = tpu.vector_load %arg10[%get3A_768, %get3A_769, %get3A_770] {strides = array<i32>} : memref<2x8x128xi32, #tpu.memory_space<vmem>>, vector<16xi32>,
        tpu.vector_store_idx %arg12[%get3A_771], %broadcast_in_dim3A_67 {add = true} : memref<10240xf32, #tpu.memory_space<vmem>>[vector<16xi32>], vector<16xf32>,
        %get3A_772 = arith.constant 0 : i32
        %get3A_773 = arith.constant 2 : i32
        %get3A_774 = arith.index_cast %get3A_772 : i32 to index
        %get3A_775 = arith.index_cast %get3A_773 : i32 to index
        %get3A_776 = arith.constant 16 : index
        %get3A_777 = tpu.vector_load %arg10[%get3A_774, %get3A_775, %get3A_776] {strides = array<i32>} : memref<2x8x128xi32, #tpu.memory_space<vmem>>, vector<16xi32>,
        tpu.vector_store_idx %arg12[%get3A_777], %broadcast_in_dim3A_67 {add = true} : memref<10240xf32, #tpu.memory_space<vmem>>[vector<16xi32>], vector<16xf32>,
        %get3A_778 = arith.constant 0 : i32
        %get3A_779 = arith.constant 2 : i32
        %get3A_780 = arith.index_cast %get3A_778 : i32 to index
        %get3A_781 = arith.index_cast %get3A_779 : i32 to index
        %get3A_782 = arith.constant 32 : index
        %get3A_783 = tpu.vector_load %arg10[%get3A_780, %get3A_781, %get3A_782] {strides = array<i32>} : memref<2x8x128xi32, #tpu.memory_space<vmem>>, vector<16xi32>,
        tpu.vector_store_idx %arg12[%get3A_783], %broadcast_in_dim3A_67 {add = true} : memref<10240xf32, #tpu.memory_space<vmem>>[vector<16xi32>], vector<16xf32>,
        %get3A_784 = arith.constant 0 : i32
        %get3A_785 = arith.constant 2 : i32
        %get3A_786 = arith.index_cast %get3A_784 : i32 to index
        %get3A_787 = arith.index_cast %get3A_785 : i32 to index
        %get3A_788 = arith.constant 48 : index
        %get3A_789 = tpu.vector_load %arg10[%get3A_786, %get3A_787, %get3A_788] {strides = array<i32>} : memref<2x8x128xi32, #tpu.memory_space<vmem>>, vector<16xi32>,
        tpu.vector_store_idx %arg12[%get3A_789], %broadcast_in_dim3A_67 {add = true} : memref<10240xf32, #tpu.memory_space<vmem>>[vector<16xi32>], vector<16xf32>,
        %get3A_790 = arith.constant 0 : i32
        %get3A_791 = arith.constant 2 : i32
        %get3A_792 = arith.index_cast %get3A_790 : i32 to index
        %get3A_793 = arith.index_cast %get3A_791 : i32 to index
        %get3A_794 = arith.constant 64 : index
        %get3A_795 = tpu.vector_load %arg10[%get3A_792, %get3A_793, %get3A_794] {strides = array<i32>} : memref<2x8x128xi32, #tpu.memory_space<vmem>>, vector<16xi32>,
        tpu.vector_store_idx %arg12[%get3A_795], %broadcast_in_dim3A_67 {add = true} : memref<10240xf32, #tpu.memory_space<vmem>>[vector<16xi32>], vector<16xf32>,
        %get3A_796 = arith.constant 0 : i32
        %get3A_797 = arith.constant 2 : i32
        %get3A_798 = arith.index_cast %get3A_796 : i32 to index
        %get3A_799 = arith.index_cast %get3A_797 : i32 to index
        %get3A_800 = arith.constant 80 : index
        %get3A_801 = tpu.vector_load %arg10[%get3A_798, %get3A_799, %get3A_800] {strides = array<i32>} : memref<2x8x128xi32, #tpu.memory_space<vmem>>, vector<16xi32>,
        tpu.vector_store_idx %arg12[%get3A_801], %broadcast_in_dim3A_67 {add = true} : memref<10240xf32, #tpu.memory_space<vmem>>[vector<16xi32>], vector<16xf32>,
        %get3A_802 = arith.constant 0 : i32
        %get3A_803 = arith.constant 2 : i32
        %get3A_804 = arith.index_cast %get3A_802 : i32 to index
        %get3A_805 = arith.index_cast %get3A_803 : i32 to index
        %get3A_806 = arith.constant 96 : index
        %get3A_807 = tpu.vector_load %arg10[%get3A_804, %get3A_805, %get3A_806] {strides = array<i32>} : memref<2x8x128xi32, #tpu.memory_space<vmem>>, vector<16xi32>,
        tpu.vector_store_idx %arg12[%get3A_807], %broadcast_in_dim3A_67 {add = true} : memref<10240xf32, #tpu.memory_space<vmem>>[vector<16xi32>], vector<16xf32>,
        %get3A_808 = arith.constant 0 : i32
        %get3A_809 = arith.constant 2 : i32
        %get3A_810 = arith.index_cast %get3A_808 : i32 to index
        %get3A_811 = arith.index_cast %get3A_809 : i32 to index
        %get3A_812 = arith.constant 112 : index
        %get3A_813 = tpu.vector_load %arg10[%get3A_810, %get3A_811, %get3A_812] {strides = array<i32>} : memref<2x8x128xi32, #tpu.memory_space<vmem>>, vector<16xi32>,
        tpu.vector_store_idx %arg12[%get3A_813], %broadcast_in_dim3A_67 {add = true} : memref<10240xf32, #tpu.memory_space<vmem>>[vector<16xi32>], vector<16xf32>,
      } else {
      }
      %dma_wait3A_237 = arith.constant 0 : i32
      %dma_wait3A_238 = arith.constant 0 : i32
      %dma_wait3A_239 = arith.constant 1 : i32
      %dma_wait3A_240 = arith.constant 0 : i32
      %dma_wait3A_241 = arith.constant 0 : i32
      %dma_wait3A_242 = tpu.memref_slice %arg11[%dma_wait3A_239, %dma_wait3A_240, %dma_wait3A_241] : memref<2x128x128xf32, #tpu.memory_space<vmem>> -> memref<1x128x128xf32, #tpu.memory_space<vmem>>
      %dma_wait3A_243 = tpu.memref_squeeze %dma_wait3A_242 : memref<1x128x128xf32, #tpu.memory_space<vmem>> -> memref<128x128xf32, #tpu.memory_space<vmem>>
      %dma_wait3A_244 = arith.constant 0 : i32
      %dma_wait3A_245 = tpu.memref_slice %arg9[%dma_wait3A_237, %dma_wait3A_238, %dma_wait3A_244] : memref<2x8x128xi32, #tpu.memory_space<vmem>> -> memref<1x1x128xi32, #tpu.memory_space<vmem>>
      %dma_wait3A_246 = tpu.memref_squeeze %dma_wait3A_245 : memref<1x1x128xi32, #tpu.memory_space<vmem>> -> memref<128xi32, #tpu.memory_space<vmem>>
      %dma_wait3A_247 = arith.constant 0 : i32
      %dma_wait3A_248 = arith.constant 0 : i32
      %dma_wait3A_249 = tpu.memref_slice %arg2[%arg0, %dma_wait3A_247, %dma_wait3A_248] : memref<2x10000x128xf32, #tpu.memory_space<hbm>> -> memref<1x10000x128xf32, #tpu.memory_space<hbm>>
      %dma_wait3A_250 = tpu.memref_squeeze %dma_wait3A_249 : memref<1x10000x128xf32, #tpu.memory_space<hbm>> -> memref<10000x128xf32, #tpu.memory_space<hbm>>
      %dma_wait3A_251 = arith.constant 0 : i32
      %dma_wait3A_252 = arith.constant 0 : i32
      %dma_wait3A_253 = tpu.memref_slice %dma_wait3A_250[%dma_wait3A_251, %dma_wait3A_252] : memref<10000x128xf32, #tpu.memory_space<hbm>> -> memref<10000x128xf32, #tpu.memory_space<hbm>>
      tpu.wait_indirect_dma semaphore(%arg15 : memref<!tpu.dma_semaphore, #tpu.memory_space<semaphore_mem>>) src(%dma_wait3A_253 : memref<10000x128xf32, #tpu.memory_space<hbm>>) dst(%dma_wait3A_243 : memref<128x128xf32, #tpu.memory_space<vmem>>)
      %run_scoped3A_254 = arith.constant 1 : i32
      %run_scoped3A_255 = arith.constant 0 : i32
      %run_scoped3A_256 = arith.constant 3 : i32
      "tpu.region"() ({
        %run_scoped3A_767 = tpu.sem_alloc : memref<!tpu.dma_semaphore, #tpu.memory_space<semaphore_mem>>
        %dma_start3A_768 = arith.constant 0 : i32
        %dma_start3A_769 = arith.constant 0 : i32
        %dma_start3A_770 = tpu.memref_slice %arg11[%run_scoped3A_254, %dma_start3A_768, %dma_start3A_769] : memref<2x128x128xf32, #tpu.memory_space<vmem>> -> memref<1x128x128xf32, #tpu.memory_space<vmem>>
        %dma_start3A_771 = tpu.memref_squeeze %dma_start3A_770 : memref<1x128x128xf32, #tpu.memory_space<vmem>> -> memref<128x128xf32, #tpu.memory_space<vmem>>
        %dma_start3A_772 = arith.constant 0 : i32
        %dma_start3A_773 = tpu.memref_slice %arg10[%run_scoped3A_255, %run_scoped3A_256, %dma_start3A_772] : memref<2x8x128xi32, #tpu.memory_space<vmem>> -> memref<1x1x128xi32, #tpu.memory_space<vmem>>
        %dma_start3A_774 = tpu.memref_squeeze %dma_start3A_773 : memref<1x1x128xi32, #tpu.memory_space<vmem>> -> memref<128xi32, #tpu.memory_space<vmem>>
        %dma_start3A_775 = arith.constant 0 : i32
        %dma_start3A_776 = arith.constant 0 : i32
        %dma_start3A_777 = tpu.memref_slice %arg13[%dma_start3A_775, %dma_start3A_776] : memref<10240x128xf32, #tpu.memory_space<vmem_shared>> -> memref<10240x128xf32, #tpu.memory_space<vmem_shared>>
        tpu.enqueue_indirect_dma source(%dma_start3A_771 : memref<128x128xf32, #tpu.memory_space<vmem>>) target(%dma_start3A_777 : memref<10240x128xf32, #tpu.memory_space<vmem_shared>>) offsets(%dma_start3A_774 : memref<128xi32, #tpu.memory_space<vmem>>) semaphore(%run_scoped3A_767 : memref<!tpu.dma_semaphore, #tpu.memory_space<semaphore_mem>>) {add = true}
        %dma_wait3A_778 = arith.constant 0 : i32
        %dma_wait3A_779 = arith.constant 0 : i32
        %dma_wait3A_780 = tpu.memref_slice %arg11[%run_scoped3A_254, %dma_wait3A_778, %dma_wait3A_779] : memref<2x128x128xf32, #tpu.memory_space<vmem>> -> memref<1x128x128xf32, #tpu.memory_space<vmem>>
        %dma_wait3A_781 = tpu.memref_squeeze %dma_wait3A_780 : memref<1x128x128xf32, #tpu.memory_space<vmem>> -> memref<128x128xf32, #tpu.memory_space<vmem>>
        %dma_wait3A_782 = arith.constant 0 : i32
        %dma_wait3A_783 = tpu.memref_slice %arg10[%run_scoped3A_255, %run_scoped3A_256, %dma_wait3A_782] : memref<2x8x128xi32, #tpu.memory_space<vmem>> -> memref<1x1x128xi32, #tpu.memory_space<vmem>>
        %dma_wait3A_784 = tpu.memref_squeeze %dma_wait3A_783 : memref<1x1x128xi32, #tpu.memory_space<vmem>> -> memref<128xi32, #tpu.memory_space<vmem>>
        %dma_wait3A_785 = arith.constant 0 : i32
        %dma_wait3A_786 = arith.constant 0 : i32
        %dma_wait3A_787 = tpu.memref_slice %arg13[%dma_wait3A_785, %dma_wait3A_786] : memref<10240x128xf32, #tpu.memory_space<vmem_shared>> -> memref<10240x128xf32, #tpu.memory_space<vmem_shared>>
        tpu.wait_indirect_dma semaphore(%run_scoped3A_767 : memref<!tpu.dma_semaphore, #tpu.memory_space<semaphore_mem>>) src(%dma_wait3A_781 : memref<128x128xf32, #tpu.memory_space<vmem>>) dst(%dma_wait3A_787 : memref<10240x128xf32, #tpu.memory_space<vmem_shared>>)
        tpu.yield
      }) : () -> ()
      %dma_start3A_257 = arith.constant 0 : i32
      %dma_start3A_258 = arith.constant 5 : i32
      %dma_start3A_259 = arith.constant 1 : i32
      %dma_start3A_260 = arith.constant 0 : i32
      %dma_start3A_261 = arith.constant 0 : i32
      %dma_start3A_262 = tpu.memref_slice %arg11[%dma_start3A_259, %dma_start3A_260, %dma_start3A_261] : memref<2x128x128xf32, #tpu.memory_space<vmem>> -> memref<1x128x128xf32, #tpu.memory_space<vmem>>
      %dma_start3A_263 = tpu.memref_squeeze %dma_start3A_262 : memref<1x128x128xf32, #tpu.memory_space<vmem>> -> memref<128x128xf32, #tpu.memory_space<vmem>>
      %dma_start3A_264 = arith.constant 0 : i32
      %dma_start3A_265 = tpu.memref_slice %arg9[%dma_start3A_257, %dma_start3A_258, %dma_start3A_264] : memref<2x8x128xi32, #tpu.memory_space<vmem>> -> memref<1x1x128xi32, #tpu.memory_space<vmem>>
      %dma_start3A_266 = tpu.memref_squeeze %dma_start3A_265 : memref<1x1x128xi32, #tpu.memory_space<vmem>> -> memref<128xi32, #tpu.memory_space<vmem>>
      %dma_start3A_267 = arith.constant 0 : i32
      %dma_start3A_268 = arith.constant 0 : i32
      %dma_start3A_269 = tpu.memref_slice %arg2[%arg0, %dma_start3A_267, %dma_start3A_268] : memref<2x10000x128xf32, #tpu.memory_space<hbm>> -> memref<1x10000x128xf32, #tpu.memory_space<hbm>>
      %dma_start3A_270 = tpu.memref_squeeze %dma_start3A_269 : memref<1x10000x128xf32, #tpu.memory_space<hbm>> -> memref<10000x128xf32, #tpu.memory_space<hbm>>
      %dma_start3A_271 = arith.constant 0 : i32
      %dma_start3A_272 = arith.constant 0 : i32
      %dma_start3A_273 = tpu.memref_slice %dma_start3A_270[%dma_start3A_271, %dma_start3A_272] : memref<10000x128xf32, #tpu.memory_space<hbm>> -> memref<10000x128xf32, #tpu.memory_space<hbm>>
      tpu.enqueue_indirect_dma source(%dma_start3A_273 : memref<10000x128xf32, #tpu.memory_space<hbm>>) target(%dma_start3A_263 : memref<128x128xf32, #tpu.memory_space<vmem>>) offsets(%dma_start3A_266 : memref<128xi32, #tpu.memory_space<vmem>>) semaphore(%arg15 : memref<!tpu.dma_semaphore, #tpu.memory_space<semaphore_mem>>)
      %eq3A_274 = arith.constant 0 : i32
      %eq3A_275 = arith.cmpi eq, %arg0, %eq3A_274 : i32
      %convert_element_type3A_276 = arith.extui %eq3A_275 : i1 to i32
      %cond3A_277 = arith.constant 0 : i32
      %cond3A_278 = arith.cmpi ne, %convert_element_type3A_276, %cond3A_277 : i32
      scf.if %cond3A_278 {
        %get3A = arith.constant 0 : i32
        %get3A_767 = arith.constant 3 : i32
        %get3A_768 = arith.index_cast %get3A : i32 to index
        %get3A_769 = arith.index_cast %get3A_767 : i32 to index
        %get3A_770 = arith.constant 0 : index
        %get3A_771 = tpu.vector_load %arg10[%get3A_768, %get3A_769, %get3A_770] {strides = array<i32>} : memref<2x8x128xi32, #tpu.memory_space<vmem>>, vector<16xi32>,
        tpu.vector_store_idx %arg12[%get3A_771], %broadcast_in_dim3A_67 {add = true} : memref<10240xf32, #tpu.memory_space<vmem>>[vector<16xi32>], vector<16xf32>,
        %get3A_772 = arith.constant 0 : i32
        %get3A_773 = arith.constant 3 : i32
        %get3A_774 = arith.index_cast %get3A_772 : i32 to index
        %get3A_775 = arith.index_cast %get3A_773 : i32 to index
        %get3A_776 = arith.constant 16 : index
        %get3A_777 = tpu.vector_load %arg10[%get3A_774, %get3A_775, %get3A_776] {strides = array<i32>} : memref<2x8x128xi32, #tpu.memory_space<vmem>>, vector<16xi32>,
        tpu.vector_store_idx %arg12[%get3A_777], %broadcast_in_dim3A_67 {add = true} : memref<10240xf32, #tpu.memory_space<vmem>>[vector<16xi32>], vector<16xf32>,
        %get3A_778 = arith.constant 0 : i32
        %get3A_779 = arith.constant 3 : i32
        %get3A_780 = arith.index_cast %get3A_778 : i32 to index
        %get3A_781 = arith.index_cast %get3A_779 : i32 to index
        %get3A_782 = arith.constant 32 : index
        %get3A_783 = tpu.vector_load %arg10[%get3A_780, %get3A_781, %get3A_782] {strides = array<i32>} : memref<2x8x128xi32, #tpu.memory_space<vmem>>, vector<16xi32>,
        tpu.vector_store_idx %arg12[%get3A_783], %broadcast_in_dim3A_67 {add = true} : memref<10240xf32, #tpu.memory_space<vmem>>[vector<16xi32>], vector<16xf32>,
        %get3A_784 = arith.constant 0 : i32
        %get3A_785 = arith.constant 3 : i32
        %get3A_786 = arith.index_cast %get3A_784 : i32 to index
        %get3A_787 = arith.index_cast %get3A_785 : i32 to index
        %get3A_788 = arith.constant 48 : index
        %get3A_789 = tpu.vector_load %arg10[%get3A_786, %get3A_787, %get3A_788] {strides = array<i32>} : memref<2x8x128xi32, #tpu.memory_space<vmem>>, vector<16xi32>,
        tpu.vector_store_idx %arg12[%get3A_789], %broadcast_in_dim3A_67 {add = true} : memref<10240xf32, #tpu.memory_space<vmem>>[vector<16xi32>], vector<16xf32>,
        %get3A_790 = arith.constant 0 : i32
        %get3A_791 = arith.constant 3 : i32
        %get3A_792 = arith.index_cast %get3A_790 : i32 to index
        %get3A_793 = arith.index_cast %get3A_791 : i32 to index
        %get3A_794 = arith.constant 64 : index
        %get3A_795 = tpu.vector_load %arg10[%get3A_792, %get3A_793, %get3A_794] {strides = array<i32>} : memref<2x8x128xi32, #tpu.memory_space<vmem>>, vector<16xi32>,
        tpu.vector_store_idx %arg12[%get3A_795], %broadcast_in_dim3A_67 {add = true} : memref<10240xf32, #tpu.memory_space<vmem>>[vector<16xi32>], vector<16xf32>,
        %get3A_796 = arith.constant 0 : i32
        %get3A_797 = arith.constant 3 : i32
        %get3A_798 = arith.index_cast %get3A_796 : i32 to index
        %get3A_799 = arith.index_cast %get3A_797 : i32 to index
        %get3A_800 = arith.constant 80 : index
        %get3A_801 = tpu.vector_load %arg10[%get3A_798, %get3A_799, %get3A_800] {strides = array<i32>} : memref<2x8x128xi32, #tpu.memory_space<vmem>>, vector<16xi32>,
        tpu.vector_store_idx %arg12[%get3A_801], %broadcast_in_dim3A_67 {add = true} : memref<10240xf32, #tpu.memory_space<vmem>>[vector<16xi32>], vector<16xf32>,
        %get3A_802 = arith.constant 0 : i32
        %get3A_803 = arith.constant 3 : i32
        %get3A_804 = arith.index_cast %get3A_802 : i32 to index
        %get3A_805 = arith.index_cast %get3A_803 : i32 to index
        %get3A_806 = arith.constant 96 : index
        %get3A_807 = tpu.vector_load %arg10[%get3A_804, %get3A_805, %get3A_806] {strides = array<i32>} : memref<2x8x128xi32, #tpu.memory_space<vmem>>, vector<16xi32>,
        tpu.vector_store_idx %arg12[%get3A_807], %broadcast_in_dim3A_67 {add = true} : memref<10240xf32, #tpu.memory_space<vmem>>[vector<16xi32>], vector<16xf32>,
        %get3A_808 = arith.constant 0 : i32
        %get3A_809 = arith.constant 3 : i32
        %get3A_810 = arith.index_cast %get3A_808 : i32 to index
        %get3A_811 = arith.index_cast %get3A_809 : i32 to index
        %get3A_812 = arith.constant 112 : index
        %get3A_813 = tpu.vector_load %arg10[%get3A_810, %get3A_811, %get3A_812] {strides = array<i32>} : memref<2x8x128xi32, #tpu.memory_space<vmem>>, vector<16xi32>,
        tpu.vector_store_idx %arg12[%get3A_813], %broadcast_in_dim3A_67 {add = true} : memref<10240xf32, #tpu.memory_space<vmem>>[vector<16xi32>], vector<16xf32>,
      } else {
      }
      %dma_wait3A_279 = arith.constant 0 : i32
      %dma_wait3A_280 = arith.constant 0 : i32
      %dma_wait3A_281 = arith.constant 0 : i32
      %dma_wait3A_282 = arith.constant 0 : i32
      %dma_wait3A_283 = arith.constant 0 : i32
      %dma_wait3A_284 = tpu.memref_slice %arg11[%dma_wait3A_281, %dma_wait3A_282, %dma_wait3A_283] : memref<2x128x128xf32, #tpu.memory_space<vmem>> -> memref<1x128x128xf32, #tpu.memory_space<vmem>>
      %dma_wait3A_285 = tpu.memref_squeeze %dma_wait3A_284 : memref<1x128x128xf32, #tpu.memory_space<vmem>> -> memref<128x128xf32, #tpu.memory_space<vmem>>
      %dma_wait3A_286 = arith.constant 0 : i32
      %dma_wait3A_287 = tpu.memref_slice %arg9[%dma_wait3A_279, %dma_wait3A_280, %dma_wait3A_286] : memref<2x8x128xi32, #tpu.memory_space<vmem>> -> memref<1x1x128xi32, #tpu.memory_space<vmem>>
      %dma_wait3A_288 = tpu.memref_squeeze %dma_wait3A_287 : memref<1x1x128xi32, #tpu.memory_space<vmem>> -> memref<128xi32, #tpu.memory_space<vmem>>
      %dma_wait3A_289 = arith.constant 0 : i32
      %dma_wait3A_290 = arith.constant 0 : i32
      %dma_wait3A_291 = tpu.memref_slice %arg2[%arg0, %dma_wait3A_289, %dma_wait3A_290] : memref<2x10000x128xf32, #tpu.memory_space<hbm>> -> memref<1x10000x128xf32, #tpu.memory_space<hbm>>
      %dma_wait3A_292 = tpu.memref_squeeze %dma_wait3A_291 : memref<1x10000x128xf32, #tpu.memory_space<hbm>> -> memref<10000x128xf32, #tpu.memory_space<hbm>>
      %dma_wait3A_293 = arith.constant 0 : i32
      %dma_wait3A_294 = arith.constant 0 : i32
      %dma_wait3A_295 = tpu.memref_slice %dma_wait3A_292[%dma_wait3A_293, %dma_wait3A_294] : memref<10000x128xf32, #tpu.memory_space<hbm>> -> memref<10000x128xf32, #tpu.memory_space<hbm>>
      tpu.wait_indirect_dma semaphore(%arg14 : memref<!tpu.dma_semaphore, #tpu.memory_space<semaphore_mem>>) src(%dma_wait3A_295 : memref<10000x128xf32, #tpu.memory_space<hbm>>) dst(%dma_wait3A_285 : memref<128x128xf32, #tpu.memory_space<vmem>>)
      %run_scoped3A_296 = arith.constant 0 : i32
      %run_scoped3A_297 = arith.constant 0 : i32
      %run_scoped3A_298 = arith.constant 4 : i32
      "tpu.region"() ({
        %run_scoped3A_767 = tpu.sem_alloc : memref<!tpu.dma_semaphore, #tpu.memory_space<semaphore_mem>>
        %dma_start3A_768 = arith.constant 0 : i32
        %dma_start3A_769 = arith.constant 0 : i32
        %dma_start3A_770 = tpu.memref_slice %arg11[%run_scoped3A_296, %dma_start3A_768, %dma_start3A_769] : memref<2x128x128xf32, #tpu.memory_space<vmem>> -> memref<1x128x128xf32, #tpu.memory_space<vmem>>
        %dma_start3A_771 = tpu.memref_squeeze %dma_start3A_770 : memref<1x128x128xf32, #tpu.memory_space<vmem>> -> memref<128x128xf32, #tpu.memory_space<vmem>>
        %dma_start3A_772 = arith.constant 0 : i32
        %dma_start3A_773 = tpu.memref_slice %arg10[%run_scoped3A_297, %run_scoped3A_298, %dma_start3A_772] : memref<2x8x128xi32, #tpu.memory_space<vmem>> -> memref<1x1x128xi32, #tpu.memory_space<vmem>>
        %dma_start3A_774 = tpu.memref_squeeze %dma_start3A_773 : memref<1x1x128xi32, #tpu.memory_space<vmem>> -> memref<128xi32, #tpu.memory_space<vmem>>
        %dma_start3A_775 = arith.constant 0 : i32
        %dma_start3A_776 = arith.constant 0 : i32
        %dma_start3A_777 = tpu.memref_slice %arg13[%dma_start3A_775, %dma_start3A_776] : memref<10240x128xf32, #tpu.memory_space<vmem_shared>> -> memref<10240x128xf32, #tpu.memory_space<vmem_shared>>
        tpu.enqueue_indirect_dma source(%dma_start3A_771 : memref<128x128xf32, #tpu.memory_space<vmem>>) target(%dma_start3A_777 : memref<10240x128xf32, #tpu.memory_space<vmem_shared>>) offsets(%dma_start3A_774 : memref<128xi32, #tpu.memory_space<vmem>>) semaphore(%run_scoped3A_767 : memref<!tpu.dma_semaphore, #tpu.memory_space<semaphore_mem>>) {add = true}
        %dma_wait3A_778 = arith.constant 0 : i32
        %dma_wait3A_779 = arith.constant 0 : i32
        %dma_wait3A_780 = tpu.memref_slice %arg11[%run_scoped3A_296, %dma_wait3A_778, %dma_wait3A_779] : memref<2x128x128xf32, #tpu.memory_space<vmem>> -> memref<1x128x128xf32, #tpu.memory_space<vmem>>
        %dma_wait3A_781 = tpu.memref_squeeze %dma_wait3A_780 : memref<1x128x128xf32, #tpu.memory_space<vmem>> -> memref<128x128xf32, #tpu.memory_space<vmem>>
        %dma_wait3A_782 = arith.constant 0 : i32
        %dma_wait3A_783 = tpu.memref_slice %arg10[%run_scoped3A_297, %run_scoped3A_298, %dma_wait3A_782] : memref<2x8x128xi32, #tpu.memory_space<vmem>> -> memref<1x1x128xi32, #tpu.memory_space<vmem>>
        %dma_wait3A_784 = tpu.memref_squeeze %dma_wait3A_783 : memref<1x1x128xi32, #tpu.memory_space<vmem>> -> memref<128xi32, #tpu.memory_space<vmem>>
        %dma_wait3A_785 = arith.constant 0 : i32
        %dma_wait3A_786 = arith.constant 0 : i32
        %dma_wait3A_787 = tpu.memref_slice %arg13[%dma_wait3A_785, %dma_wait3A_786] : memref<10240x128xf32, #tpu.memory_space<vmem_shared>> -> memref<10240x128xf32, #tpu.memory_space<vmem_shared>>
        tpu.wait_indirect_dma semaphore(%run_scoped3A_767 : memref<!tpu.dma_semaphore, #tpu.memory_space<semaphore_mem>>) src(%dma_wait3A_781 : memref<128x128xf32, #tpu.memory_space<vmem>>) dst(%dma_wait3A_787 : memref<10240x128xf32, #tpu.memory_space<vmem_shared>>)
        tpu.yield
      }) : () -> ()
      %dma_start3A_299 = arith.constant 0 : i32
      %dma_start3A_300 = arith.constant 6 : i32
      %dma_start3A_301 = arith.constant 0 : i32
      %dma_start3A_302 = arith.constant 0 : i32
      %dma_start3A_303 = arith.constant 0 : i32
      %dma_start3A_304 = tpu.memref_slice %arg11[%dma_start3A_301, %dma_start3A_302, %dma_start3A_303] : memref<2x128x128xf32, #tpu.memory_space<vmem>> -> memref<1x128x128xf32, #tpu.memory_space<vmem>>
      %dma_start3A_305 = tpu.memref_squeeze %dma_start3A_304 : memref<1x128x128xf32, #tpu.memory_space<vmem>> -> memref<128x128xf32, #tpu.memory_space<vmem>>
      %dma_start3A_306 = arith.constant 0 : i32
      %dma_start3A_307 = tpu.memref_slice %arg9[%dma_start3A_299, %dma_start3A_300, %dma_start3A_306] : memref<2x8x128xi32, #tpu.memory_space<vmem>> -> memref<1x1x128xi32, #tpu.memory_space<vmem>>
      %dma_start3A_308 = tpu.memref_squeeze %dma_start3A_307 : memref<1x1x128xi32, #tpu.memory_space<vmem>> -> memref<128xi32, #tpu.memory_space<vmem>>
      %dma_start3A_309 = arith.constant 0 : i32
      %dma_start3A_310 = arith.constant 0 : i32
      %dma_start3A_311 = tpu.memref_slice %arg2[%arg0, %dma_start3A_309, %dma_start3A_310] : memref<2x10000x128xf32, #tpu.memory_space<hbm>> -> memref<1x10000x128xf32, #tpu.memory_space<hbm>>
      %dma_start3A_312 = tpu.memref_squeeze %dma_start3A_311 : memref<1x10000x128xf32, #tpu.memory_space<hbm>> -> memref<10000x128xf32, #tpu.memory_space<hbm>>
      %dma_start3A_313 = arith.constant 0 : i32
      %dma_start3A_314 = arith.constant 0 : i32
      %dma_start3A_315 = tpu.memref_slice %dma_start3A_312[%dma_start3A_313, %dma_start3A_314] : memref<10000x128xf32, #tpu.memory_space<hbm>> -> memref<10000x128xf32, #tpu.memory_space<hbm>>
      tpu.enqueue_indirect_dma source(%dma_start3A_315 : memref<10000x128xf32, #tpu.memory_space<hbm>>) target(%dma_start3A_305 : memref<128x128xf32, #tpu.memory_space<vmem>>) offsets(%dma_start3A_308 : memref<128xi32, #tpu.memory_space<vmem>>) semaphore(%arg14 : memref<!tpu.dma_semaphore, #tpu.memory_space<semaphore_mem>>)
      %eq3A_316 = arith.constant 0 : i32
      %eq3A_317 = arith.cmpi eq, %arg0, %eq3A_316 : i32
      %convert_element_type3A_318 = arith.extui %eq3A_317 : i1 to i32
      %cond3A_319 = arith.constant 0 : i32
      %cond3A_320 = arith.cmpi ne, %convert_element_type3A_318, %cond3A_319 : i32
      scf.if %cond3A_320 {
        %get3A = arith.constant 0 : i32
        %get3A_767 = arith.constant 4 : i32
        %get3A_768 = arith.index_cast %get3A : i32 to index
        %get3A_769 = arith.index_cast %get3A_767 : i32 to index
        %get3A_770 = arith.constant 0 : index
        %get3A_771 = tpu.vector_load %arg10[%get3A_768, %get3A_769, %get3A_770] {strides = array<i32>} : memref<2x8x128xi32, #tpu.memory_space<vmem>>, vector<16xi32>,
        tpu.vector_store_idx %arg12[%get3A_771], %broadcast_in_dim3A_67 {add = true} : memref<10240xf32, #tpu.memory_space<vmem>>[vector<16xi32>], vector<16xf32>,
        %get3A_772 = arith.constant 0 : i32
        %get3A_773 = arith.constant 4 : i32
        %get3A_774 = arith.index_cast %get3A_772 : i32 to index
        %get3A_775 = arith.index_cast %get3A_773 : i32 to index
        %get3A_776 = arith.constant 16 : index
        %get3A_777 = tpu.vector_load %arg10[%get3A_774, %get3A_775, %get3A_776] {strides = array<i32>} : memref<2x8x128xi32, #tpu.memory_space<vmem>>, vector<16xi32>,
        tpu.vector_store_idx %arg12[%get3A_777], %broadcast_in_dim3A_67 {add = true} : memref<10240xf32, #tpu.memory_space<vmem>>[vector<16xi32>], vector<16xf32>,
        %get3A_778 = arith.constant 0 : i32
        %get3A_779 = arith.constant 4 : i32
        %get3A_780 = arith.index_cast %get3A_778 : i32 to index
        %get3A_781 = arith.index_cast %get3A_779 : i32 to index
        %get3A_782 = arith.constant 32 : index
        %get3A_783 = tpu.vector_load %arg10[%get3A_780, %get3A_781, %get3A_782] {strides = array<i32>} : memref<2x8x128xi32, #tpu.memory_space<vmem>>, vector<16xi32>,
        tpu.vector_store_idx %arg12[%get3A_783], %broadcast_in_dim3A_67 {add = true} : memref<10240xf32, #tpu.memory_space<vmem>>[vector<16xi32>], vector<16xf32>,
        %get3A_784 = arith.constant 0 : i32
        %get3A_785 = arith.constant 4 : i32
        %get3A_786 = arith.index_cast %get3A_784 : i32 to index
        %get3A_787 = arith.index_cast %get3A_785 : i32 to index
        %get3A_788 = arith.constant 48 : index
        %get3A_789 = tpu.vector_load %arg10[%get3A_786, %get3A_787, %get3A_788] {strides = array<i32>} : memref<2x8x128xi32, #tpu.memory_space<vmem>>, vector<16xi32>,
        tpu.vector_store_idx %arg12[%get3A_789], %broadcast_in_dim3A_67 {add = true} : memref<10240xf32, #tpu.memory_space<vmem>>[vector<16xi32>], vector<16xf32>,
        %get3A_790 = arith.constant 0 : i32
        %get3A_791 = arith.constant 4 : i32
        %get3A_792 = arith.index_cast %get3A_790 : i32 to index
        %get3A_793 = arith.index_cast %get3A_791 : i32 to index
        %get3A_794 = arith.constant 64 : index
        %get3A_795 = tpu.vector_load %arg10[%get3A_792, %get3A_793, %get3A_794] {strides = array<i32>} : memref<2x8x128xi32, #tpu.memory_space<vmem>>, vector<16xi32>,
        tpu.vector_store_idx %arg12[%get3A_795], %broadcast_in_dim3A_67 {add = true} : memref<10240xf32, #tpu.memory_space<vmem>>[vector<16xi32>], vector<16xf32>,
        %get3A_796 = arith.constant 0 : i32
        %get3A_797 = arith.constant 4 : i32
        %get3A_798 = arith.index_cast %get3A_796 : i32 to index
        %get3A_799 = arith.index_cast %get3A_797 : i32 to index
        %get3A_800 = arith.constant 80 : index
        %get3A_801 = tpu.vector_load %arg10[%get3A_798, %get3A_799, %get3A_800] {strides = array<i32>} : memref<2x8x128xi32, #tpu.memory_space<vmem>>, vector<16xi32>,
        tpu.vector_store_idx %arg12[%get3A_801], %broadcast_in_dim3A_67 {add = true} : memref<10240xf32, #tpu.memory_space<vmem>>[vector<16xi32>], vector<16xf32>,
        %get3A_802 = arith.constant 0 : i32
        %get3A_803 = arith.constant 4 : i32
        %get3A_804 = arith.index_cast %get3A_802 : i32 to index
        %get3A_805 = arith.index_cast %get3A_803 : i32 to index
        %get3A_806 = arith.constant 96 : index
        %get3A_807 = tpu.vector_load %arg10[%get3A_804, %get3A_805, %get3A_806] {strides = array<i32>} : memref<2x8x128xi32, #tpu.memory_space<vmem>>, vector<16xi32>,
        tpu.vector_store_idx %arg12[%get3A_807], %broadcast_in_dim3A_67 {add = true} : memref<10240xf32, #tpu.memory_space<vmem>>[vector<16xi32>], vector<16xf32>,
        %get3A_808 = arith.constant 0 : i32
        %get3A_809 = arith.constant 4 : i32
        %get3A_810 = arith.index_cast %get3A_808 : i32 to index
        %get3A_811 = arith.index_cast %get3A_809 : i32 to index
        %get3A_812 = arith.constant 112 : index
        %get3A_813 = tpu.vector_load %arg10[%get3A_810, %get3A_811, %get3A_812] {strides = array<i32>} : memref<2x8x128xi32, #tpu.memory_space<vmem>>, vector<16xi32>,
        tpu.vector_store_idx %arg12[%get3A_813], %broadcast_in_dim3A_67 {add = true} : memref<10240xf32, #tpu.memory_space<vmem>>[vector<16xi32>], vector<16xf32>,
      } else {
      }
      %dma_wait3A_321 = arith.constant 0 : i32
      %dma_wait3A_322 = arith.constant 0 : i32
      %dma_wait3A_323 = arith.constant 1 : i32
      %dma_wait3A_324 = arith.constant 0 : i32
      %dma_wait3A_325 = arith.constant 0 : i32
      %dma_wait3A_326 = tpu.memref_slice %arg11[%dma_wait3A_323, %dma_wait3A_324, %dma_wait3A_325] : memref<2x128x128xf32, #tpu.memory_space<vmem>> -> memref<1x128x128xf32, #tpu.memory_space<vmem>>
      %dma_wait3A_327 = tpu.memref_squeeze %dma_wait3A_326 : memref<1x128x128xf32, #tpu.memory_space<vmem>> -> memref<128x128xf32, #tpu.memory_space<vmem>>
      %dma_wait3A_328 = arith.constant 0 : i32
      %dma_wait3A_329 = tpu.memref_slice %arg9[%dma_wait3A_321, %dma_wait3A_322, %dma_wait3A_328] : memref<2x8x128xi32, #tpu.memory_space<vmem>> -> memref<1x1x128xi32, #tpu.memory_space<vmem>>
      %dma_wait3A_330 = tpu.memref_squeeze %dma_wait3A_329 : memref<1x1x128xi32, #tpu.memory_space<vmem>> -> memref<128xi32, #tpu.memory_space<vmem>>
      %dma_wait3A_331 = arith.constant 0 : i32
      %dma_wait3A_332 = arith.constant 0 : i32
      %dma_wait3A_333 = tpu.memref_slice %arg2[%arg0, %dma_wait3A_331, %dma_wait3A_332] : memref<2x10000x128xf32, #tpu.memory_space<hbm>> -> memref<1x10000x128xf32, #tpu.memory_space<hbm>>
      %dma_wait3A_334 = tpu.memref_squeeze %dma_wait3A_333 : memref<1x10000x128xf32, #tpu.memory_space<hbm>> -> memref<10000x128xf32, #tpu.memory_space<hbm>>
      %dma_wait3A_335 = arith.constant 0 : i32
      %dma_wait3A_336 = arith.constant 0 : i32
      %dma_wait3A_337 = tpu.memref_slice %dma_wait3A_334[%dma_wait3A_335, %dma_wait3A_336] : memref<10000x128xf32, #tpu.memory_space<hbm>> -> memref<10000x128xf32, #tpu.memory_space<hbm>>
      tpu.wait_indirect_dma semaphore(%arg15 : memref<!tpu.dma_semaphore, #tpu.memory_space<semaphore_mem>>) src(%dma_wait3A_337 : memref<10000x128xf32, #tpu.memory_space<hbm>>) dst(%dma_wait3A_327 : memref<128x128xf32, #tpu.memory_space<vmem>>)
      %run_scoped3A_338 = arith.constant 1 : i32
      %run_scoped3A_339 = arith.constant 0 : i32
      %run_scoped3A_340 = arith.constant 5 : i32
      "tpu.region"() ({
        %run_scoped3A_767 = tpu.sem_alloc : memref<!tpu.dma_semaphore, #tpu.memory_space<semaphore_mem>>
        %dma_start3A_768 = arith.constant 0 : i32
        %dma_start3A_769 = arith.constant 0 : i32
        %dma_start3A_770 = tpu.memref_slice %arg11[%run_scoped3A_338, %dma_start3A_768, %dma_start3A_769] : memref<2x128x128xf32, #tpu.memory_space<vmem>> -> memref<1x128x128xf32, #tpu.memory_space<vmem>>
        %dma_start3A_771 = tpu.memref_squeeze %dma_start3A_770 : memref<1x128x128xf32, #tpu.memory_space<vmem>> -> memref<128x128xf32, #tpu.memory_space<vmem>>
        %dma_start3A_772 = arith.constant 0 : i32
        %dma_start3A_773 = tpu.memref_slice %arg10[%run_scoped3A_339, %run_scoped3A_340, %dma_start3A_772] : memref<2x8x128xi32, #tpu.memory_space<vmem>> -> memref<1x1x128xi32, #tpu.memory_space<vmem>>
        %dma_start3A_774 = tpu.memref_squeeze %dma_start3A_773 : memref<1x1x128xi32, #tpu.memory_space<vmem>> -> memref<128xi32, #tpu.memory_space<vmem>>
        %dma_start3A_775 = arith.constant 0 : i32
        %dma_start3A_776 = arith.constant 0 : i32
        %dma_start3A_777 = tpu.memref_slice %arg13[%dma_start3A_775, %dma_start3A_776] : memref<10240x128xf32, #tpu.memory_space<vmem_shared>> -> memref<10240x128xf32, #tpu.memory_space<vmem_shared>>
        tpu.enqueue_indirect_dma source(%dma_start3A_771 : memref<128x128xf32, #tpu.memory_space<vmem>>) target(%dma_start3A_777 : memref<10240x128xf32, #tpu.memory_space<vmem_shared>>) offsets(%dma_start3A_774 : memref<128xi32, #tpu.memory_space<vmem>>) semaphore(%run_scoped3A_767 : memref<!tpu.dma_semaphore, #tpu.memory_space<semaphore_mem>>) {add = true}
        %dma_wait3A_778 = arith.constant 0 : i32
        %dma_wait3A_779 = arith.constant 0 : i32
        %dma_wait3A_780 = tpu.memref_slice %arg11[%run_scoped3A_338, %dma_wait3A_778, %dma_wait3A_779] : memref<2x128x128xf32, #tpu.memory_space<vmem>> -> memref<1x128x128xf32, #tpu.memory_space<vmem>>
        %dma_wait3A_781 = tpu.memref_squeeze %dma_wait3A_780 : memref<1x128x128xf32, #tpu.memory_space<vmem>> -> memref<128x128xf32, #tpu.memory_space<vmem>>
        %dma_wait3A_782 = arith.constant 0 : i32
        %dma_wait3A_783 = tpu.memref_slice %arg10[%run_scoped3A_339, %run_scoped3A_340, %dma_wait3A_782] : memref<2x8x128xi32, #tpu.memory_space<vmem>> -> memref<1x1x128xi32, #tpu.memory_space<vmem>>
        %dma_wait3A_784 = tpu.memref_squeeze %dma_wait3A_783 : memref<1x1x128xi32, #tpu.memory_space<vmem>> -> memref<128xi32, #tpu.memory_space<vmem>>
        %dma_wait3A_785 = arith.constant 0 : i32
        %dma_wait3A_786 = arith.constant 0 : i32
        %dma_wait3A_787 = tpu.memref_slice %arg13[%dma_wait3A_785, %dma_wait3A_786] : memref<10240x128xf32, #tpu.memory_space<vmem_shared>> -> memref<10240x128xf32, #tpu.memory_space<vmem_shared>>
        tpu.wait_indirect_dma semaphore(%run_scoped3A_767 : memref<!tpu.dma_semaphore, #tpu.memory_space<semaphore_mem>>) src(%dma_wait3A_781 : memref<128x128xf32, #tpu.memory_space<vmem>>) dst(%dma_wait3A_787 : memref<10240x128xf32, #tpu.memory_space<vmem_shared>>)
        tpu.yield
      }) : () -> ()
      %dma_start3A_341 = arith.constant 0 : i32
      %dma_start3A_342 = arith.constant 7 : i32
      %dma_start3A_343 = arith.constant 1 : i32
      %dma_start3A_344 = arith.constant 0 : i32
      %dma_start3A_345 = arith.constant 0 : i32
      %dma_start3A_346 = tpu.memref_slice %arg11[%dma_start3A_343, %dma_start3A_344, %dma_start3A_345] : memref<2x128x128xf32, #tpu.memory_space<vmem>> -> memref<1x128x128xf32, #tpu.memory_space<vmem>>
      %dma_start3A_347 = tpu.memref_squeeze %dma_start3A_346 : memref<1x128x128xf32, #tpu.memory_space<vmem>> -> memref<128x128xf32, #tpu.memory_space<vmem>>
      %dma_start3A_348 = arith.constant 0 : i32
      %dma_start3A_349 = tpu.memref_slice %arg9[%dma_start3A_341, %dma_start3A_342, %dma_start3A_348] : memref<2x8x128xi32, #tpu.memory_space<vmem>> -> memref<1x1x128xi32, #tpu.memory_space<vmem>>
      %dma_start3A_350 = tpu.memref_squeeze %dma_start3A_349 : memref<1x1x128xi32, #tpu.memory_space<vmem>> -> memref<128xi32, #tpu.memory_space<vmem>>
      %dma_start3A_351 = arith.constant 0 : i32
      %dma_start3A_352 = arith.constant 0 : i32
      %dma_start3A_353 = tpu.memref_slice %arg2[%arg0, %dma_start3A_351, %dma_start3A_352] : memref<2x10000x128xf32, #tpu.memory_space<hbm>> -> memref<1x10000x128xf32, #tpu.memory_space<hbm>>
      %dma_start3A_354 = tpu.memref_squeeze %dma_start3A_353 : memref<1x10000x128xf32, #tpu.memory_space<hbm>> -> memref<10000x128xf32, #tpu.memory_space<hbm>>
      %dma_start3A_355 = arith.constant 0 : i32
      %dma_start3A_356 = arith.constant 0 : i32
      %dma_start3A_357 = tpu.memref_slice %dma_start3A_354[%dma_start3A_355, %dma_start3A_356] : memref<10000x128xf32, #tpu.memory_space<hbm>> -> memref<10000x128xf32, #tpu.memory_space<hbm>>
      tpu.enqueue_indirect_dma source(%dma_start3A_357 : memref<10000x128xf32, #tpu.memory_space<hbm>>) target(%dma_start3A_347 : memref<128x128xf32, #tpu.memory_space<vmem>>) offsets(%dma_start3A_350 : memref<128xi32, #tpu.memory_space<vmem>>) semaphore(%arg15 : memref<!tpu.dma_semaphore, #tpu.memory_space<semaphore_mem>>)
      %eq3A_358 = arith.constant 0 : i32
      %eq3A_359 = arith.cmpi eq, %arg0, %eq3A_358 : i32
      %convert_element_type3A_360 = arith.extui %eq3A_359 : i1 to i32
      %cond3A_361 = arith.constant 0 : i32
      %cond3A_362 = arith.cmpi ne, %convert_element_type3A_360, %cond3A_361 : i32
      scf.if %cond3A_362 {
        %get3A = arith.constant 0 : i32
        %get3A_767 = arith.constant 5 : i32
        %get3A_768 = arith.index_cast %get3A : i32 to index
        %get3A_769 = arith.index_cast %get3A_767 : i32 to index
        %get3A_770 = arith.constant 0 : index
        %get3A_771 = tpu.vector_load %arg10[%get3A_768, %get3A_769, %get3A_770] {strides = array<i32>} : memref<2x8x128xi32, #tpu.memory_space<vmem>>, vector<16xi32>,
        tpu.vector_store_idx %arg12[%get3A_771], %broadcast_in_dim3A_67 {add = true} : memref<10240xf32, #tpu.memory_space<vmem>>[vector<16xi32>], vector<16xf32>,
        %get3A_772 = arith.constant 0 : i32
        %get3A_773 = arith.constant 5 : i32
        %get3A_774 = arith.index_cast %get3A_772 : i32 to index
        %get3A_775 = arith.index_cast %get3A_773 : i32 to index
        %get3A_776 = arith.constant 16 : index
        %get3A_777 = tpu.vector_load %arg10[%get3A_774, %get3A_775, %get3A_776] {strides = array<i32>} : memref<2x8x128xi32, #tpu.memory_space<vmem>>, vector<16xi32>,
        tpu.vector_store_idx %arg12[%get3A_777], %broadcast_in_dim3A_67 {add = true} : memref<10240xf32, #tpu.memory_space<vmem>>[vector<16xi32>], vector<16xf32>,
        %get3A_778 = arith.constant 0 : i32
        %get3A_779 = arith.constant 5 : i32
        %get3A_780 = arith.index_cast %get3A_778 : i32 to index
        %get3A_781 = arith.index_cast %get3A_779 : i32 to index
        %get3A_782 = arith.constant 32 : index
        %get3A_783 = tpu.vector_load %arg10[%get3A_780, %get3A_781, %get3A_782] {strides = array<i32>} : memref<2x8x128xi32, #tpu.memory_space<vmem>>, vector<16xi32>,
        tpu.vector_store_idx %arg12[%get3A_783], %broadcast_in_dim3A_67 {add = true} : memref<10240xf32, #tpu.memory_space<vmem>>[vector<16xi32>], vector<16xf32>,
        %get3A_784 = arith.constant 0 : i32
        %get3A_785 = arith.constant 5 : i32
        %get3A_786 = arith.index_cast %get3A_784 : i32 to index
        %get3A_787 = arith.index_cast %get3A_785 : i32 to index
        %get3A_788 = arith.constant 48 : index
        %get3A_789 = tpu.vector_load %arg10[%get3A_786, %get3A_787, %get3A_788] {strides = array<i32>} : memref<2x8x128xi32, #tpu.memory_space<vmem>>, vector<16xi32>,
        tpu.vector_store_idx %arg12[%get3A_789], %broadcast_in_dim3A_67 {add = true} : memref<10240xf32, #tpu.memory_space<vmem>>[vector<16xi32>], vector<16xf32>,
        %get3A_790 = arith.constant 0 : i32
        %get3A_791 = arith.constant 5 : i32
        %get3A_792 = arith.index_cast %get3A_790 : i32 to index
        %get3A_793 = arith.index_cast %get3A_791 : i32 to index
        %get3A_794 = arith.constant 64 : index
        %get3A_795 = tpu.vector_load %arg10[%get3A_792, %get3A_793, %get3A_794] {strides = array<i32>} : memref<2x8x128xi32, #tpu.memory_space<vmem>>, vector<16xi32>,
        tpu.vector_store_idx %arg12[%get3A_795], %broadcast_in_dim3A_67 {add = true} : memref<10240xf32, #tpu.memory_space<vmem>>[vector<16xi32>], vector<16xf32>,
        %get3A_796 = arith.constant 0 : i32
        %get3A_797 = arith.constant 5 : i32
        %get3A_798 = arith.index_cast %get3A_796 : i32 to index
        %get3A_799 = arith.index_cast %get3A_797 : i32 to index
        %get3A_800 = arith.constant 80 : index
        %get3A_801 = tpu.vector_load %arg10[%get3A_798, %get3A_799, %get3A_800] {strides = array<i32>} : memref<2x8x128xi32, #tpu.memory_space<vmem>>, vector<16xi32>,
        tpu.vector_store_idx %arg12[%get3A_801], %broadcast_in_dim3A_67 {add = true} : memref<10240xf32, #tpu.memory_space<vmem>>[vector<16xi32>], vector<16xf32>,
        %get3A_802 = arith.constant 0 : i32
        %get3A_803 = arith.constant 5 : i32
        %get3A_804 = arith.index_cast %get3A_802 : i32 to index
        %get3A_805 = arith.index_cast %get3A_803 : i32 to index
        %get3A_806 = arith.constant 96 : index
        %get3A_807 = tpu.vector_load %arg10[%get3A_804, %get3A_805, %get3A_806] {strides = array<i32>} : memref<2x8x128xi32, #tpu.memory_space<vmem>>, vector<16xi32>,
        tpu.vector_store_idx %arg12[%get3A_807], %broadcast_in_dim3A_67 {add = true} : memref<10240xf32, #tpu.memory_space<vmem>>[vector<16xi32>], vector<16xf32>,
        %get3A_808 = arith.constant 0 : i32
        %get3A_809 = arith.constant 5 : i32
        %get3A_810 = arith.index_cast %get3A_808 : i32 to index
        %get3A_811 = arith.index_cast %get3A_809 : i32 to index
        %get3A_812 = arith.constant 112 : index
        %get3A_813 = tpu.vector_load %arg10[%get3A_810, %get3A_811, %get3A_812] {strides = array<i32>} : memref<2x8x128xi32, #tpu.memory_space<vmem>>, vector<16xi32>,
        tpu.vector_store_idx %arg12[%get3A_813], %broadcast_in_dim3A_67 {add = true} : memref<10240xf32, #tpu.memory_space<vmem>>[vector<16xi32>], vector<16xf32>,
      } else {
      }
      %dma_wait3A_363 = arith.constant 0 : i32
      %dma_wait3A_364 = arith.constant 0 : i32
      %dma_wait3A_365 = arith.constant 0 : i32
      %dma_wait3A_366 = arith.constant 0 : i32
      %dma_wait3A_367 = arith.constant 0 : i32
      %dma_wait3A_368 = tpu.memref_slice %arg11[%dma_wait3A_365, %dma_wait3A_366, %dma_wait3A_367] : memref<2x128x128xf32, #tpu.memory_space<vmem>> -> memref<1x128x128xf32, #tpu.memory_space<vmem>>
      %dma_wait3A_369 = tpu.memref_squeeze %dma_wait3A_368 : memref<1x128x128xf32, #tpu.memory_space<vmem>> -> memref<128x128xf32, #tpu.memory_space<vmem>>
      %dma_wait3A_370 = arith.constant 0 : i32
      %dma_wait3A_371 = tpu.memref_slice %arg9[%dma_wait3A_363, %dma_wait3A_364, %dma_wait3A_370] : memref<2x8x128xi32, #tpu.memory_space<vmem>> -> memref<1x1x128xi32, #tpu.memory_space<vmem>>
      %dma_wait3A_372 = tpu.memref_squeeze %dma_wait3A_371 : memref<1x1x128xi32, #tpu.memory_space<vmem>> -> memref<128xi32, #tpu.memory_space<vmem>>
      %dma_wait3A_373 = arith.constant 0 : i32
      %dma_wait3A_374 = arith.constant 0 : i32
      %dma_wait3A_375 = tpu.memref_slice %arg2[%arg0, %dma_wait3A_373, %dma_wait3A_374] : memref<2x10000x128xf32, #tpu.memory_space<hbm>> -> memref<1x10000x128xf32, #tpu.memory_space<hbm>>
      %dma_wait3A_376 = tpu.memref_squeeze %dma_wait3A_375 : memref<1x10000x128xf32, #tpu.memory_space<hbm>> -> memref<10000x128xf32, #tpu.memory_space<hbm>>
      %dma_wait3A_377 = arith.constant 0 : i32
      %dma_wait3A_378 = arith.constant 0 : i32
      %dma_wait3A_379 = tpu.memref_slice %dma_wait3A_376[%dma_wait3A_377, %dma_wait3A_378] : memref<10000x128xf32, #tpu.memory_space<hbm>> -> memref<10000x128xf32, #tpu.memory_space<hbm>>
      tpu.wait_indirect_dma semaphore(%arg14 : memref<!tpu.dma_semaphore, #tpu.memory_space<semaphore_mem>>) src(%dma_wait3A_379 : memref<10000x128xf32, #tpu.memory_space<hbm>>) dst(%dma_wait3A_369 : memref<128x128xf32, #tpu.memory_space<vmem>>)
      %run_scoped3A_380 = arith.constant 0 : i32
      %run_scoped3A_381 = arith.constant 0 : i32
      %run_scoped3A_382 = arith.constant 6 : i32
      "tpu.region"() ({
        %run_scoped3A_767 = tpu.sem_alloc : memref<!tpu.dma_semaphore, #tpu.memory_space<semaphore_mem>>
        %dma_start3A_768 = arith.constant 0 : i32
        %dma_start3A_769 = arith.constant 0 : i32
        %dma_start3A_770 = tpu.memref_slice %arg11[%run_scoped3A_380, %dma_start3A_768, %dma_start3A_769] : memref<2x128x128xf32, #tpu.memory_space<vmem>> -> memref<1x128x128xf32, #tpu.memory_space<vmem>>
        %dma_start3A_771 = tpu.memref_squeeze %dma_start3A_770 : memref<1x128x128xf32, #tpu.memory_space<vmem>> -> memref<128x128xf32, #tpu.memory_space<vmem>>
        %dma_start3A_772 = arith.constant 0 : i32
        %dma_start3A_773 = tpu.memref_slice %arg10[%run_scoped3A_381, %run_scoped3A_382, %dma_start3A_772] : memref<2x8x128xi32, #tpu.memory_space<vmem>> -> memref<1x1x128xi32, #tpu.memory_space<vmem>>
        %dma_start3A_774 = tpu.memref_squeeze %dma_start3A_773 : memref<1x1x128xi32, #tpu.memory_space<vmem>> -> memref<128xi32, #tpu.memory_space<vmem>>
        %dma_start3A_775 = arith.constant 0 : i32
        %dma_start3A_776 = arith.constant 0 : i32
        %dma_start3A_777 = tpu.memref_slice %arg13[%dma_start3A_775, %dma_start3A_776] : memref<10240x128xf32, #tpu.memory_space<vmem_shared>> -> memref<10240x128xf32, #tpu.memory_space<vmem_shared>>
        tpu.enqueue_indirect_dma source(%dma_start3A_771 : memref<128x128xf32, #tpu.memory_space<vmem>>) target(%dma_start3A_777 : memref<10240x128xf32, #tpu.memory_space<vmem_shared>>) offsets(%dma_start3A_774 : memref<128xi32, #tpu.memory_space<vmem>>) semaphore(%run_scoped3A_767 : memref<!tpu.dma_semaphore, #tpu.memory_space<semaphore_mem>>) {add = true}
        %dma_wait3A_778 = arith.constant 0 : i32
        %dma_wait3A_779 = arith.constant 0 : i32
        %dma_wait3A_780 = tpu.memref_slice %arg11[%run_scoped3A_380, %dma_wait3A_778, %dma_wait3A_779] : memref<2x128x128xf32, #tpu.memory_space<vmem>> -> memref<1x128x128xf32, #tpu.memory_space<vmem>>
        %dma_wait3A_781 = tpu.memref_squeeze %dma_wait3A_780 : memref<1x128x128xf32, #tpu.memory_space<vmem>> -> memref<128x128xf32, #tpu.memory_space<vmem>>
        %dma_wait3A_782 = arith.constant 0 : i32
        %dma_wait3A_783 = tpu.memref_slice %arg10[%run_scoped3A_381, %run_scoped3A_382, %dma_wait3A_782] : memref<2x8x128xi32, #tpu.memory_space<vmem>> -> memref<1x1x128xi32, #tpu.memory_space<vmem>>
        %dma_wait3A_784 = tpu.memref_squeeze %dma_wait3A_783 : memref<1x1x128xi32, #tpu.memory_space<vmem>> -> memref<128xi32, #tpu.memory_space<vmem>>
        %dma_wait3A_785 = arith.constant 0 : i32
        %dma_wait3A_786 = arith.constant 0 : i32
        %dma_wait3A_787 = tpu.memref_slice %arg13[%dma_wait3A_785, %dma_wait3A_786] : memref<10240x128xf32, #tpu.memory_space<vmem_shared>> -> memref<10240x128xf32, #tpu.memory_space<vmem_shared>>
        tpu.wait_indirect_dma semaphore(%run_scoped3A_767 : memref<!tpu.dma_semaphore, #tpu.memory_space<semaphore_mem>>) src(%dma_wait3A_781 : memref<128x128xf32, #tpu.memory_space<vmem>>) dst(%dma_wait3A_787 : memref<10240x128xf32, #tpu.memory_space<vmem_shared>>)
        tpu.yield
      }) : () -> ()
      %eq3A_383 = arith.constant 0 : i32
      %eq3A_384 = arith.cmpi eq, %arg0, %eq3A_383 : i32
      %convert_element_type3A_385 = arith.extui %eq3A_384 : i1 to i32
      %cond3A_386 = arith.constant 0 : i32
      %cond3A_387 = arith.cmpi ne, %convert_element_type3A_385, %cond3A_386 : i32
      scf.if %cond3A_387 {
        %get3A = arith.constant 0 : i32
        %get3A_767 = arith.constant 6 : i32
        %get3A_768 = arith.index_cast %get3A : i32 to index
        %get3A_769 = arith.index_cast %get3A_767 : i32 to index
        %get3A_770 = arith.constant 0 : index
        %get3A_771 = tpu.vector_load %arg10[%get3A_768, %get3A_769, %get3A_770] {strides = array<i32>} : memref<2x8x128xi32, #tpu.memory_space<vmem>>, vector<16xi32>,
        tpu.vector_store_idx %arg12[%get3A_771], %broadcast_in_dim3A_67 {add = true} : memref<10240xf32, #tpu.memory_space<vmem>>[vector<16xi32>], vector<16xf32>,
        %get3A_772 = arith.constant 0 : i32
        %get3A_773 = arith.constant 6 : i32
        %get3A_774 = arith.index_cast %get3A_772 : i32 to index
        %get3A_775 = arith.index_cast %get3A_773 : i32 to index
        %get3A_776 = arith.constant 16 : index
        %get3A_777 = tpu.vector_load %arg10[%get3A_774, %get3A_775, %get3A_776] {strides = array<i32>} : memref<2x8x128xi32, #tpu.memory_space<vmem>>, vector<16xi32>,
        tpu.vector_store_idx %arg12[%get3A_777], %broadcast_in_dim3A_67 {add = true} : memref<10240xf32, #tpu.memory_space<vmem>>[vector<16xi32>], vector<16xf32>,
        %get3A_778 = arith.constant 0 : i32
        %get3A_779 = arith.constant 6 : i32
        %get3A_780 = arith.index_cast %get3A_778 : i32 to index
        %get3A_781 = arith.index_cast %get3A_779 : i32 to index
        %get3A_782 = arith.constant 32 : index
        %get3A_783 = tpu.vector_load %arg10[%get3A_780, %get3A_781, %get3A_782] {strides = array<i32>} : memref<2x8x128xi32, #tpu.memory_space<vmem>>, vector<16xi32>,
        tpu.vector_store_idx %arg12[%get3A_783], %broadcast_in_dim3A_67 {add = true} : memref<10240xf32, #tpu.memory_space<vmem>>[vector<16xi32>], vector<16xf32>,
        %get3A_784 = arith.constant 0 : i32
        %get3A_785 = arith.constant 6 : i32
        %get3A_786 = arith.index_cast %get3A_784 : i32 to index
        %get3A_787 = arith.index_cast %get3A_785 : i32 to index
        %get3A_788 = arith.constant 48 : index
        %get3A_789 = tpu.vector_load %arg10[%get3A_786, %get3A_787, %get3A_788] {strides = array<i32>} : memref<2x8x128xi32, #tpu.memory_space<vmem>>, vector<16xi32>,
        tpu.vector_store_idx %arg12[%get3A_789], %broadcast_in_dim3A_67 {add = true} : memref<10240xf32, #tpu.memory_space<vmem>>[vector<16xi32>], vector<16xf32>,
        %get3A_790 = arith.constant 0 : i32
        %get3A_791 = arith.constant 6 : i32
        %get3A_792 = arith.index_cast %get3A_790 : i32 to index
        %get3A_793 = arith.index_cast %get3A_791 : i32 to index
        %get3A_794 = arith.constant 64 : index
        %get3A_795 = tpu.vector_load %arg10[%get3A_792, %get3A_793, %get3A_794] {strides = array<i32>} : memref<2x8x128xi32, #tpu.memory_space<vmem>>, vector<16xi32>,
        tpu.vector_store_idx %arg12[%get3A_795], %broadcast_in_dim3A_67 {add = true} : memref<10240xf32, #tpu.memory_space<vmem>>[vector<16xi32>], vector<16xf32>,
        %get3A_796 = arith.constant 0 : i32
        %get3A_797 = arith.constant 6 : i32
        %get3A_798 = arith.index_cast %get3A_796 : i32 to index
        %get3A_799 = arith.index_cast %get3A_797 : i32 to index
        %get3A_800 = arith.constant 80 : index
        %get3A_801 = tpu.vector_load %arg10[%get3A_798, %get3A_799, %get3A_800] {strides = array<i32>} : memref<2x8x128xi32, #tpu.memory_space<vmem>>, vector<16xi32>,
        tpu.vector_store_idx %arg12[%get3A_801], %broadcast_in_dim3A_67 {add = true} : memref<10240xf32, #tpu.memory_space<vmem>>[vector<16xi32>], vector<16xf32>,
        %get3A_802 = arith.constant 0 : i32
        %get3A_803 = arith.constant 6 : i32
        %get3A_804 = arith.index_cast %get3A_802 : i32 to index
        %get3A_805 = arith.index_cast %get3A_803 : i32 to index
        %get3A_806 = arith.constant 96 : index
        %get3A_807 = tpu.vector_load %arg10[%get3A_804, %get3A_805, %get3A_806] {strides = array<i32>} : memref<2x8x128xi32, #tpu.memory_space<vmem>>, vector<16xi32>,
        tpu.vector_store_idx %arg12[%get3A_807], %broadcast_in_dim3A_67 {add = true} : memref<10240xf32, #tpu.memory_space<vmem>>[vector<16xi32>], vector<16xf32>,
        %get3A_808 = arith.constant 0 : i32
        %get3A_809 = arith.constant 6 : i32
        %get3A_810 = arith.index_cast %get3A_808 : i32 to index
        %get3A_811 = arith.index_cast %get3A_809 : i32 to index
        %get3A_812 = arith.constant 112 : index
        %get3A_813 = tpu.vector_load %arg10[%get3A_810, %get3A_811, %get3A_812] {strides = array<i32>} : memref<2x8x128xi32, #tpu.memory_space<vmem>>, vector<16xi32>,
        tpu.vector_store_idx %arg12[%get3A_813], %broadcast_in_dim3A_67 {add = true} : memref<10240xf32, #tpu.memory_space<vmem>>[vector<16xi32>], vector<16xf32>,
      } else {
      }
      %dma_wait3A_388 = arith.constant 0 : i32
      %dma_wait3A_389 = arith.constant 0 : i32
      %dma_wait3A_390 = arith.constant 1 : i32
      %dma_wait3A_391 = arith.constant 0 : i32
      %dma_wait3A_392 = arith.constant 0 : i32
      %dma_wait3A_393 = tpu.memref_slice %arg11[%dma_wait3A_390, %dma_wait3A_391, %dma_wait3A_392] : memref<2x128x128xf32, #tpu.memory_space<vmem>> -> memref<1x128x128xf32, #tpu.memory_space<vmem>>
      %dma_wait3A_394 = tpu.memref_squeeze %dma_wait3A_393 : memref<1x128x128xf32, #tpu.memory_space<vmem>> -> memref<128x128xf32, #tpu.memory_space<vmem>>
      %dma_wait3A_395 = arith.constant 0 : i32
      %dma_wait3A_396 = tpu.memref_slice %arg9[%dma_wait3A_388, %dma_wait3A_389, %dma_wait3A_395] : memref<2x8x128xi32, #tpu.memory_space<vmem>> -> memref<1x1x128xi32, #tpu.memory_space<vmem>>
      %dma_wait3A_397 = tpu.memref_squeeze %dma_wait3A_396 : memref<1x1x128xi32, #tpu.memory_space<vmem>> -> memref<128xi32, #tpu.memory_space<vmem>>
      %dma_wait3A_398 = arith.constant 0 : i32
      %dma_wait3A_399 = arith.constant 0 : i32
      %dma_wait3A_400 = tpu.memref_slice %arg2[%arg0, %dma_wait3A_398, %dma_wait3A_399] : memref<2x10000x128xf32, #tpu.memory_space<hbm>> -> memref<1x10000x128xf32, #tpu.memory_space<hbm>>
      %dma_wait3A_401 = tpu.memref_squeeze %dma_wait3A_400 : memref<1x10000x128xf32, #tpu.memory_space<hbm>> -> memref<10000x128xf32, #tpu.memory_space<hbm>>
      %dma_wait3A_402 = arith.constant 0 : i32
      %dma_wait3A_403 = arith.constant 0 : i32
      %dma_wait3A_404 = tpu.memref_slice %dma_wait3A_401[%dma_wait3A_402, %dma_wait3A_403] : memref<10000x128xf32, #tpu.memory_space<hbm>> -> memref<10000x128xf32, #tpu.memory_space<hbm>>
      tpu.wait_indirect_dma semaphore(%arg15 : memref<!tpu.dma_semaphore, #tpu.memory_space<semaphore_mem>>) src(%dma_wait3A_404 : memref<10000x128xf32, #tpu.memory_space<hbm>>) dst(%dma_wait3A_394 : memref<128x128xf32, #tpu.memory_space<vmem>>)
      %run_scoped3A_405 = arith.constant 1 : i32
      %run_scoped3A_406 = arith.constant 0 : i32
      %run_scoped3A_407 = arith.constant 7 : i32
      "tpu.region"() ({
        %run_scoped3A_767 = tpu.sem_alloc : memref<!tpu.dma_semaphore, #tpu.memory_space<semaphore_mem>>
        %dma_start3A_768 = arith.constant 0 : i32
        %dma_start3A_769 = arith.constant 0 : i32
        %dma_start3A_770 = tpu.memref_slice %arg11[%run_scoped3A_405, %dma_start3A_768, %dma_start3A_769] : memref<2x128x128xf32, #tpu.memory_space<vmem>> -> memref<1x128x128xf32, #tpu.memory_space<vmem>>
        %dma_start3A_771 = tpu.memref_squeeze %dma_start3A_770 : memref<1x128x128xf32, #tpu.memory_space<vmem>> -> memref<128x128xf32, #tpu.memory_space<vmem>>
        %dma_start3A_772 = arith.constant 0 : i32
        %dma_start3A_773 = tpu.memref_slice %arg10[%run_scoped3A_406, %run_scoped3A_407, %dma_start3A_772] : memref<2x8x128xi32, #tpu.memory_space<vmem>> -> memref<1x1x128xi32, #tpu.memory_space<vmem>>
        %dma_start3A_774 = tpu.memref_squeeze %dma_start3A_773 : memref<1x1x128xi32, #tpu.memory_space<vmem>> -> memref<128xi32, #tpu.memory_space<vmem>>
        %dma_start3A_775 = arith.constant 0 : i32
        %dma_start3A_776 = arith.constant 0 : i32
        %dma_start3A_777 = tpu.memref_slice %arg13[%dma_start3A_775, %dma_start3A_776] : memref<10240x128xf32, #tpu.memory_space<vmem_shared>> -> memref<10240x128xf32, #tpu.memory_space<vmem_shared>>
        tpu.enqueue_indirect_dma source(%dma_start3A_771 : memref<128x128xf32, #tpu.memory_space<vmem>>) target(%dma_start3A_777 : memref<10240x128xf32, #tpu.memory_space<vmem_shared>>) offsets(%dma_start3A_774 : memref<128xi32, #tpu.memory_space<vmem>>) semaphore(%run_scoped3A_767 : memref<!tpu.dma_semaphore, #tpu.memory_space<semaphore_mem>>) {add = true}
        %dma_wait3A_778 = arith.constant 0 : i32
        %dma_wait3A_779 = arith.constant 0 : i32
        %dma_wait3A_780 = tpu.memref_slice %arg11[%run_scoped3A_405, %dma_wait3A_778, %dma_wait3A_779] : memref<2x128x128xf32, #tpu.memory_space<vmem>> -> memref<1x128x128xf32, #tpu.memory_space<vmem>>
        %dma_wait3A_781 = tpu.memref_squeeze %dma_wait3A_780 : memref<1x128x128xf32, #tpu.memory_space<vmem>> -> memref<128x128xf32, #tpu.memory_space<vmem>>
        %dma_wait3A_782 = arith.constant 0 : i32
        %dma_wait3A_783 = tpu.memref_slice %arg10[%run_scoped3A_406, %run_scoped3A_407, %dma_wait3A_782] : memref<2x8x128xi32, #tpu.memory_space<vmem>> -> memref<1x1x128xi32, #tpu.memory_space<vmem>>
        %dma_wait3A_784 = tpu.memref_squeeze %dma_wait3A_783 : memref<1x1x128xi32, #tpu.memory_space<vmem>> -> memref<128xi32, #tpu.memory_space<vmem>>
        %dma_wait3A_785 = arith.constant 0 : i32
        %dma_wait3A_786 = arith.constant 0 : i32
        %dma_wait3A_787 = tpu.memref_slice %arg13[%dma_wait3A_785, %dma_wait3A_786] : memref<10240x128xf32, #tpu.memory_space<vmem_shared>> -> memref<10240x128xf32, #tpu.memory_space<vmem_shared>>
        tpu.wait_indirect_dma semaphore(%run_scoped3A_767 : memref<!tpu.dma_semaphore, #tpu.memory_space<semaphore_mem>>) src(%dma_wait3A_781 : memref<128x128xf32, #tpu.memory_space<vmem>>) dst(%dma_wait3A_787 : memref<10240x128xf32, #tpu.memory_space<vmem_shared>>)
        tpu.yield
      }) : () -> ()
      %eq3A_408 = arith.constant 0 : i32
      %eq3A_409 = arith.cmpi eq, %arg0, %eq3A_408 : i32
      %convert_element_type3A_410 = arith.extui %eq3A_409 : i1 to i32
      %cond3A_411 = arith.constant 0 : i32
      %cond3A_412 = arith.cmpi ne, %convert_element_type3A_410, %cond3A_411 : i32
      scf.if %cond3A_412 {
        %get3A = arith.constant 0 : i32
        %get3A_767 = arith.constant 7 : i32
        %get3A_768 = arith.index_cast %get3A : i32 to index
        %get3A_769 = arith.index_cast %get3A_767 : i32 to index
        %get3A_770 = arith.constant 0 : index
        %get3A_771 = tpu.vector_load %arg10[%get3A_768, %get3A_769, %get3A_770] {strides = array<i32>} : memref<2x8x128xi32, #tpu.memory_space<vmem>>, vector<16xi32>,
        tpu.vector_store_idx %arg12[%get3A_771], %broadcast_in_dim3A_67 {add = true} : memref<10240xf32, #tpu.memory_space<vmem>>[vector<16xi32>], vector<16xf32>,
        %get3A_772 = arith.constant 0 : i32
        %get3A_773 = arith.constant 7 : i32
        %get3A_774 = arith.index_cast %get3A_772 : i32 to index
        %get3A_775 = arith.index_cast %get3A_773 : i32 to index
        %get3A_776 = arith.constant 16 : index
        %get3A_777 = tpu.vector_load %arg10[%get3A_774, %get3A_775, %get3A_776] {strides = array<i32>} : memref<2x8x128xi32, #tpu.memory_space<vmem>>, vector<16xi32>,
        tpu.vector_store_idx %arg12[%get3A_777], %broadcast_in_dim3A_67 {add = true} : memref<10240xf32, #tpu.memory_space<vmem>>[vector<16xi32>], vector<16xf32>,
        %get3A_778 = arith.constant 0 : i32
        %get3A_779 = arith.constant 7 : i32
        %get3A_780 = arith.index_cast %get3A_778 : i32 to index
        %get3A_781 = arith.index_cast %get3A_779 : i32 to index
        %get3A_782 = arith.constant 32 : index
        %get3A_783 = tpu.vector_load %arg10[%get3A_780, %get3A_781, %get3A_782] {strides = array<i32>} : memref<2x8x128xi32, #tpu.memory_space<vmem>>, vector<16xi32>,
        tpu.vector_store_idx %arg12[%get3A_783], %broadcast_in_dim3A_67 {add = true} : memref<10240xf32, #tpu.memory_space<vmem>>[vector<16xi32>], vector<16xf32>,
        %get3A_784 = arith.constant 0 : i32
        %get3A_785 = arith.constant 7 : i32
        %get3A_786 = arith.index_cast %get3A_784 : i32 to index
        %get3A_787 = arith.index_cast %get3A_785 : i32 to index
        %get3A_788 = arith.constant 48 : index
        %get3A_789 = tpu.vector_load %arg10[%get3A_786, %get3A_787, %get3A_788] {strides = array<i32>} : memref<2x8x128xi32, #tpu.memory_space<vmem>>, vector<16xi32>,
        tpu.vector_store_idx %arg12[%get3A_789], %broadcast_in_dim3A_67 {add = true} : memref<10240xf32, #tpu.memory_space<vmem>>[vector<16xi32>], vector<16xf32>,
        %get3A_790 = arith.constant 0 : i32
        %get3A_791 = arith.constant 7 : i32
        %get3A_792 = arith.index_cast %get3A_790 : i32 to index
        %get3A_793 = arith.index_cast %get3A_791 : i32 to index
        %get3A_794 = arith.constant 64 : index
        %get3A_795 = tpu.vector_load %arg10[%get3A_792, %get3A_793, %get3A_794] {strides = array<i32>} : memref<2x8x128xi32, #tpu.memory_space<vmem>>, vector<16xi32>,
        tpu.vector_store_idx %arg12[%get3A_795], %broadcast_in_dim3A_67 {add = true} : memref<10240xf32, #tpu.memory_space<vmem>>[vector<16xi32>], vector<16xf32>,
        %get3A_796 = arith.constant 0 : i32
        %get3A_797 = arith.constant 7 : i32
        %get3A_798 = arith.index_cast %get3A_796 : i32 to index
        %get3A_799 = arith.index_cast %get3A_797 : i32 to index
        %get3A_800 = arith.constant 80 : index
        %get3A_801 = tpu.vector_load %arg10[%get3A_798, %get3A_799, %get3A_800] {strides = array<i32>} : memref<2x8x128xi32, #tpu.memory_space<vmem>>, vector<16xi32>,
        tpu.vector_store_idx %arg12[%get3A_801], %broadcast_in_dim3A_67 {add = true} : memref<10240xf32, #tpu.memory_space<vmem>>[vector<16xi32>], vector<16xf32>,
        %get3A_802 = arith.constant 0 : i32
        %get3A_803 = arith.constant 7 : i32
        %get3A_804 = arith.index_cast %get3A_802 : i32 to index
        %get3A_805 = arith.index_cast %get3A_803 : i32 to index
        %get3A_806 = arith.constant 96 : index
        %get3A_807 = tpu.vector_load %arg10[%get3A_804, %get3A_805, %get3A_806] {strides = array<i32>} : memref<2x8x128xi32, #tpu.memory_space<vmem>>, vector<16xi32>,
        tpu.vector_store_idx %arg12[%get3A_807], %broadcast_in_dim3A_67 {add = true} : memref<10240xf32, #tpu.memory_space<vmem>>[vector<16xi32>], vector<16xf32>,
        %get3A_808 = arith.constant 0 : i32
        %get3A_809 = arith.constant 7 : i32
        %get3A_810 = arith.index_cast %get3A_808 : i32 to index
        %get3A_811 = arith.index_cast %get3A_809 : i32 to index
        %get3A_812 = arith.constant 112 : index
        %get3A_813 = tpu.vector_load %arg10[%get3A_810, %get3A_811, %get3A_812] {strides = array<i32>} : memref<2x8x128xi32, #tpu.memory_space<vmem>>, vector<16xi32>,
        tpu.vector_store_idx %arg12[%get3A_813], %broadcast_in_dim3A_67 {add = true} : memref<10240xf32, #tpu.memory_space<vmem>>[vector<16xi32>], vector<16xf32>,
      } else {
      }
      %lt3A_413 = arith.constant 9 : i32
      %lt3A_414 = arith.cmpi slt, %mul3A_76, %lt3A_413 : i32
      %convert_element_type3A_415 = arith.extui %lt3A_414 : i1 to i32
      %cond3A_416 = arith.constant 0 : i32
      %cond3A_417 = arith.cmpi ne, %convert_element_type3A_415, %cond3A_416 : i32
      scf.if %cond3A_417 {
        %dma_wait3A_767 = arith.constant 1 : i32
        %dma_wait3A_768 = arith.constant 0 : i32
        %dma_wait3A_769 = arith.constant 0 : i32
        %dma_wait3A_770 = tpu.memref_slice %arg9[%dma_wait3A_767, %dma_wait3A_768, %dma_wait3A_769] : memref<2x8x128xi32, #tpu.memory_space<vmem>> -> memref<1x8x128xi32, #tpu.memory_space<vmem>>
        %dma_wait3A_771 = tpu.memref_squeeze %dma_wait3A_770 : memref<1x8x128xi32, #tpu.memory_space<vmem>> -> memref<8x128xi32, #tpu.memory_space<vmem>>
        %dma_wait3A_772 = arith.constant 0 : i32
        %dma_wait3A_773 = arith.constant 0 : i32
        %dma_wait3A_774 = tpu.memref_slice %arg3[%arg1, %dma_wait3A_772, %dma_wait3A_773] : memref<16x80x128xi32, #tpu.memory_space<hbm>> -> memref<1x8x128xi32, #tpu.memory_space<hbm>>
        %dma_wait3A_775 = tpu.memref_squeeze %dma_wait3A_774 : memref<1x8x128xi32, #tpu.memory_space<hbm>> -> memref<8x128xi32, #tpu.memory_space<hbm>>
        %dma_wait3A_776 = arith.constant 0 : i32
        %dma_wait3A_777 = arith.constant 0 : i32
        %dma_wait3A_778 = tpu.memref_slice %arg9[%dma_wait3A_767, %dma_wait3A_776, %dma_wait3A_777] : memref<2x8x128xi32, #tpu.memory_space<vmem>> -> memref<1x8x128xi32, #tpu.memory_space<vmem>>
        %dma_wait3A_779 = tpu.memref_squeeze %dma_wait3A_778 : memref<1x8x128xi32, #tpu.memory_space<vmem>> -> memref<8x128xi32, #tpu.memory_space<vmem>>
        %dma_wait3A_780 = arith.constant 0 : i32
        %dma_wait3A_781 = arith.constant 0 : i32
        %dma_wait3A_782 = tpu.memref_slice %arg3[%arg1, %dma_wait3A_780, %dma_wait3A_781] : memref<16x80x128xi32, #tpu.memory_space<hbm>> -> memref<1x8x128xi32, #tpu.memory_space<hbm>>
        %dma_wait3A_783 = tpu.memref_squeeze %dma_wait3A_782 : memref<1x8x128xi32, #tpu.memory_space<hbm>> -> memref<8x128xi32, #tpu.memory_space<hbm>>
        tpu.wait_dma2 semaphore(%arg17 : memref<!tpu.dma_semaphore, #tpu.memory_space<semaphore_mem>>) src(%dma_wait3A_783 : memref<8x128xi32, #tpu.memory_space<hbm>>) dst(%dma_wait3A_779 : memref<8x128xi32, #tpu.memory_space<vmem>>)
        %dma_wait3A_784 = arith.constant 1 : i32
        %dma_wait3A_785 = arith.constant 0 : i32
        %dma_wait3A_786 = arith.constant 0 : i32
        %dma_wait3A_787 = tpu.memref_slice %arg10[%dma_wait3A_784, %dma_wait3A_785, %dma_wait3A_786] : memref<2x8x128xi32, #tpu.memory_space<vmem>> -> memref<1x8x128xi32, #tpu.memory_space<vmem>>
        %dma_wait3A_788 = tpu.memref_squeeze %dma_wait3A_787 : memref<1x8x128xi32, #tpu.memory_space<vmem>> -> memref<8x128xi32, #tpu.memory_space<vmem>>
        %dma_wait3A_789 = arith.constant 0 : i32
        %dma_wait3A_790 = arith.constant 0 : i32
        %dma_wait3A_791 = tpu.memref_slice %arg4[%arg1, %dma_wait3A_789, %dma_wait3A_790] : memref<16x80x128xi32, #tpu.memory_space<hbm>> -> memref<1x8x128xi32, #tpu.memory_space<hbm>>
        %dma_wait3A_792 = tpu.memref_squeeze %dma_wait3A_791 : memref<1x8x128xi32, #tpu.memory_space<hbm>> -> memref<8x128xi32, #tpu.memory_space<hbm>>
        %dma_wait3A_793 = arith.constant 0 : i32
        %dma_wait3A_794 = arith.constant 0 : i32
        %dma_wait3A_795 = tpu.memref_slice %arg10[%dma_wait3A_784, %dma_wait3A_793, %dma_wait3A_794] : memref<2x8x128xi32, #tpu.memory_space<vmem>> -> memref<1x8x128xi32, #tpu.memory_space<vmem>>
        %dma_wait3A_796 = tpu.memref_squeeze %dma_wait3A_795 : memref<1x8x128xi32, #tpu.memory_space<vmem>> -> memref<8x128xi32, #tpu.memory_space<vmem>>
        %dma_wait3A_797 = arith.constant 0 : i32
        %dma_wait3A_798 = arith.constant 0 : i32
        %dma_wait3A_799 = tpu.memref_slice %arg4[%arg1, %dma_wait3A_797, %dma_wait3A_798] : memref<16x80x128xi32, #tpu.memory_space<hbm>> -> memref<1x8x128xi32, #tpu.memory_space<hbm>>
        %dma_wait3A_800 = tpu.memref_squeeze %dma_wait3A_799 : memref<1x8x128xi32, #tpu.memory_space<hbm>> -> memref<8x128xi32, #tpu.memory_space<hbm>>
        tpu.wait_dma2 semaphore(%arg17 : memref<!tpu.dma_semaphore, #tpu.memory_space<semaphore_mem>>) src(%dma_wait3A_800 : memref<8x128xi32, #tpu.memory_space<hbm>>) dst(%dma_wait3A_796 : memref<8x128xi32, #tpu.memory_space<vmem>>)
      } else {
      }
      %mul3A_418 = arith.constant 2 : i32
      %mul3A_419 = arith.muli %mul3A_418, %scan3A_74 : i32
      %add3A = arith.constant 1 : i32
      %add3A_420 = arith.addi %mul3A_419, %add3A : i32
      %lt3A_421 = arith.constant 9 : i32
      %lt3A_422 = arith.cmpi slt, %add3A_420, %lt3A_421 : i32
      %convert_element_type3A_423 = arith.extui %lt3A_422 : i1 to i32
      %cond3A_424 = arith.constant 0 : i32
      %cond3A_425 = arith.cmpi ne, %convert_element_type3A_423, %cond3A_424 : i32
      scf.if %cond3A_425 {
        %add3A_767 = arith.constant 1 : i32
        %add3A_768 = arith.addi %add3A_420, %add3A_767 : i32
        %mul3A_769 = arith.constant 8 : i32
        %mul3A_770 = arith.muli %add3A_768, %mul3A_769 : i32
        %dma_start3A_771 = arith.constant 0 : i32
        %dma_start3A_772 = arith.constant 0 : i32
        %dma_start3A_773 = arith.constant 0 : i32
        %dma_start3A_774 = tpu.memref_slice %arg9[%dma_start3A_771, %dma_start3A_772, %dma_start3A_773] : memref<2x8x128xi32, #tpu.memory_space<vmem>> -> memref<1x8x128xi32, #tpu.memory_space<vmem>>
        %dma_start3A_775 = tpu.memref_squeeze %dma_start3A_774 : memref<1x8x128xi32, #tpu.memory_space<vmem>> -> memref<8x128xi32, #tpu.memory_space<vmem>>
        %dma_start3A_776 = arith.constant 0 : i32
        %dma_start3A_777 = tpu.memref_slice %arg3[%arg1, %mul3A_770, %dma_start3A_776] : memref<16x80x128xi32, #tpu.memory_space<hbm>> -> memref<1x8x128xi32, #tpu.memory_space<hbm>>
        %dma_start3A_778 = tpu.memref_squeeze %dma_start3A_777 : memref<1x8x128xi32, #tpu.memory_space<hbm>> -> memref<8x128xi32, #tpu.memory_space<hbm>>
        %dma_start3A_779 = arith.constant 0 : i32
        %dma_start3A_780 = arith.constant 0 : i32
        %dma_start3A_781 = tpu.memref_slice %arg9[%dma_start3A_771, %dma_start3A_779, %dma_start3A_780] : memref<2x8x128xi32, #tpu.memory_space<vmem>> -> memref<1x8x128xi32, #tpu.memory_space<vmem>>
        %dma_start3A_782 = tpu.memref_squeeze %dma_start3A_781 : memref<1x8x128xi32, #tpu.memory_space<vmem>> -> memref<8x128xi32, #tpu.memory_space<vmem>>
        %dma_start3A_783 = arith.constant 0 : i32
        %dma_start3A_784 = tpu.memref_slice %arg3[%arg1, %mul3A_770, %dma_start3A_783] : memref<16x80x128xi32, #tpu.memory_space<hbm>> -> memref<1x8x128xi32, #tpu.memory_space<hbm>>
        %dma_start3A_785 = tpu.memref_squeeze %dma_start3A_784 : memref<1x8x128xi32, #tpu.memory_space<hbm>> -> memref<8x128xi32, #tpu.memory_space<hbm>>
        tpu.enqueue_dma source(%dma_start3A_785 : memref<8x128xi32, #tpu.memory_space<hbm>>) target(%dma_start3A_782 : memref<8x128xi32, #tpu.memory_space<vmem>>) target_semaphore(%arg16 : memref<!tpu.dma_semaphore, #tpu.memory_space<semaphore_mem>>)
        %dma_start3A_786 = arith.constant 0 : i32
        %dma_start3A_787 = arith.constant 0 : i32
        %dma_start3A_788 = arith.constant 0 : i32
        %dma_start3A_789 = tpu.memref_slice %arg10[%dma_start3A_786, %dma_start3A_787, %dma_start3A_788] : memref<2x8x128xi32, #tpu.memory_space<vmem>> -> memref<1x8x128xi32, #tpu.memory_space<vmem>>
        %dma_start3A_790 = tpu.memref_squeeze %dma_start3A_789 : memref<1x8x128xi32, #tpu.memory_space<vmem>> -> memref<8x128xi32, #tpu.memory_space<vmem>>
        %dma_start3A_791 = arith.constant 0 : i32
        %dma_start3A_792 = tpu.memref_slice %arg4[%arg1, %mul3A_770, %dma_start3A_791] : memref<16x80x128xi32, #tpu.memory_space<hbm>> -> memref<1x8x128xi32, #tpu.memory_space<hbm>>
        %dma_start3A_793 = tpu.memref_squeeze %dma_start3A_792 : memref<1x8x128xi32, #tpu.memory_space<hbm>> -> memref<8x128xi32, #tpu.memory_space<hbm>>
        %dma_start3A_794 = arith.constant 0 : i32
        %dma_start3A_795 = arith.constant 0 : i32
        %dma_start3A_796 = tpu.memref_slice %arg10[%dma_start3A_786, %dma_start3A_794, %dma_start3A_795] : memref<2x8x128xi32, #tpu.memory_space<vmem>> -> memref<1x8x128xi32, #tpu.memory_space<vmem>>
        %dma_start3A_797 = tpu.memref_squeeze %dma_start3A_796 : memref<1x8x128xi32, #tpu.memory_space<vmem>> -> memref<8x128xi32, #tpu.memory_space<vmem>>
        %dma_start3A_798 = arith.constant 0 : i32
        %dma_start3A_799 = tpu.memref_slice %arg4[%arg1, %mul3A_770, %dma_start3A_798] : memref<16x80x128xi32, #tpu.memory_space<hbm>> -> memref<1x8x128xi32, #tpu.memory_space<hbm>>
        %dma_start3A_800 = tpu.memref_squeeze %dma_start3A_799 : memref<1x8x128xi32, #tpu.memory_space<hbm>> -> memref<8x128xi32, #tpu.memory_space<hbm>>
        tpu.enqueue_dma source(%dma_start3A_800 : memref<8x128xi32, #tpu.memory_space<hbm>>) target(%dma_start3A_797 : memref<8x128xi32, #tpu.memory_space<vmem>>) target_semaphore(%arg16 : memref<!tpu.dma_semaphore, #tpu.memory_space<semaphore_mem>>)
      } else {
      }
      %dma_start3A_426 = arith.constant 1 : i32
      %dma_start3A_427 = arith.constant 0 : i32
      %dma_start3A_428 = arith.constant 0 : i32
      %dma_start3A_429 = arith.constant 0 : i32
      %dma_start3A_430 = arith.constant 0 : i32
      %dma_start3A_431 = tpu.memref_slice %arg11[%dma_start3A_428, %dma_start3A_429, %dma_start3A_430] : memref<2x128x128xf32, #tpu.memory_space<vmem>> -> memref<1x128x128xf32, #tpu.memory_space<vmem>>
      %dma_start3A_432 = tpu.memref_squeeze %dma_start3A_431 : memref<1x128x128xf32, #tpu.memory_space<vmem>> -> memref<128x128xf32, #tpu.memory_space<vmem>>
      %dma_start3A_433 = arith.constant 0 : i32
      %dma_start3A_434 = tpu.memref_slice %arg9[%dma_start3A_426, %dma_start3A_427, %dma_start3A_433] : memref<2x8x128xi32, #tpu.memory_space<vmem>> -> memref<1x1x128xi32, #tpu.memory_space<vmem>>
      %dma_start3A_435 = tpu.memref_squeeze %dma_start3A_434 : memref<1x1x128xi32, #tpu.memory_space<vmem>> -> memref<128xi32, #tpu.memory_space<vmem>>
      %dma_start3A_436 = arith.constant 0 : i32
      %dma_start3A_437 = arith.constant 0 : i32
      %dma_start3A_438 = tpu.memref_slice %arg2[%arg0, %dma_start3A_436, %dma_start3A_437] : memref<2x10000x128xf32, #tpu.memory_space<hbm>> -> memref<1x10000x128xf32, #tpu.memory_space<hbm>>
      %dma_start3A_439 = tpu.memref_squeeze %dma_start3A_438 : memref<1x10000x128xf32, #tpu.memory_space<hbm>> -> memref<10000x128xf32, #tpu.memory_space<hbm>>
      %dma_start3A_440 = arith.constant 0 : i32
      %dma_start3A_441 = arith.constant 0 : i32
      %dma_start3A_442 = tpu.memref_slice %dma_start3A_439[%dma_start3A_440, %dma_start3A_441] : memref<10000x128xf32, #tpu.memory_space<hbm>> -> memref<10000x128xf32, #tpu.memory_space<hbm>>
      tpu.enqueue_indirect_dma source(%dma_start3A_442 : memref<10000x128xf32, #tpu.memory_space<hbm>>) target(%dma_start3A_432 : memref<128x128xf32, #tpu.memory_space<vmem>>) offsets(%dma_start3A_435 : memref<128xi32, #tpu.memory_space<vmem>>) semaphore(%arg14 : memref<!tpu.dma_semaphore, #tpu.memory_space<semaphore_mem>>)
      %dma_start3A_443 = arith.constant 1 : i32
      %dma_start3A_444 = arith.constant 1 : i32
      %dma_start3A_445 = arith.constant 1 : i32
      %dma_start3A_446 = arith.constant 0 : i32
      %dma_start3A_447 = arith.constant 0 : i32
      %dma_start3A_448 = tpu.memref_slice %arg11[%dma_start3A_445, %dma_start3A_446, %dma_start3A_447] : memref<2x128x128xf32, #tpu.memory_space<vmem>> -> memref<1x128x128xf32, #tpu.memory_space<vmem>>
      %dma_start3A_449 = tpu.memref_squeeze %dma_start3A_448 : memref<1x128x128xf32, #tpu.memory_space<vmem>> -> memref<128x128xf32, #tpu.memory_space<vmem>>
      %dma_start3A_450 = arith.constant 0 : i32
      %dma_start3A_451 = tpu.memref_slice %arg9[%dma_start3A_443, %dma_start3A_444, %dma_start3A_450] : memref<2x8x128xi32, #tpu.memory_space<vmem>> -> memref<1x1x128xi32, #tpu.memory_space<vmem>>
      %dma_start3A_452 = tpu.memref_squeeze %dma_start3A_451 : memref<1x1x128xi32, #tpu.memory_space<vmem>> -> memref<128xi32, #tpu.memory_space<vmem>>
      %dma_start3A_453 = arith.constant 0 : i32
      %dma_start3A_454 = arith.constant 0 : i32
      %dma_start3A_455 = tpu.memref_slice %arg2[%arg0, %dma_start3A_453, %dma_start3A_454] : memref<2x10000x128xf32, #tpu.memory_space<hbm>> -> memref<1x10000x128xf32, #tpu.memory_space<hbm>>
      %dma_start3A_456 = tpu.memref_squeeze %dma_start3A_455 : memref<1x10000x128xf32, #tpu.memory_space<hbm>> -> memref<10000x128xf32, #tpu.memory_space<hbm>>
      %dma_start3A_457 = arith.constant 0 : i32
      %dma_start3A_458 = arith.constant 0 : i32
      %dma_start3A_459 = tpu.memref_slice %dma_start3A_456[%dma_start3A_457, %dma_start3A_458] : memref<10000x128xf32, #tpu.memory_space<hbm>> -> memref<10000x128xf32, #tpu.memory_space<hbm>>
      tpu.enqueue_indirect_dma source(%dma_start3A_459 : memref<10000x128xf32, #tpu.memory_space<hbm>>) target(%dma_start3A_449 : memref<128x128xf32, #tpu.memory_space<vmem>>) offsets(%dma_start3A_452 : memref<128xi32, #tpu.memory_space<vmem>>) semaphore(%arg15 : memref<!tpu.dma_semaphore, #tpu.memory_space<semaphore_mem>>)
      %dma_wait3A_460 = arith.constant 0 : i32
      %dma_wait3A_461 = arith.constant 0 : i32
      %dma_wait3A_462 = arith.constant 0 : i32
      %dma_wait3A_463 = arith.constant 0 : i32
      %dma_wait3A_464 = arith.constant 0 : i32
      %dma_wait3A_465 = tpu.memref_slice %arg11[%dma_wait3A_462, %dma_wait3A_463, %dma_wait3A_464] : memref<2x128x128xf32, #tpu.memory_space<vmem>> -> memref<1x128x128xf32, #tpu.memory_space<vmem>>
      %dma_wait3A_466 = tpu.memref_squeeze %dma_wait3A_465 : memref<1x128x128xf32, #tpu.memory_space<vmem>> -> memref<128x128xf32, #tpu.memory_space<vmem>>
      %dma_wait3A_467 = arith.constant 0 : i32
      %dma_wait3A_468 = tpu.memref_slice %arg9[%dma_wait3A_460, %dma_wait3A_461, %dma_wait3A_467] : memref<2x8x128xi32, #tpu.memory_space<vmem>> -> memref<1x1x128xi32, #tpu.memory_space<vmem>>
      %dma_wait3A_469 = tpu.memref_squeeze %dma_wait3A_468 : memref<1x1x128xi32, #tpu.memory_space<vmem>> -> memref<128xi32, #tpu.memory_space<vmem>>
      %dma_wait3A_470 = arith.constant 0 : i32
      %dma_wait3A_471 = arith.constant 0 : i32
      %dma_wait3A_472 = tpu.memref_slice %arg2[%arg0, %dma_wait3A_470, %dma_wait3A_471] : memref<2x10000x128xf32, #tpu.memory_space<hbm>> -> memref<1x10000x128xf32, #tpu.memory_space<hbm>>
      %dma_wait3A_473 = tpu.memref_squeeze %dma_wait3A_472 : memref<1x10000x128xf32, #tpu.memory_space<hbm>> -> memref<10000x128xf32, #tpu.memory_space<hbm>>
      %dma_wait3A_474 = arith.constant 0 : i32
      %dma_wait3A_475 = arith.constant 0 : i32
      %dma_wait3A_476 = tpu.memref_slice %dma_wait3A_473[%dma_wait3A_474, %dma_wait3A_475] : memref<10000x128xf32, #tpu.memory_space<hbm>> -> memref<10000x128xf32, #tpu.memory_space<hbm>>
      tpu.wait_indirect_dma semaphore(%arg14 : memref<!tpu.dma_semaphore, #tpu.memory_space<semaphore_mem>>) src(%dma_wait3A_476 : memref<10000x128xf32, #tpu.memory_space<hbm>>) dst(%dma_wait3A_466 : memref<128x128xf32, #tpu.memory_space<vmem>>)
      %run_scoped3A_477 = arith.constant 0 : i32
      %run_scoped3A_478 = arith.constant 1 : i32
      %run_scoped3A_479 = arith.constant 0 : i32
      "tpu.region"() ({
        %run_scoped3A_767 = tpu.sem_alloc : memref<!tpu.dma_semaphore, #tpu.memory_space<semaphore_mem>>
        %dma_start3A_768 = arith.constant 0 : i32
        %dma_start3A_769 = arith.constant 0 : i32
        %dma_start3A_770 = tpu.memref_slice %arg11[%run_scoped3A_477, %dma_start3A_768, %dma_start3A_769] : memref<2x128x128xf32, #tpu.memory_space<vmem>> -> memref<1x128x128xf32, #tpu.memory_space<vmem>>
        %dma_start3A_771 = tpu.memref_squeeze %dma_start3A_770 : memref<1x128x128xf32, #tpu.memory_space<vmem>> -> memref<128x128xf32, #tpu.memory_space<vmem>>
        %dma_start3A_772 = arith.constant 0 : i32
        %dma_start3A_773 = tpu.memref_slice %arg10[%run_scoped3A_478, %run_scoped3A_479, %dma_start3A_772] : memref<2x8x128xi32, #tpu.memory_space<vmem>> -> memref<1x1x128xi32, #tpu.memory_space<vmem>>
        %dma_start3A_774 = tpu.memref_squeeze %dma_start3A_773 : memref<1x1x128xi32, #tpu.memory_space<vmem>> -> memref<128xi32, #tpu.memory_space<vmem>>
        %dma_start3A_775 = arith.constant 0 : i32
        %dma_start3A_776 = arith.constant 0 : i32
        %dma_start3A_777 = tpu.memref_slice %arg13[%dma_start3A_775, %dma_start3A_776] : memref<10240x128xf32, #tpu.memory_space<vmem_shared>> -> memref<10240x128xf32, #tpu.memory_space<vmem_shared>>
        tpu.enqueue_indirect_dma source(%dma_start3A_771 : memref<128x128xf32, #tpu.memory_space<vmem>>) target(%dma_start3A_777 : memref<10240x128xf32, #tpu.memory_space<vmem_shared>>) offsets(%dma_start3A_774 : memref<128xi32, #tpu.memory_space<vmem>>) semaphore(%run_scoped3A_767 : memref<!tpu.dma_semaphore, #tpu.memory_space<semaphore_mem>>) {add = true}
        %dma_wait3A_778 = arith.constant 0 : i32
        %dma_wait3A_779 = arith.constant 0 : i32
        %dma_wait3A_780 = tpu.memref_slice %arg11[%run_scoped3A_477, %dma_wait3A_778, %dma_wait3A_779] : memref<2x128x128xf32, #tpu.memory_space<vmem>> -> memref<1x128x128xf32, #tpu.memory_space<vmem>>
        %dma_wait3A_781 = tpu.memref_squeeze %dma_wait3A_780 : memref<1x128x128xf32, #tpu.memory_space<vmem>> -> memref<128x128xf32, #tpu.memory_space<vmem>>
        %dma_wait3A_782 = arith.constant 0 : i32
        %dma_wait3A_783 = tpu.memref_slice %arg10[%run_scoped3A_478, %run_scoped3A_479, %dma_wait3A_782] : memref<2x8x128xi32, #tpu.memory_space<vmem>> -> memref<1x1x128xi32, #tpu.memory_space<vmem>>
        %dma_wait3A_784 = tpu.memref_squeeze %dma_wait3A_783 : memref<1x1x128xi32, #tpu.memory_space<vmem>> -> memref<128xi32, #tpu.memory_space<vmem>>
        %dma_wait3A_785 = arith.constant 0 : i32
        %dma_wait3A_786 = arith.constant 0 : i32
        %dma_wait3A_787 = tpu.memref_slice %arg13[%dma_wait3A_785, %dma_wait3A_786] : memref<10240x128xf32, #tpu.memory_space<vmem_shared>> -> memref<10240x128xf32, #tpu.memory_space<vmem_shared>>
        tpu.wait_indirect_dma semaphore(%run_scoped3A_767 : memref<!tpu.dma_semaphore, #tpu.memory_space<semaphore_mem>>) src(%dma_wait3A_781 : memref<128x128xf32, #tpu.memory_space<vmem>>) dst(%dma_wait3A_787 : memref<10240x128xf32, #tpu.memory_space<vmem_shared>>)
        tpu.yield
      }) : () -> ()
      %dma_start3A_480 = arith.constant 1 : i32
      %dma_start3A_481 = arith.constant 2 : i32
      %dma_start3A_482 = arith.constant 0 : i32
      %dma_start3A_483 = arith.constant 0 : i32
      %dma_start3A_484 = arith.constant 0 : i32
      %dma_start3A_485 = tpu.memref_slice %arg11[%dma_start3A_482, %dma_start3A_483, %dma_start3A_484] : memref<2x128x128xf32, #tpu.memory_space<vmem>> -> memref<1x128x128xf32, #tpu.memory_space<vmem>>
      %dma_start3A_486 = tpu.memref_squeeze %dma_start3A_485 : memref<1x128x128xf32, #tpu.memory_space<vmem>> -> memref<128x128xf32, #tpu.memory_space<vmem>>
      %dma_start3A_487 = arith.constant 0 : i32
      %dma_start3A_488 = tpu.memref_slice %arg9[%dma_start3A_480, %dma_start3A_481, %dma_start3A_487] : memref<2x8x128xi32, #tpu.memory_space<vmem>> -> memref<1x1x128xi32, #tpu.memory_space<vmem>>
      %dma_start3A_489 = tpu.memref_squeeze %dma_start3A_488 : memref<1x1x128xi32, #tpu.memory_space<vmem>> -> memref<128xi32, #tpu.memory_space<vmem>>
      %dma_start3A_490 = arith.constant 0 : i32
      %dma_start3A_491 = arith.constant 0 : i32
      %dma_start3A_492 = tpu.memref_slice %arg2[%arg0, %dma_start3A_490, %dma_start3A_491] : memref<2x10000x128xf32, #tpu.memory_space<hbm>> -> memref<1x10000x128xf32, #tpu.memory_space<hbm>>
      %dma_start3A_493 = tpu.memref_squeeze %dma_start3A_492 : memref<1x10000x128xf32, #tpu.memory_space<hbm>> -> memref<10000x128xf32, #tpu.memory_space<hbm>>
      %dma_start3A_494 = arith.constant 0 : i32
      %dma_start3A_495 = arith.constant 0 : i32
      %dma_start3A_496 = tpu.memref_slice %dma_start3A_493[%dma_start3A_494, %dma_start3A_495] : memref<10000x128xf32, #tpu.memory_space<hbm>> -> memref<10000x128xf32, #tpu.memory_space<hbm>>
      tpu.enqueue_indirect_dma source(%dma_start3A_496 : memref<10000x128xf32, #tpu.memory_space<hbm>>) target(%dma_start3A_486 : memref<128x128xf32, #tpu.memory_space<vmem>>) offsets(%dma_start3A_489 : memref<128xi32, #tpu.memory_space<vmem>>) semaphore(%arg14 : memref<!tpu.dma_semaphore, #tpu.memory_space<semaphore_mem>>)
      %eq3A_497 = arith.constant 1 : i32
      %eq3A_498 = arith.cmpi eq, %arg0, %eq3A_497 : i32
      %convert_element_type3A_499 = arith.extui %eq3A_498 : i1 to i32
      %cond3A_500 = arith.constant 0 : i32
      %cond3A_501 = arith.cmpi ne, %convert_element_type3A_499, %cond3A_500 : i32
      scf.if %cond3A_501 {
        %get3A = arith.constant 1 : i32
        %get3A_767 = arith.constant 0 : i32
        %get3A_768 = arith.index_cast %get3A : i32 to index
        %get3A_769 = arith.index_cast %get3A_767 : i32 to index
        %get3A_770 = arith.constant 0 : index
        %get3A_771 = tpu.vector_load %arg10[%get3A_768, %get3A_769, %get3A_770] {strides = array<i32>} : memref<2x8x128xi32, #tpu.memory_space<vmem>>, vector<16xi32>,
        tpu.vector_store_idx %arg12[%get3A_771], %broadcast_in_dim3A_67 {add = true} : memref<10240xf32, #tpu.memory_space<vmem>>[vector<16xi32>], vector<16xf32>,
        %get3A_772 = arith.constant 1 : i32
        %get3A_773 = arith.constant 0 : i32
        %get3A_774 = arith.index_cast %get3A_772 : i32 to index
        %get3A_775 = arith.index_cast %get3A_773 : i32 to index
        %get3A_776 = arith.constant 16 : index
        %get3A_777 = tpu.vector_load %arg10[%get3A_774, %get3A_775, %get3A_776] {strides = array<i32>} : memref<2x8x128xi32, #tpu.memory_space<vmem>>, vector<16xi32>,
        tpu.vector_store_idx %arg12[%get3A_777], %broadcast_in_dim3A_67 {add = true} : memref<10240xf32, #tpu.memory_space<vmem>>[vector<16xi32>], vector<16xf32>,
        %get3A_778 = arith.constant 1 : i32
        %get3A_779 = arith.constant 0 : i32
        %get3A_780 = arith.index_cast %get3A_778 : i32 to index
        %get3A_781 = arith.index_cast %get3A_779 : i32 to index
        %get3A_782 = arith.constant 32 : index
        %get3A_783 = tpu.vector_load %arg10[%get3A_780, %get3A_781, %get3A_782] {strides = array<i32>} : memref<2x8x128xi32, #tpu.memory_space<vmem>>, vector<16xi32>,
        tpu.vector_store_idx %arg12[%get3A_783], %broadcast_in_dim3A_67 {add = true} : memref<10240xf32, #tpu.memory_space<vmem>>[vector<16xi32>], vector<16xf32>,
        %get3A_784 = arith.constant 1 : i32
        %get3A_785 = arith.constant 0 : i32
        %get3A_786 = arith.index_cast %get3A_784 : i32 to index
        %get3A_787 = arith.index_cast %get3A_785 : i32 to index
        %get3A_788 = arith.constant 48 : index
        %get3A_789 = tpu.vector_load %arg10[%get3A_786, %get3A_787, %get3A_788] {strides = array<i32>} : memref<2x8x128xi32, #tpu.memory_space<vmem>>, vector<16xi32>,
        tpu.vector_store_idx %arg12[%get3A_789], %broadcast_in_dim3A_67 {add = true} : memref<10240xf32, #tpu.memory_space<vmem>>[vector<16xi32>], vector<16xf32>,
        %get3A_790 = arith.constant 1 : i32
        %get3A_791 = arith.constant 0 : i32
        %get3A_792 = arith.index_cast %get3A_790 : i32 to index
        %get3A_793 = arith.index_cast %get3A_791 : i32 to index
        %get3A_794 = arith.constant 64 : index
        %get3A_795 = tpu.vector_load %arg10[%get3A_792, %get3A_793, %get3A_794] {strides = array<i32>} : memref<2x8x128xi32, #tpu.memory_space<vmem>>, vector<16xi32>,
        tpu.vector_store_idx %arg12[%get3A_795], %broadcast_in_dim3A_67 {add = true} : memref<10240xf32, #tpu.memory_space<vmem>>[vector<16xi32>], vector<16xf32>,
        %get3A_796 = arith.constant 1 : i32
        %get3A_797 = arith.constant 0 : i32
        %get3A_798 = arith.index_cast %get3A_796 : i32 to index
        %get3A_799 = arith.index_cast %get3A_797 : i32 to index
        %get3A_800 = arith.constant 80 : index
        %get3A_801 = tpu.vector_load %arg10[%get3A_798, %get3A_799, %get3A_800] {strides = array<i32>} : memref<2x8x128xi32, #tpu.memory_space<vmem>>, vector<16xi32>,
        tpu.vector_store_idx %arg12[%get3A_801], %broadcast_in_dim3A_67 {add = true} : memref<10240xf32, #tpu.memory_space<vmem>>[vector<16xi32>], vector<16xf32>,
        %get3A_802 = arith.constant 1 : i32
        %get3A_803 = arith.constant 0 : i32
        %get3A_804 = arith.index_cast %get3A_802 : i32 to index
        %get3A_805 = arith.index_cast %get3A_803 : i32 to index
        %get3A_806 = arith.constant 96 : index
        %get3A_807 = tpu.vector_load %arg10[%get3A_804, %get3A_805, %get3A_806] {strides = array<i32>} : memref<2x8x128xi32, #tpu.memory_space<vmem>>, vector<16xi32>,
        tpu.vector_store_idx %arg12[%get3A_807], %broadcast_in_dim3A_67 {add = true} : memref<10240xf32, #tpu.memory_space<vmem>>[vector<16xi32>], vector<16xf32>,
        %get3A_808 = arith.constant 1 : i32
        %get3A_809 = arith.constant 0 : i32
        %get3A_810 = arith.index_cast %get3A_808 : i32 to index
        %get3A_811 = arith.index_cast %get3A_809 : i32 to index
        %get3A_812 = arith.constant 112 : index
        %get3A_813 = tpu.vector_load %arg10[%get3A_810, %get3A_811, %get3A_812] {strides = array<i32>} : memref<2x8x128xi32, #tpu.memory_space<vmem>>, vector<16xi32>,
        tpu.vector_store_idx %arg12[%get3A_813], %broadcast_in_dim3A_67 {add = true} : memref<10240xf32, #tpu.memory_space<vmem>>[vector<16xi32>], vector<16xf32>,
      } else {
      }
      %dma_wait3A_502 = arith.constant 0 : i32
      %dma_wait3A_503 = arith.constant 0 : i32
      %dma_wait3A_504 = arith.constant 1 : i32
      %dma_wait3A_505 = arith.constant 0 : i32
      %dma_wait3A_506 = arith.constant 0 : i32
      %dma_wait3A_507 = tpu.memref_slice %arg11[%dma_wait3A_504, %dma_wait3A_505, %dma_wait3A_506] : memref<2x128x128xf32, #tpu.memory_space<vmem>> -> memref<1x128x128xf32, #tpu.memory_space<vmem>>
      %dma_wait3A_508 = tpu.memref_squeeze %dma_wait3A_507 : memref<1x128x128xf32, #tpu.memory_space<vmem>> -> memref<128x128xf32, #tpu.memory_space<vmem>>
      %dma_wait3A_509 = arith.constant 0 : i32
      %dma_wait3A_510 = tpu.memref_slice %arg9[%dma_wait3A_502, %dma_wait3A_503, %dma_wait3A_509] : memref<2x8x128xi32, #tpu.memory_space<vmem>> -> memref<1x1x128xi32, #tpu.memory_space<vmem>>
      %dma_wait3A_511 = tpu.memref_squeeze %dma_wait3A_510 : memref<1x1x128xi32, #tpu.memory_space<vmem>> -> memref<128xi32, #tpu.memory_space<vmem>>
      %dma_wait3A_512 = arith.constant 0 : i32
      %dma_wait3A_513 = arith.constant 0 : i32
      %dma_wait3A_514 = tpu.memref_slice %arg2[%arg0, %dma_wait3A_512, %dma_wait3A_513] : memref<2x10000x128xf32, #tpu.memory_space<hbm>> -> memref<1x10000x128xf32, #tpu.memory_space<hbm>>
      %dma_wait3A_515 = tpu.memref_squeeze %dma_wait3A_514 : memref<1x10000x128xf32, #tpu.memory_space<hbm>> -> memref<10000x128xf32, #tpu.memory_space<hbm>>
      %dma_wait3A_516 = arith.constant 0 : i32
      %dma_wait3A_517 = arith.constant 0 : i32
      %dma_wait3A_518 = tpu.memref_slice %dma_wait3A_515[%dma_wait3A_516, %dma_wait3A_517] : memref<10000x128xf32, #tpu.memory_space<hbm>> -> memref<10000x128xf32, #tpu.memory_space<hbm>>
      tpu.wait_indirect_dma semaphore(%arg15 : memref<!tpu.dma_semaphore, #tpu.memory_space<semaphore_mem>>) src(%dma_wait3A_518 : memref<10000x128xf32, #tpu.memory_space<hbm>>) dst(%dma_wait3A_508 : memref<128x128xf32, #tpu.memory_space<vmem>>)
      %run_scoped3A_519 = arith.constant 1 : i32
      %run_scoped3A_520 = arith.constant 1 : i32
      %run_scoped3A_521 = arith.constant 1 : i32
      "tpu.region"() ({
        %run_scoped3A_767 = tpu.sem_alloc : memref<!tpu.dma_semaphore, #tpu.memory_space<semaphore_mem>>
        %dma_start3A_768 = arith.constant 0 : i32
        %dma_start3A_769 = arith.constant 0 : i32
        %dma_start3A_770 = tpu.memref_slice %arg11[%run_scoped3A_519, %dma_start3A_768, %dma_start3A_769] : memref<2x128x128xf32, #tpu.memory_space<vmem>> -> memref<1x128x128xf32, #tpu.memory_space<vmem>>
        %dma_start3A_771 = tpu.memref_squeeze %dma_start3A_770 : memref<1x128x128xf32, #tpu.memory_space<vmem>> -> memref<128x128xf32, #tpu.memory_space<vmem>>
        %dma_start3A_772 = arith.constant 0 : i32
        %dma_start3A_773 = tpu.memref_slice %arg10[%run_scoped3A_520, %run_scoped3A_521, %dma_start3A_772] : memref<2x8x128xi32, #tpu.memory_space<vmem>> -> memref<1x1x128xi32, #tpu.memory_space<vmem>>
        %dma_start3A_774 = tpu.memref_squeeze %dma_start3A_773 : memref<1x1x128xi32, #tpu.memory_space<vmem>> -> memref<128xi32, #tpu.memory_space<vmem>>
        %dma_start3A_775 = arith.constant 0 : i32
        %dma_start3A_776 = arith.constant 0 : i32
        %dma_start3A_777 = tpu.memref_slice %arg13[%dma_start3A_775, %dma_start3A_776] : memref<10240x128xf32, #tpu.memory_space<vmem_shared>> -> memref<10240x128xf32, #tpu.memory_space<vmem_shared>>
        tpu.enqueue_indirect_dma source(%dma_start3A_771 : memref<128x128xf32, #tpu.memory_space<vmem>>) target(%dma_start3A_777 : memref<10240x128xf32, #tpu.memory_space<vmem_shared>>) offsets(%dma_start3A_774 : memref<128xi32, #tpu.memory_space<vmem>>) semaphore(%run_scoped3A_767 : memref<!tpu.dma_semaphore, #tpu.memory_space<semaphore_mem>>) {add = true}
        %dma_wait3A_778 = arith.constant 0 : i32
        %dma_wait3A_779 = arith.constant 0 : i32
        %dma_wait3A_780 = tpu.memref_slice %arg11[%run_scoped3A_519, %dma_wait3A_778, %dma_wait3A_779] : memref<2x128x128xf32, #tpu.memory_space<vmem>> -> memref<1x128x128xf32, #tpu.memory_space<vmem>>
        %dma_wait3A_781 = tpu.memref_squeeze %dma_wait3A_780 : memref<1x128x128xf32, #tpu.memory_space<vmem>> -> memref<128x128xf32, #tpu.memory_space<vmem>>
        %dma_wait3A_782 = arith.constant 0 : i32
        %dma_wait3A_783 = tpu.memref_slice %arg10[%run_scoped3A_520, %run_scoped3A_521, %dma_wait3A_782] : memref<2x8x128xi32, #tpu.memory_space<vmem>> -> memref<1x1x128xi32, #tpu.memory_space<vmem>>
        %dma_wait3A_784 = tpu.memref_squeeze %dma_wait3A_783 : memref<1x1x128xi32, #tpu.memory_space<vmem>> -> memref<128xi32, #tpu.memory_space<vmem>>
        %dma_wait3A_785 = arith.constant 0 : i32
        %dma_wait3A_786 = arith.constant 0 : i32
        %dma_wait3A_787 = tpu.memref_slice %arg13[%dma_wait3A_785, %dma_wait3A_786] : memref<10240x128xf32, #tpu.memory_space<vmem_shared>> -> memref<10240x128xf32, #tpu.memory_space<vmem_shared>>
        tpu.wait_indirect_dma semaphore(%run_scoped3A_767 : memref<!tpu.dma_semaphore, #tpu.memory_space<semaphore_mem>>) src(%dma_wait3A_781 : memref<128x128xf32, #tpu.memory_space<vmem>>) dst(%dma_wait3A_787 : memref<10240x128xf32, #tpu.memory_space<vmem_shared>>)
        tpu.yield
      }) : () -> ()
      %dma_start3A_522 = arith.constant 1 : i32
      %dma_start3A_523 = arith.constant 3 : i32
      %dma_start3A_524 = arith.constant 1 : i32
      %dma_start3A_525 = arith.constant 0 : i32
      %dma_start3A_526 = arith.constant 0 : i32
      %dma_start3A_527 = tpu.memref_slice %arg11[%dma_start3A_524, %dma_start3A_525, %dma_start3A_526] : memref<2x128x128xf32, #tpu.memory_space<vmem>> -> memref<1x128x128xf32, #tpu.memory_space<vmem>>
      %dma_start3A_528 = tpu.memref_squeeze %dma_start3A_527 : memref<1x128x128xf32, #tpu.memory_space<vmem>> -> memref<128x128xf32, #tpu.memory_space<vmem>>
      %dma_start3A_529 = arith.constant 0 : i32
      %dma_start3A_530 = tpu.memref_slice %arg9[%dma_start3A_522, %dma_start3A_523, %dma_start3A_529] : memref<2x8x128xi32, #tpu.memory_space<vmem>> -> memref<1x1x128xi32, #tpu.memory_space<vmem>>
      %dma_start3A_531 = tpu.memref_squeeze %dma_start3A_530 : memref<1x1x128xi32, #tpu.memory_space<vmem>> -> memref<128xi32, #tpu.memory_space<vmem>>
      %dma_start3A_532 = arith.constant 0 : i32
      %dma_start3A_533 = arith.constant 0 : i32
      %dma_start3A_534 = tpu.memref_slice %arg2[%arg0, %dma_start3A_532, %dma_start3A_533] : memref<2x10000x128xf32, #tpu.memory_space<hbm>> -> memref<1x10000x128xf32, #tpu.memory_space<hbm>>
      %dma_start3A_535 = tpu.memref_squeeze %dma_start3A_534 : memref<1x10000x128xf32, #tpu.memory_space<hbm>> -> memref<10000x128xf32, #tpu.memory_space<hbm>>
      %dma_start3A_536 = arith.constant 0 : i32
      %dma_start3A_537 = arith.constant 0 : i32
      %dma_start3A_538 = tpu.memref_slice %dma_start3A_535[%dma_start3A_536, %dma_start3A_537] : memref<10000x128xf32, #tpu.memory_space<hbm>> -> memref<10000x128xf32, #tpu.memory_space<hbm>>
      tpu.enqueue_indirect_dma source(%dma_start3A_538 : memref<10000x128xf32, #tpu.memory_space<hbm>>) target(%dma_start3A_528 : memref<128x128xf32, #tpu.memory_space<vmem>>) offsets(%dma_start3A_531 : memref<128xi32, #tpu.memory_space<vmem>>) semaphore(%arg15 : memref<!tpu.dma_semaphore, #tpu.memory_space<semaphore_mem>>)
      %eq3A_539 = arith.constant 1 : i32
      %eq3A_540 = arith.cmpi eq, %arg0, %eq3A_539 : i32
      %convert_element_type3A_541 = arith.extui %eq3A_540 : i1 to i32
      %cond3A_542 = arith.constant 0 : i32
      %cond3A_543 = arith.cmpi ne, %convert_element_type3A_541, %cond3A_542 : i32
      scf.if %cond3A_543 {
        %get3A = arith.constant 1 : i32
        %get3A_767 = arith.constant 1 : i32
        %get3A_768 = arith.index_cast %get3A : i32 to index
        %get3A_769 = arith.index_cast %get3A_767 : i32 to index
        %get3A_770 = arith.constant 0 : index
        %get3A_771 = tpu.vector_load %arg10[%get3A_768, %get3A_769, %get3A_770] {strides = array<i32>} : memref<2x8x128xi32, #tpu.memory_space<vmem>>, vector<16xi32>,
        tpu.vector_store_idx %arg12[%get3A_771], %broadcast_in_dim3A_67 {add = true} : memref<10240xf32, #tpu.memory_space<vmem>>[vector<16xi32>], vector<16xf32>,
        %get3A_772 = arith.constant 1 : i32
        %get3A_773 = arith.constant 1 : i32
        %get3A_774 = arith.index_cast %get3A_772 : i32 to index
        %get3A_775 = arith.index_cast %get3A_773 : i32 to index
        %get3A_776 = arith.constant 16 : index
        %get3A_777 = tpu.vector_load %arg10[%get3A_774, %get3A_775, %get3A_776] {strides = array<i32>} : memref<2x8x128xi32, #tpu.memory_space<vmem>>, vector<16xi32>,
        tpu.vector_store_idx %arg12[%get3A_777], %broadcast_in_dim3A_67 {add = true} : memref<10240xf32, #tpu.memory_space<vmem>>[vector<16xi32>], vector<16xf32>,
        %get3A_778 = arith.constant 1 : i32
        %get3A_779 = arith.constant 1 : i32
        %get3A_780 = arith.index_cast %get3A_778 : i32 to index
        %get3A_781 = arith.index_cast %get3A_779 : i32 to index
        %get3A_782 = arith.constant 32 : index
        %get3A_783 = tpu.vector_load %arg10[%get3A_780, %get3A_781, %get3A_782] {strides = array<i32>} : memref<2x8x128xi32, #tpu.memory_space<vmem>>, vector<16xi32>,
        tpu.vector_store_idx %arg12[%get3A_783], %broadcast_in_dim3A_67 {add = true} : memref<10240xf32, #tpu.memory_space<vmem>>[vector<16xi32>], vector<16xf32>,
        %get3A_784 = arith.constant 1 : i32
        %get3A_785 = arith.constant 1 : i32
        %get3A_786 = arith.index_cast %get3A_784 : i32 to index
        %get3A_787 = arith.index_cast %get3A_785 : i32 to index
        %get3A_788 = arith.constant 48 : index
        %get3A_789 = tpu.vector_load %arg10[%get3A_786, %get3A_787, %get3A_788] {strides = array<i32>} : memref<2x8x128xi32, #tpu.memory_space<vmem>>, vector<16xi32>,
        tpu.vector_store_idx %arg12[%get3A_789], %broadcast_in_dim3A_67 {add = true} : memref<10240xf32, #tpu.memory_space<vmem>>[vector<16xi32>], vector<16xf32>,
        %get3A_790 = arith.constant 1 : i32
        %get3A_791 = arith.constant 1 : i32
        %get3A_792 = arith.index_cast %get3A_790 : i32 to index
        %get3A_793 = arith.index_cast %get3A_791 : i32 to index
        %get3A_794 = arith.constant 64 : index
        %get3A_795 = tpu.vector_load %arg10[%get3A_792, %get3A_793, %get3A_794] {strides = array<i32>} : memref<2x8x128xi32, #tpu.memory_space<vmem>>, vector<16xi32>,
        tpu.vector_store_idx %arg12[%get3A_795], %broadcast_in_dim3A_67 {add = true} : memref<10240xf32, #tpu.memory_space<vmem>>[vector<16xi32>], vector<16xf32>,
        %get3A_796 = arith.constant 1 : i32
        %get3A_797 = arith.constant 1 : i32
        %get3A_798 = arith.index_cast %get3A_796 : i32 to index
        %get3A_799 = arith.index_cast %get3A_797 : i32 to index
        %get3A_800 = arith.constant 80 : index
        %get3A_801 = tpu.vector_load %arg10[%get3A_798, %get3A_799, %get3A_800] {strides = array<i32>} : memref<2x8x128xi32, #tpu.memory_space<vmem>>, vector<16xi32>,
        tpu.vector_store_idx %arg12[%get3A_801], %broadcast_in_dim3A_67 {add = true} : memref<10240xf32, #tpu.memory_space<vmem>>[vector<16xi32>], vector<16xf32>,
        %get3A_802 = arith.constant 1 : i32
        %get3A_803 = arith.constant 1 : i32
        %get3A_804 = arith.index_cast %get3A_802 : i32 to index
        %get3A_805 = arith.index_cast %get3A_803 : i32 to index
        %get3A_806 = arith.constant 96 : index
        %get3A_807 = tpu.vector_load %arg10[%get3A_804, %get3A_805, %get3A_806] {strides = array<i32>} : memref<2x8x128xi32, #tpu.memory_space<vmem>>, vector<16xi32>,
        tpu.vector_store_idx %arg12[%get3A_807], %broadcast_in_dim3A_67 {add = true} : memref<10240xf32, #tpu.memory_space<vmem>>[vector<16xi32>], vector<16xf32>,
        %get3A_808 = arith.constant 1 : i32
        %get3A_809 = arith.constant 1 : i32
        %get3A_810 = arith.index_cast %get3A_808 : i32 to index
        %get3A_811 = arith.index_cast %get3A_809 : i32 to index
        %get3A_812 = arith.constant 112 : index
        %get3A_813 = tpu.vector_load %arg10[%get3A_810, %get3A_811, %get3A_812] {strides = array<i32>} : memref<2x8x128xi32, #tpu.memory_space<vmem>>, vector<16xi32>,
        tpu.vector_store_idx %arg12[%get3A_813], %broadcast_in_dim3A_67 {add = true} : memref<10240xf32, #tpu.memory_space<vmem>>[vector<16xi32>], vector<16xf32>,
      } else {
      }
      %dma_wait3A_544 = arith.constant 0 : i32
      %dma_wait3A_545 = arith.constant 0 : i32
      %dma_wait3A_546 = arith.constant 0 : i32
      %dma_wait3A_547 = arith.constant 0 : i32
      %dma_wait3A_548 = arith.constant 0 : i32
      %dma_wait3A_549 = tpu.memref_slice %arg11[%dma_wait3A_546, %dma_wait3A_547, %dma_wait3A_548] : memref<2x128x128xf32, #tpu.memory_space<vmem>> -> memref<1x128x128xf32, #tpu.memory_space<vmem>>
      %dma_wait3A_550 = tpu.memref_squeeze %dma_wait3A_549 : memref<1x128x128xf32, #tpu.memory_space<vmem>> -> memref<128x128xf32, #tpu.memory_space<vmem>>
      %dma_wait3A_551 = arith.constant 0 : i32
      %dma_wait3A_552 = tpu.memref_slice %arg9[%dma_wait3A_544, %dma_wait3A_545, %dma_wait3A_551] : memref<2x8x128xi32, #tpu.memory_space<vmem>> -> memref<1x1x128xi32, #tpu.memory_space<vmem>>
      %dma_wait3A_553 = tpu.memref_squeeze %dma_wait3A_552 : memref<1x1x128xi32, #tpu.memory_space<vmem>> -> memref<128xi32, #tpu.memory_space<vmem>>
      %dma_wait3A_554 = arith.constant 0 : i32
      %dma_wait3A_555 = arith.constant 0 : i32
      %dma_wait3A_556 = tpu.memref_slice %arg2[%arg0, %dma_wait3A_554, %dma_wait3A_555] : memref<2x10000x128xf32, #tpu.memory_space<hbm>> -> memref<1x10000x128xf32, #tpu.memory_space<hbm>>
      %dma_wait3A_557 = tpu.memref_squeeze %dma_wait3A_556 : memref<1x10000x128xf32, #tpu.memory_space<hbm>> -> memref<10000x128xf32, #tpu.memory_space<hbm>>
      %dma_wait3A_558 = arith.constant 0 : i32
      %dma_wait3A_559 = arith.constant 0 : i32
      %dma_wait3A_560 = tpu.memref_slice %dma_wait3A_557[%dma_wait3A_558, %dma_wait3A_559] : memref<10000x128xf32, #tpu.memory_space<hbm>> -> memref<10000x128xf32, #tpu.memory_space<hbm>>
      tpu.wait_indirect_dma semaphore(%arg14 : memref<!tpu.dma_semaphore, #tpu.memory_space<semaphore_mem>>) src(%dma_wait3A_560 : memref<10000x128xf32, #tpu.memory_space<hbm>>) dst(%dma_wait3A_550 : memref<128x128xf32, #tpu.memory_space<vmem>>)
      %run_scoped3A_561 = arith.constant 0 : i32
      %run_scoped3A_562 = arith.constant 1 : i32
      %run_scoped3A_563 = arith.constant 2 : i32
      "tpu.region"() ({
        %run_scoped3A_767 = tpu.sem_alloc : memref<!tpu.dma_semaphore, #tpu.memory_space<semaphore_mem>>
        %dma_start3A_768 = arith.constant 0 : i32
        %dma_start3A_769 = arith.constant 0 : i32
        %dma_start3A_770 = tpu.memref_slice %arg11[%run_scoped3A_561, %dma_start3A_768, %dma_start3A_769] : memref<2x128x128xf32, #tpu.memory_space<vmem>> -> memref<1x128x128xf32, #tpu.memory_space<vmem>>
        %dma_start3A_771 = tpu.memref_squeeze %dma_start3A_770 : memref<1x128x128xf32, #tpu.memory_space<vmem>> -> memref<128x128xf32, #tpu.memory_space<vmem>>
        %dma_start3A_772 = arith.constant 0 : i32
        %dma_start3A_773 = tpu.memref_slice %arg10[%run_scoped3A_562, %run_scoped3A_563, %dma_start3A_772] : memref<2x8x128xi32, #tpu.memory_space<vmem>> -> memref<1x1x128xi32, #tpu.memory_space<vmem>>
        %dma_start3A_774 = tpu.memref_squeeze %dma_start3A_773 : memref<1x1x128xi32, #tpu.memory_space<vmem>> -> memref<128xi32, #tpu.memory_space<vmem>>
        %dma_start3A_775 = arith.constant 0 : i32
        %dma_start3A_776 = arith.constant 0 : i32
        %dma_start3A_777 = tpu.memref_slice %arg13[%dma_start3A_775, %dma_start3A_776] : memref<10240x128xf32, #tpu.memory_space<vmem_shared>> -> memref<10240x128xf32, #tpu.memory_space<vmem_shared>>
        tpu.enqueue_indirect_dma source(%dma_start3A_771 : memref<128x128xf32, #tpu.memory_space<vmem>>) target(%dma_start3A_777 : memref<10240x128xf32, #tpu.memory_space<vmem_shared>>) offsets(%dma_start3A_774 : memref<128xi32, #tpu.memory_space<vmem>>) semaphore(%run_scoped3A_767 : memref<!tpu.dma_semaphore, #tpu.memory_space<semaphore_mem>>) {add = true}
        %dma_wait3A_778 = arith.constant 0 : i32
        %dma_wait3A_779 = arith.constant 0 : i32
        %dma_wait3A_780 = tpu.memref_slice %arg11[%run_scoped3A_561, %dma_wait3A_778, %dma_wait3A_779] : memref<2x128x128xf32, #tpu.memory_space<vmem>> -> memref<1x128x128xf32, #tpu.memory_space<vmem>>
        %dma_wait3A_781 = tpu.memref_squeeze %dma_wait3A_780 : memref<1x128x128xf32, #tpu.memory_space<vmem>> -> memref<128x128xf32, #tpu.memory_space<vmem>>
        %dma_wait3A_782 = arith.constant 0 : i32
        %dma_wait3A_783 = tpu.memref_slice %arg10[%run_scoped3A_562, %run_scoped3A_563, %dma_wait3A_782] : memref<2x8x128xi32, #tpu.memory_space<vmem>> -> memref<1x1x128xi32, #tpu.memory_space<vmem>>
        %dma_wait3A_784 = tpu.memref_squeeze %dma_wait3A_783 : memref<1x1x128xi32, #tpu.memory_space<vmem>> -> memref<128xi32, #tpu.memory_space<vmem>>
        %dma_wait3A_785 = arith.constant 0 : i32
        %dma_wait3A_786 = arith.constant 0 : i32
        %dma_wait3A_787 = tpu.memref_slice %arg13[%dma_wait3A_785, %dma_wait3A_786] : memref<10240x128xf32, #tpu.memory_space<vmem_shared>> -> memref<10240x128xf32, #tpu.memory_space<vmem_shared>>
        tpu.wait_indirect_dma semaphore(%run_scoped3A_767 : memref<!tpu.dma_semaphore, #tpu.memory_space<semaphore_mem>>) src(%dma_wait3A_781 : memref<128x128xf32, #tpu.memory_space<vmem>>) dst(%dma_wait3A_787 : memref<10240x128xf32, #tpu.memory_space<vmem_shared>>)
        tpu.yield
      }) : () -> ()
      %dma_start3A_564 = arith.constant 1 : i32
      %dma_start3A_565 = arith.constant 4 : i32
      %dma_start3A_566 = arith.constant 0 : i32
      %dma_start3A_567 = arith.constant 0 : i32
      %dma_start3A_568 = arith.constant 0 : i32
      %dma_start3A_569 = tpu.memref_slice %arg11[%dma_start3A_566, %dma_start3A_567, %dma_start3A_568] : memref<2x128x128xf32, #tpu.memory_space<vmem>> -> memref<1x128x128xf32, #tpu.memory_space<vmem>>
      %dma_start3A_570 = tpu.memref_squeeze %dma_start3A_569 : memref<1x128x128xf32, #tpu.memory_space<vmem>> -> memref<128x128xf32, #tpu.memory_space<vmem>>
      %dma_start3A_571 = arith.constant 0 : i32
      %dma_start3A_572 = tpu.memref_slice %arg9[%dma_start3A_564, %dma_start3A_565, %dma_start3A_571] : memref<2x8x128xi32, #tpu.memory_space<vmem>> -> memref<1x1x128xi32, #tpu.memory_space<vmem>>
      %dma_start3A_573 = tpu.memref_squeeze %dma_start3A_572 : memref<1x1x128xi32, #tpu.memory_space<vmem>> -> memref<128xi32, #tpu.memory_space<vmem>>
      %dma_start3A_574 = arith.constant 0 : i32
      %dma_start3A_575 = arith.constant 0 : i32
      %dma_start3A_576 = tpu.memref_slice %arg2[%arg0, %dma_start3A_574, %dma_start3A_575] : memref<2x10000x128xf32, #tpu.memory_space<hbm>> -> memref<1x10000x128xf32, #tpu.memory_space<hbm>>
      %dma_start3A_577 = tpu.memref_squeeze %dma_start3A_576 : memref<1x10000x128xf32, #tpu.memory_space<hbm>> -> memref<10000x128xf32, #tpu.memory_space<hbm>>
      %dma_start3A_578 = arith.constant 0 : i32
      %dma_start3A_579 = arith.constant 0 : i32
      %dma_start3A_580 = tpu.memref_slice %dma_start3A_577[%dma_start3A_578, %dma_start3A_579] : memref<10000x128xf32, #tpu.memory_space<hbm>> -> memref<10000x128xf32, #tpu.memory_space<hbm>>
      tpu.enqueue_indirect_dma source(%dma_start3A_580 : memref<10000x128xf32, #tpu.memory_space<hbm>>) target(%dma_start3A_570 : memref<128x128xf32, #tpu.memory_space<vmem>>) offsets(%dma_start3A_573 : memref<128xi32, #tpu.memory_space<vmem>>) semaphore(%arg14 : memref<!tpu.dma_semaphore, #tpu.memory_space<semaphore_mem>>)
      %eq3A_581 = arith.constant 1 : i32
      %eq3A_582 = arith.cmpi eq, %arg0, %eq3A_581 : i32
      %convert_element_type3A_583 = arith.extui %eq3A_582 : i1 to i32
      %cond3A_584 = arith.constant 0 : i32
      %cond3A_585 = arith.cmpi ne, %convert_element_type3A_583, %cond3A_584 : i32
      scf.if %cond3A_585 {
        %get3A = arith.constant 1 : i32
        %get3A_767 = arith.constant 2 : i32
        %get3A_768 = arith.index_cast %get3A : i32 to index
        %get3A_769 = arith.index_cast %get3A_767 : i32 to index
        %get3A_770 = arith.constant 0 : index
        %get3A_771 = tpu.vector_load %arg10[%get3A_768, %get3A_769, %get3A_770] {strides = array<i32>} : memref<2x8x128xi32, #tpu.memory_space<vmem>>, vector<16xi32>,
        tpu.vector_store_idx %arg12[%get3A_771], %broadcast_in_dim3A_67 {add = true} : memref<10240xf32, #tpu.memory_space<vmem>>[vector<16xi32>], vector<16xf32>,
        %get3A_772 = arith.constant 1 : i32
        %get3A_773 = arith.constant 2 : i32
        %get3A_774 = arith.index_cast %get3A_772 : i32 to index
        %get3A_775 = arith.index_cast %get3A_773 : i32 to index
        %get3A_776 = arith.constant 16 : index
        %get3A_777 = tpu.vector_load %arg10[%get3A_774, %get3A_775, %get3A_776] {strides = array<i32>} : memref<2x8x128xi32, #tpu.memory_space<vmem>>, vector<16xi32>,
        tpu.vector_store_idx %arg12[%get3A_777], %broadcast_in_dim3A_67 {add = true} : memref<10240xf32, #tpu.memory_space<vmem>>[vector<16xi32>], vector<16xf32>,
        %get3A_778 = arith.constant 1 : i32
        %get3A_779 = arith.constant 2 : i32
        %get3A_780 = arith.index_cast %get3A_778 : i32 to index
        %get3A_781 = arith.index_cast %get3A_779 : i32 to index
        %get3A_782 = arith.constant 32 : index
        %get3A_783 = tpu.vector_load %arg10[%get3A_780, %get3A_781, %get3A_782] {strides = array<i32>} : memref<2x8x128xi32, #tpu.memory_space<vmem>>, vector<16xi32>,
        tpu.vector_store_idx %arg12[%get3A_783], %broadcast_in_dim3A_67 {add = true} : memref<10240xf32, #tpu.memory_space<vmem>>[vector<16xi32>], vector<16xf32>,
        %get3A_784 = arith.constant 1 : i32
        %get3A_785 = arith.constant 2 : i32
        %get3A_786 = arith.index_cast %get3A_784 : i32 to index
        %get3A_787 = arith.index_cast %get3A_785 : i32 to index
        %get3A_788 = arith.constant 48 : index
        %get3A_789 = tpu.vector_load %arg10[%get3A_786, %get3A_787, %get3A_788] {strides = array<i32>} : memref<2x8x128xi32, #tpu.memory_space<vmem>>, vector<16xi32>,
        tpu.vector_store_idx %arg12[%get3A_789], %broadcast_in_dim3A_67 {add = true} : memref<10240xf32, #tpu.memory_space<vmem>>[vector<16xi32>], vector<16xf32>,
        %get3A_790 = arith.constant 1 : i32
        %get3A_791 = arith.constant 2 : i32
        %get3A_792 = arith.index_cast %get3A_790 : i32 to index
        %get3A_793 = arith.index_cast %get3A_791 : i32 to index
        %get3A_794 = arith.constant 64 : index
        %get3A_795 = tpu.vector_load %arg10[%get3A_792, %get3A_793, %get3A_794] {strides = array<i32>} : memref<2x8x128xi32, #tpu.memory_space<vmem>>, vector<16xi32>,
        tpu.vector_store_idx %arg12[%get3A_795], %broadcast_in_dim3A_67 {add = true} : memref<10240xf32, #tpu.memory_space<vmem>>[vector<16xi32>], vector<16xf32>,
        %get3A_796 = arith.constant 1 : i32
        %get3A_797 = arith.constant 2 : i32
        %get3A_798 = arith.index_cast %get3A_796 : i32 to index
        %get3A_799 = arith.index_cast %get3A_797 : i32 to index
        %get3A_800 = arith.constant 80 : index
        %get3A_801 = tpu.vector_load %arg10[%get3A_798, %get3A_799, %get3A_800] {strides = array<i32>} : memref<2x8x128xi32, #tpu.memory_space<vmem>>, vector<16xi32>,
        tpu.vector_store_idx %arg12[%get3A_801], %broadcast_in_dim3A_67 {add = true} : memref<10240xf32, #tpu.memory_space<vmem>>[vector<16xi32>], vector<16xf32>,
        %get3A_802 = arith.constant 1 : i32
        %get3A_803 = arith.constant 2 : i32
        %get3A_804 = arith.index_cast %get3A_802 : i32 to index
        %get3A_805 = arith.index_cast %get3A_803 : i32 to index
        %get3A_806 = arith.constant 96 : index
        %get3A_807 = tpu.vector_load %arg10[%get3A_804, %get3A_805, %get3A_806] {strides = array<i32>} : memref<2x8x128xi32, #tpu.memory_space<vmem>>, vector<16xi32>,
        tpu.vector_store_idx %arg12[%get3A_807], %broadcast_in_dim3A_67 {add = true} : memref<10240xf32, #tpu.memory_space<vmem>>[vector<16xi32>], vector<16xf32>,
        %get3A_808 = arith.constant 1 : i32
        %get3A_809 = arith.constant 2 : i32
        %get3A_810 = arith.index_cast %get3A_808 : i32 to index
        %get3A_811 = arith.index_cast %get3A_809 : i32 to index
        %get3A_812 = arith.constant 112 : index
        %get3A_813 = tpu.vector_load %arg10[%get3A_810, %get3A_811, %get3A_812] {strides = array<i32>} : memref<2x8x128xi32, #tpu.memory_space<vmem>>, vector<16xi32>,
        tpu.vector_store_idx %arg12[%get3A_813], %broadcast_in_dim3A_67 {add = true} : memref<10240xf32, #tpu.memory_space<vmem>>[vector<16xi32>], vector<16xf32>,
      } else {
      }
      %dma_wait3A_586 = arith.constant 0 : i32
      %dma_wait3A_587 = arith.constant 0 : i32
      %dma_wait3A_588 = arith.constant 1 : i32
      %dma_wait3A_589 = arith.constant 0 : i32
      %dma_wait3A_590 = arith.constant 0 : i32
      %dma_wait3A_591 = tpu.memref_slice %arg11[%dma_wait3A_588, %dma_wait3A_589, %dma_wait3A_590] : memref<2x128x128xf32, #tpu.memory_space<vmem>> -> memref<1x128x128xf32, #tpu.memory_space<vmem>>
      %dma_wait3A_592 = tpu.memref_squeeze %dma_wait3A_591 : memref<1x128x128xf32, #tpu.memory_space<vmem>> -> memref<128x128xf32, #tpu.memory_space<vmem>>
      %dma_wait3A_593 = arith.constant 0 : i32
      %dma_wait3A_594 = tpu.memref_slice %arg9[%dma_wait3A_586, %dma_wait3A_587, %dma_wait3A_593] : memref<2x8x128xi32, #tpu.memory_space<vmem>> -> memref<1x1x128xi32, #tpu.memory_space<vmem>>
      %dma_wait3A_595 = tpu.memref_squeeze %dma_wait3A_594 : memref<1x1x128xi32, #tpu.memory_space<vmem>> -> memref<128xi32, #tpu.memory_space<vmem>>
      %dma_wait3A_596 = arith.constant 0 : i32
      %dma_wait3A_597 = arith.constant 0 : i32
      %dma_wait3A_598 = tpu.memref_slice %arg2[%arg0, %dma_wait3A_596, %dma_wait3A_597] : memref<2x10000x128xf32, #tpu.memory_space<hbm>> -> memref<1x10000x128xf32, #tpu.memory_space<hbm>>
      %dma_wait3A_599 = tpu.memref_squeeze %dma_wait3A_598 : memref<1x10000x128xf32, #tpu.memory_space<hbm>> -> memref<10000x128xf32, #tpu.memory_space<hbm>>
      %dma_wait3A_600 = arith.constant 0 : i32
      %dma_wait3A_601 = arith.constant 0 : i32
      %dma_wait3A_602 = tpu.memref_slice %dma_wait3A_599[%dma_wait3A_600, %dma_wait3A_601] : memref<10000x128xf32, #tpu.memory_space<hbm>> -> memref<10000x128xf32, #tpu.memory_space<hbm>>
      tpu.wait_indirect_dma semaphore(%arg15 : memref<!tpu.dma_semaphore, #tpu.memory_space<semaphore_mem>>) src(%dma_wait3A_602 : memref<10000x128xf32, #tpu.memory_space<hbm>>) dst(%dma_wait3A_592 : memref<128x128xf32, #tpu.memory_space<vmem>>)
      %run_scoped3A_603 = arith.constant 1 : i32
      %run_scoped3A_604 = arith.constant 1 : i32
      %run_scoped3A_605 = arith.constant 3 : i32
      "tpu.region"() ({
        %run_scoped3A_767 = tpu.sem_alloc : memref<!tpu.dma_semaphore, #tpu.memory_space<semaphore_mem>>
        %dma_start3A_768 = arith.constant 0 : i32
        %dma_start3A_769 = arith.constant 0 : i32
        %dma_start3A_770 = tpu.memref_slice %arg11[%run_scoped3A_603, %dma_start3A_768, %dma_start3A_769] : memref<2x128x128xf32, #tpu.memory_space<vmem>> -> memref<1x128x128xf32, #tpu.memory_space<vmem>>
        %dma_start3A_771 = tpu.memref_squeeze %dma_start3A_770 : memref<1x128x128xf32, #tpu.memory_space<vmem>> -> memref<128x128xf32, #tpu.memory_space<vmem>>
        %dma_start3A_772 = arith.constant 0 : i32
        %dma_start3A_773 = tpu.memref_slice %arg10[%run_scoped3A_604, %run_scoped3A_605, %dma_start3A_772] : memref<2x8x128xi32, #tpu.memory_space<vmem>> -> memref<1x1x128xi32, #tpu.memory_space<vmem>>
        %dma_start3A_774 = tpu.memref_squeeze %dma_start3A_773 : memref<1x1x128xi32, #tpu.memory_space<vmem>> -> memref<128xi32, #tpu.memory_space<vmem>>
        %dma_start3A_775 = arith.constant 0 : i32
        %dma_start3A_776 = arith.constant 0 : i32
        %dma_start3A_777 = tpu.memref_slice %arg13[%dma_start3A_775, %dma_start3A_776] : memref<10240x128xf32, #tpu.memory_space<vmem_shared>> -> memref<10240x128xf32, #tpu.memory_space<vmem_shared>>
        tpu.enqueue_indirect_dma source(%dma_start3A_771 : memref<128x128xf32, #tpu.memory_space<vmem>>) target(%dma_start3A_777 : memref<10240x128xf32, #tpu.memory_space<vmem_shared>>) offsets(%dma_start3A_774 : memref<128xi32, #tpu.memory_space<vmem>>) semaphore(%run_scoped3A_767 : memref<!tpu.dma_semaphore, #tpu.memory_space<semaphore_mem>>) {add = true}
        %dma_wait3A_778 = arith.constant 0 : i32
        %dma_wait3A_779 = arith.constant 0 : i32
        %dma_wait3A_780 = tpu.memref_slice %arg11[%run_scoped3A_603, %dma_wait3A_778, %dma_wait3A_779] : memref<2x128x128xf32, #tpu.memory_space<vmem>> -> memref<1x128x128xf32, #tpu.memory_space<vmem>>
        %dma_wait3A_781 = tpu.memref_squeeze %dma_wait3A_780 : memref<1x128x128xf32, #tpu.memory_space<vmem>> -> memref<128x128xf32, #tpu.memory_space<vmem>>
        %dma_wait3A_782 = arith.constant 0 : i32
        %dma_wait3A_783 = tpu.memref_slice %arg10[%run_scoped3A_604, %run_scoped3A_605, %dma_wait3A_782] : memref<2x8x128xi32, #tpu.memory_space<vmem>> -> memref<1x1x128xi32, #tpu.memory_space<vmem>>
        %dma_wait3A_784 = tpu.memref_squeeze %dma_wait3A_783 : memref<1x1x128xi32, #tpu.memory_space<vmem>> -> memref<128xi32, #tpu.memory_space<vmem>>
        %dma_wait3A_785 = arith.constant 0 : i32
        %dma_wait3A_786 = arith.constant 0 : i32
        %dma_wait3A_787 = tpu.memref_slice %arg13[%dma_wait3A_785, %dma_wait3A_786] : memref<10240x128xf32, #tpu.memory_space<vmem_shared>> -> memref<10240x128xf32, #tpu.memory_space<vmem_shared>>
        tpu.wait_indirect_dma semaphore(%run_scoped3A_767 : memref<!tpu.dma_semaphore, #tpu.memory_space<semaphore_mem>>) src(%dma_wait3A_781 : memref<128x128xf32, #tpu.memory_space<vmem>>) dst(%dma_wait3A_787 : memref<10240x128xf32, #tpu.memory_space<vmem_shared>>)
        tpu.yield
      }) : () -> ()
      %dma_start3A_606 = arith.constant 1 : i32
      %dma_start3A_607 = arith.constant 5 : i32
      %dma_start3A_608 = arith.constant 1 : i32
      %dma_start3A_609 = arith.constant 0 : i32
      %dma_start3A_610 = arith.constant 0 : i32
      %dma_start3A_611 = tpu.memref_slice %arg11[%dma_start3A_608, %dma_start3A_609, %dma_start3A_610] : memref<2x128x128xf32, #tpu.memory_space<vmem>> -> memref<1x128x128xf32, #tpu.memory_space<vmem>>
      %dma_start3A_612 = tpu.memref_squeeze %dma_start3A_611 : memref<1x128x128xf32, #tpu.memory_space<vmem>> -> memref<128x128xf32, #tpu.memory_space<vmem>>
      %dma_start3A_613 = arith.constant 0 : i32
      %dma_start3A_614 = tpu.memref_slice %arg9[%dma_start3A_606, %dma_start3A_607, %dma_start3A_613] : memref<2x8x128xi32, #tpu.memory_space<vmem>> -> memref<1x1x128xi32, #tpu.memory_space<vmem>>
      %dma_start3A_615 = tpu.memref_squeeze %dma_start3A_614 : memref<1x1x128xi32, #tpu.memory_space<vmem>> -> memref<128xi32, #tpu.memory_space<vmem>>
      %dma_start3A_616 = arith.constant 0 : i32
      %dma_start3A_617 = arith.constant 0 : i32
      %dma_start3A_618 = tpu.memref_slice %arg2[%arg0, %dma_start3A_616, %dma_start3A_617] : memref<2x10000x128xf32, #tpu.memory_space<hbm>> -> memref<1x10000x128xf32, #tpu.memory_space<hbm>>
      %dma_start3A_619 = tpu.memref_squeeze %dma_start3A_618 : memref<1x10000x128xf32, #tpu.memory_space<hbm>> -> memref<10000x128xf32, #tpu.memory_space<hbm>>
      %dma_start3A_620 = arith.constant 0 : i32
      %dma_start3A_621 = arith.constant 0 : i32
      %dma_start3A_622 = tpu.memref_slice %dma_start3A_619[%dma_start3A_620, %dma_start3A_621] : memref<10000x128xf32, #tpu.memory_space<hbm>> -> memref<10000x128xf32, #tpu.memory_space<hbm>>
      tpu.enqueue_indirect_dma source(%dma_start3A_622 : memref<10000x128xf32, #tpu.memory_space<hbm>>) target(%dma_start3A_612 : memref<128x128xf32, #tpu.memory_space<vmem>>) offsets(%dma_start3A_615 : memref<128xi32, #tpu.memory_space<vmem>>) semaphore(%arg15 : memref<!tpu.dma_semaphore, #tpu.memory_space<semaphore_mem>>)
      %eq3A_623 = arith.constant 1 : i32
      %eq3A_624 = arith.cmpi eq, %arg0, %eq3A_623 : i32
      %convert_element_type3A_625 = arith.extui %eq3A_624 : i1 to i32
      %cond3A_626 = arith.constant 0 : i32
      %cond3A_627 = arith.cmpi ne, %convert_element_type3A_625, %cond3A_626 : i32
      scf.if %cond3A_627 {
        %get3A = arith.constant 1 : i32
        %get3A_767 = arith.constant 3 : i32
        %get3A_768 = arith.index_cast %get3A : i32 to index
        %get3A_769 = arith.index_cast %get3A_767 : i32 to index
        %get3A_770 = arith.constant 0 : index
        %get3A_771 = tpu.vector_load %arg10[%get3A_768, %get3A_769, %get3A_770] {strides = array<i32>} : memref<2x8x128xi32, #tpu.memory_space<vmem>>, vector<16xi32>,
        tpu.vector_store_idx %arg12[%get3A_771], %broadcast_in_dim3A_67 {add = true} : memref<10240xf32, #tpu.memory_space<vmem>>[vector<16xi32>], vector<16xf32>,
        %get3A_772 = arith.constant 1 : i32
        %get3A_773 = arith.constant 3 : i32
        %get3A_774 = arith.index_cast %get3A_772 : i32 to index
        %get3A_775 = arith.index_cast %get3A_773 : i32 to index
        %get3A_776 = arith.constant 16 : index
        %get3A_777 = tpu.vector_load %arg10[%get3A_774, %get3A_775, %get3A_776] {strides = array<i32>} : memref<2x8x128xi32, #tpu.memory_space<vmem>>, vector<16xi32>,
        tpu.vector_store_idx %arg12[%get3A_777], %broadcast_in_dim3A_67 {add = true} : memref<10240xf32, #tpu.memory_space<vmem>>[vector<16xi32>], vector<16xf32>,
        %get3A_778 = arith.constant 1 : i32
        %get3A_779 = arith.constant 3 : i32
        %get3A_780 = arith.index_cast %get3A_778 : i32 to index
        %get3A_781 = arith.index_cast %get3A_779 : i32 to index
        %get3A_782 = arith.constant 32 : index
        %get3A_783 = tpu.vector_load %arg10[%get3A_780, %get3A_781, %get3A_782] {strides = array<i32>} : memref<2x8x128xi32, #tpu.memory_space<vmem>>, vector<16xi32>,
        tpu.vector_store_idx %arg12[%get3A_783], %broadcast_in_dim3A_67 {add = true} : memref<10240xf32, #tpu.memory_space<vmem>>[vector<16xi32>], vector<16xf32>,
        %get3A_784 = arith.constant 1 : i32
        %get3A_785 = arith.constant 3 : i32
        %get3A_786 = arith.index_cast %get3A_784 : i32 to index
        %get3A_787 = arith.index_cast %get3A_785 : i32 to index
        %get3A_788 = arith.constant 48 : index
        %get3A_789 = tpu.vector_load %arg10[%get3A_786, %get3A_787, %get3A_788] {strides = array<i32>} : memref<2x8x128xi32, #tpu.memory_space<vmem>>, vector<16xi32>,
        tpu.vector_store_idx %arg12[%get3A_789], %broadcast_in_dim3A_67 {add = true} : memref<10240xf32, #tpu.memory_space<vmem>>[vector<16xi32>], vector<16xf32>,
        %get3A_790 = arith.constant 1 : i32
        %get3A_791 = arith.constant 3 : i32
        %get3A_792 = arith.index_cast %get3A_790 : i32 to index
        %get3A_793 = arith.index_cast %get3A_791 : i32 to index
        %get3A_794 = arith.constant 64 : index
        %get3A_795 = tpu.vector_load %arg10[%get3A_792, %get3A_793, %get3A_794] {strides = array<i32>} : memref<2x8x128xi32, #tpu.memory_space<vmem>>, vector<16xi32>,
        tpu.vector_store_idx %arg12[%get3A_795], %broadcast_in_dim3A_67 {add = true} : memref<10240xf32, #tpu.memory_space<vmem>>[vector<16xi32>], vector<16xf32>,
        %get3A_796 = arith.constant 1 : i32
        %get3A_797 = arith.constant 3 : i32
        %get3A_798 = arith.index_cast %get3A_796 : i32 to index
        %get3A_799 = arith.index_cast %get3A_797 : i32 to index
        %get3A_800 = arith.constant 80 : index
        %get3A_801 = tpu.vector_load %arg10[%get3A_798, %get3A_799, %get3A_800] {strides = array<i32>} : memref<2x8x128xi32, #tpu.memory_space<vmem>>, vector<16xi32>,
        tpu.vector_store_idx %arg12[%get3A_801], %broadcast_in_dim3A_67 {add = true} : memref<10240xf32, #tpu.memory_space<vmem>>[vector<16xi32>], vector<16xf32>,
        %get3A_802 = arith.constant 1 : i32
        %get3A_803 = arith.constant 3 : i32
        %get3A_804 = arith.index_cast %get3A_802 : i32 to index
        %get3A_805 = arith.index_cast %get3A_803 : i32 to index
        %get3A_806 = arith.constant 96 : index
        %get3A_807 = tpu.vector_load %arg10[%get3A_804, %get3A_805, %get3A_806] {strides = array<i32>} : memref<2x8x128xi32, #tpu.memory_space<vmem>>, vector<16xi32>,
        tpu.vector_store_idx %arg12[%get3A_807], %broadcast_in_dim3A_67 {add = true} : memref<10240xf32, #tpu.memory_space<vmem>>[vector<16xi32>], vector<16xf32>,
        %get3A_808 = arith.constant 1 : i32
        %get3A_809 = arith.constant 3 : i32
        %get3A_810 = arith.index_cast %get3A_808 : i32 to index
        %get3A_811 = arith.index_cast %get3A_809 : i32 to index
        %get3A_812 = arith.constant 112 : index
        %get3A_813 = tpu.vector_load %arg10[%get3A_810, %get3A_811, %get3A_812] {strides = array<i32>} : memref<2x8x128xi32, #tpu.memory_space<vmem>>, vector<16xi32>,
        tpu.vector_store_idx %arg12[%get3A_813], %broadcast_in_dim3A_67 {add = true} : memref<10240xf32, #tpu.memory_space<vmem>>[vector<16xi32>], vector<16xf32>,
      } else {
      }
      %dma_wait3A_628 = arith.constant 0 : i32
      %dma_wait3A_629 = arith.constant 0 : i32
      %dma_wait3A_630 = arith.constant 0 : i32
      %dma_wait3A_631 = arith.constant 0 : i32
      %dma_wait3A_632 = arith.constant 0 : i32
      %dma_wait3A_633 = tpu.memref_slice %arg11[%dma_wait3A_630, %dma_wait3A_631, %dma_wait3A_632] : memref<2x128x128xf32, #tpu.memory_space<vmem>> -> memref<1x128x128xf32, #tpu.memory_space<vmem>>
      %dma_wait3A_634 = tpu.memref_squeeze %dma_wait3A_633 : memref<1x128x128xf32, #tpu.memory_space<vmem>> -> memref<128x128xf32, #tpu.memory_space<vmem>>
      %dma_wait3A_635 = arith.constant 0 : i32
      %dma_wait3A_636 = tpu.memref_slice %arg9[%dma_wait3A_628, %dma_wait3A_629, %dma_wait3A_635] : memref<2x8x128xi32, #tpu.memory_space<vmem>> -> memref<1x1x128xi32, #tpu.memory_space<vmem>>
      %dma_wait3A_637 = tpu.memref_squeeze %dma_wait3A_636 : memref<1x1x128xi32, #tpu.memory_space<vmem>> -> memref<128xi32, #tpu.memory_space<vmem>>
      %dma_wait3A_638 = arith.constant 0 : i32
      %dma_wait3A_639 = arith.constant 0 : i32
      %dma_wait3A_640 = tpu.memref_slice %arg2[%arg0, %dma_wait3A_638, %dma_wait3A_639] : memref<2x10000x128xf32, #tpu.memory_space<hbm>> -> memref<1x10000x128xf32, #tpu.memory_space<hbm>>
      %dma_wait3A_641 = tpu.memref_squeeze %dma_wait3A_640 : memref<1x10000x128xf32, #tpu.memory_space<hbm>> -> memref<10000x128xf32, #tpu.memory_space<hbm>>
      %dma_wait3A_642 = arith.constant 0 : i32
      %dma_wait3A_643 = arith.constant 0 : i32
      %dma_wait3A_644 = tpu.memref_slice %dma_wait3A_641[%dma_wait3A_642, %dma_wait3A_643] : memref<10000x128xf32, #tpu.memory_space<hbm>> -> memref<10000x128xf32, #tpu.memory_space<hbm>>
      tpu.wait_indirect_dma semaphore(%arg14 : memref<!tpu.dma_semaphore, #tpu.memory_space<semaphore_mem>>) src(%dma_wait3A_644 : memref<10000x128xf32, #tpu.memory_space<hbm>>) dst(%dma_wait3A_634 : memref<128x128xf32, #tpu.memory_space<vmem>>)
      %run_scoped3A_645 = arith.constant 0 : i32
      %run_scoped3A_646 = arith.constant 1 : i32
      %run_scoped3A_647 = arith.constant 4 : i32
      "tpu.region"() ({
        %run_scoped3A_767 = tpu.sem_alloc : memref<!tpu.dma_semaphore, #tpu.memory_space<semaphore_mem>>
        %dma_start3A_768 = arith.constant 0 : i32
        %dma_start3A_769 = arith.constant 0 : i32
        %dma_start3A_770 = tpu.memref_slice %arg11[%run_scoped3A_645, %dma_start3A_768, %dma_start3A_769] : memref<2x128x128xf32, #tpu.memory_space<vmem>> -> memref<1x128x128xf32, #tpu.memory_space<vmem>>
        %dma_start3A_771 = tpu.memref_squeeze %dma_start3A_770 : memref<1x128x128xf32, #tpu.memory_space<vmem>> -> memref<128x128xf32, #tpu.memory_space<vmem>>
        %dma_start3A_772 = arith.constant 0 : i32
        %dma_start3A_773 = tpu.memref_slice %arg10[%run_scoped3A_646, %run_scoped3A_647, %dma_start3A_772] : memref<2x8x128xi32, #tpu.memory_space<vmem>> -> memref<1x1x128xi32, #tpu.memory_space<vmem>>
        %dma_start3A_774 = tpu.memref_squeeze %dma_start3A_773 : memref<1x1x128xi32, #tpu.memory_space<vmem>> -> memref<128xi32, #tpu.memory_space<vmem>>
        %dma_start3A_775 = arith.constant 0 : i32
        %dma_start3A_776 = arith.constant 0 : i32
        %dma_start3A_777 = tpu.memref_slice %arg13[%dma_start3A_775, %dma_start3A_776] : memref<10240x128xf32, #tpu.memory_space<vmem_shared>> -> memref<10240x128xf32, #tpu.memory_space<vmem_shared>>
        tpu.enqueue_indirect_dma source(%dma_start3A_771 : memref<128x128xf32, #tpu.memory_space<vmem>>) target(%dma_start3A_777 : memref<10240x128xf32, #tpu.memory_space<vmem_shared>>) offsets(%dma_start3A_774 : memref<128xi32, #tpu.memory_space<vmem>>) semaphore(%run_scoped3A_767 : memref<!tpu.dma_semaphore, #tpu.memory_space<semaphore_mem>>) {add = true}
        %dma_wait3A_778 = arith.constant 0 : i32
        %dma_wait3A_779 = arith.constant 0 : i32
        %dma_wait3A_780 = tpu.memref_slice %arg11[%run_scoped3A_645, %dma_wait3A_778, %dma_wait3A_779] : memref<2x128x128xf32, #tpu.memory_space<vmem>> -> memref<1x128x128xf32, #tpu.memory_space<vmem>>
        %dma_wait3A_781 = tpu.memref_squeeze %dma_wait3A_780 : memref<1x128x128xf32, #tpu.memory_space<vmem>> -> memref<128x128xf32, #tpu.memory_space<vmem>>
        %dma_wait3A_782 = arith.constant 0 : i32
        %dma_wait3A_783 = tpu.memref_slice %arg10[%run_scoped3A_646, %run_scoped3A_647, %dma_wait3A_782] : memref<2x8x128xi32, #tpu.memory_space<vmem>> -> memref<1x1x128xi32, #tpu.memory_space<vmem>>
        %dma_wait3A_784 = tpu.memref_squeeze %dma_wait3A_783 : memref<1x1x128xi32, #tpu.memory_space<vmem>> -> memref<128xi32, #tpu.memory_space<vmem>>
        %dma_wait3A_785 = arith.constant 0 : i32
        %dma_wait3A_786 = arith.constant 0 : i32
        %dma_wait3A_787 = tpu.memref_slice %arg13[%dma_wait3A_785, %dma_wait3A_786] : memref<10240x128xf32, #tpu.memory_space<vmem_shared>> -> memref<10240x128xf32, #tpu.memory_space<vmem_shared>>
        tpu.wait_indirect_dma semaphore(%run_scoped3A_767 : memref<!tpu.dma_semaphore, #tpu.memory_space<semaphore_mem>>) src(%dma_wait3A_781 : memref<128x128xf32, #tpu.memory_space<vmem>>) dst(%dma_wait3A_787 : memref<10240x128xf32, #tpu.memory_space<vmem_shared>>)
        tpu.yield
      }) : () -> ()
      %dma_start3A_648 = arith.constant 1 : i32
      %dma_start3A_649 = arith.constant 6 : i32
      %dma_start3A_650 = arith.constant 0 : i32
      %dma_start3A_651 = arith.constant 0 : i32
      %dma_start3A_652 = arith.constant 0 : i32
      %dma_start3A_653 = tpu.memref_slice %arg11[%dma_start3A_650, %dma_start3A_651, %dma_start3A_652] : memref<2x128x128xf32, #tpu.memory_space<vmem>> -> memref<1x128x128xf32, #tpu.memory_space<vmem>>
      %dma_start3A_654 = tpu.memref_squeeze %dma_start3A_653 : memref<1x128x128xf32, #tpu.memory_space<vmem>> -> memref<128x128xf32, #tpu.memory_space<vmem>>
      %dma_start3A_655 = arith.constant 0 : i32
      %dma_start3A_656 = tpu.memref_slice %arg9[%dma_start3A_648, %dma_start3A_649, %dma_start3A_655] : memref<2x8x128xi32, #tpu.memory_space<vmem>> -> memref<1x1x128xi32, #tpu.memory_space<vmem>>
      %dma_start3A_657 = tpu.memref_squeeze %dma_start3A_656 : memref<1x1x128xi32, #tpu.memory_space<vmem>> -> memref<128xi32, #tpu.memory_space<vmem>>
      %dma_start3A_658 = arith.constant 0 : i32
      %dma_start3A_659 = arith.constant 0 : i32
      %dma_start3A_660 = tpu.memref_slice %arg2[%arg0, %dma_start3A_658, %dma_start3A_659] : memref<2x10000x128xf32, #tpu.memory_space<hbm>> -> memref<1x10000x128xf32, #tpu.memory_space<hbm>>
      %dma_start3A_661 = tpu.memref_squeeze %dma_start3A_660 : memref<1x10000x128xf32, #tpu.memory_space<hbm>> -> memref<10000x128xf32, #tpu.memory_space<hbm>>
      %dma_start3A_662 = arith.constant 0 : i32
      %dma_start3A_663 = arith.constant 0 : i32
      %dma_start3A_664 = tpu.memref_slice %dma_start3A_661[%dma_start3A_662, %dma_start3A_663] : memref<10000x128xf32, #tpu.memory_space<hbm>> -> memref<10000x128xf32, #tpu.memory_space<hbm>>
      tpu.enqueue_indirect_dma source(%dma_start3A_664 : memref<10000x128xf32, #tpu.memory_space<hbm>>) target(%dma_start3A_654 : memref<128x128xf32, #tpu.memory_space<vmem>>) offsets(%dma_start3A_657 : memref<128xi32, #tpu.memory_space<vmem>>) semaphore(%arg14 : memref<!tpu.dma_semaphore, #tpu.memory_space<semaphore_mem>>)
      %eq3A_665 = arith.constant 1 : i32
      %eq3A_666 = arith.cmpi eq, %arg0, %eq3A_665 : i32
      %convert_element_type3A_667 = arith.extui %eq3A_666 : i1 to i32
      %cond3A_668 = arith.constant 0 : i32
      %cond3A_669 = arith.cmpi ne, %convert_element_type3A_667, %cond3A_668 : i32
      scf.if %cond3A_669 {
        %get3A = arith.constant 1 : i32
        %get3A_767 = arith.constant 4 : i32
        %get3A_768 = arith.index_cast %get3A : i32 to index
        %get3A_769 = arith.index_cast %get3A_767 : i32 to index
        %get3A_770 = arith.constant 0 : index
        %get3A_771 = tpu.vector_load %arg10[%get3A_768, %get3A_769, %get3A_770] {strides = array<i32>} : memref<2x8x128xi32, #tpu.memory_space<vmem>>, vector<16xi32>,
        tpu.vector_store_idx %arg12[%get3A_771], %broadcast_in_dim3A_67 {add = true} : memref<10240xf32, #tpu.memory_space<vmem>>[vector<16xi32>], vector<16xf32>,
        %get3A_772 = arith.constant 1 : i32
        %get3A_773 = arith.constant 4 : i32
        %get3A_774 = arith.index_cast %get3A_772 : i32 to index
        %get3A_775 = arith.index_cast %get3A_773 : i32 to index
        %get3A_776 = arith.constant 16 : index
        %get3A_777 = tpu.vector_load %arg10[%get3A_774, %get3A_775, %get3A_776] {strides = array<i32>} : memref<2x8x128xi32, #tpu.memory_space<vmem>>, vector<16xi32>,
        tpu.vector_store_idx %arg12[%get3A_777], %broadcast_in_dim3A_67 {add = true} : memref<10240xf32, #tpu.memory_space<vmem>>[vector<16xi32>], vector<16xf32>,
        %get3A_778 = arith.constant 1 : i32
        %get3A_779 = arith.constant 4 : i32
        %get3A_780 = arith.index_cast %get3A_778 : i32 to index
        %get3A_781 = arith.index_cast %get3A_779 : i32 to index
        %get3A_782 = arith.constant 32 : index
        %get3A_783 = tpu.vector_load %arg10[%get3A_780, %get3A_781, %get3A_782] {strides = array<i32>} : memref<2x8x128xi32, #tpu.memory_space<vmem>>, vector<16xi32>,
        tpu.vector_store_idx %arg12[%get3A_783], %broadcast_in_dim3A_67 {add = true} : memref<10240xf32, #tpu.memory_space<vmem>>[vector<16xi32>], vector<16xf32>,
        %get3A_784 = arith.constant 1 : i32
        %get3A_785 = arith.constant 4 : i32
        %get3A_786 = arith.index_cast %get3A_784 : i32 to index
        %get3A_787 = arith.index_cast %get3A_785 : i32 to index
        %get3A_788 = arith.constant 48 : index
        %get3A_789 = tpu.vector_load %arg10[%get3A_786, %get3A_787, %get3A_788] {strides = array<i32>} : memref<2x8x128xi32, #tpu.memory_space<vmem>>, vector<16xi32>,
        tpu.vector_store_idx %arg12[%get3A_789], %broadcast_in_dim3A_67 {add = true} : memref<10240xf32, #tpu.memory_space<vmem>>[vector<16xi32>], vector<16xf32>,
        %get3A_790 = arith.constant 1 : i32
        %get3A_791 = arith.constant 4 : i32
        %get3A_792 = arith.index_cast %get3A_790 : i32 to index
        %get3A_793 = arith.index_cast %get3A_791 : i32 to index
        %get3A_794 = arith.constant 64 : index
        %get3A_795 = tpu.vector_load %arg10[%get3A_792, %get3A_793, %get3A_794] {strides = array<i32>} : memref<2x8x128xi32, #tpu.memory_space<vmem>>, vector<16xi32>,
        tpu.vector_store_idx %arg12[%get3A_795], %broadcast_in_dim3A_67 {add = true} : memref<10240xf32, #tpu.memory_space<vmem>>[vector<16xi32>], vector<16xf32>,
        %get3A_796 = arith.constant 1 : i32
        %get3A_797 = arith.constant 4 : i32
        %get3A_798 = arith.index_cast %get3A_796 : i32 to index
        %get3A_799 = arith.index_cast %get3A_797 : i32 to index
        %get3A_800 = arith.constant 80 : index
        %get3A_801 = tpu.vector_load %arg10[%get3A_798, %get3A_799, %get3A_800] {strides = array<i32>} : memref<2x8x128xi32, #tpu.memory_space<vmem>>, vector<16xi32>,
        tpu.vector_store_idx %arg12[%get3A_801], %broadcast_in_dim3A_67 {add = true} : memref<10240xf32, #tpu.memory_space<vmem>>[vector<16xi32>], vector<16xf32>,
        %get3A_802 = arith.constant 1 : i32
        %get3A_803 = arith.constant 4 : i32
        %get3A_804 = arith.index_cast %get3A_802 : i32 to index
        %get3A_805 = arith.index_cast %get3A_803 : i32 to index
        %get3A_806 = arith.constant 96 : index
        %get3A_807 = tpu.vector_load %arg10[%get3A_804, %get3A_805, %get3A_806] {strides = array<i32>} : memref<2x8x128xi32, #tpu.memory_space<vmem>>, vector<16xi32>,
        tpu.vector_store_idx %arg12[%get3A_807], %broadcast_in_dim3A_67 {add = true} : memref<10240xf32, #tpu.memory_space<vmem>>[vector<16xi32>], vector<16xf32>,
        %get3A_808 = arith.constant 1 : i32
        %get3A_809 = arith.constant 4 : i32
        %get3A_810 = arith.index_cast %get3A_808 : i32 to index
        %get3A_811 = arith.index_cast %get3A_809 : i32 to index
        %get3A_812 = arith.constant 112 : index
        %get3A_813 = tpu.vector_load %arg10[%get3A_810, %get3A_811, %get3A_812] {strides = array<i32>} : memref<2x8x128xi32, #tpu.memory_space<vmem>>, vector<16xi32>,
        tpu.vector_store_idx %arg12[%get3A_813], %broadcast_in_dim3A_67 {add = true} : memref<10240xf32, #tpu.memory_space<vmem>>[vector<16xi32>], vector<16xf32>,
      } else {
      }
      %dma_wait3A_670 = arith.constant 0 : i32
      %dma_wait3A_671 = arith.constant 0 : i32
      %dma_wait3A_672 = arith.constant 1 : i32
      %dma_wait3A_673 = arith.constant 0 : i32
      %dma_wait3A_674 = arith.constant 0 : i32
      %dma_wait3A_675 = tpu.memref_slice %arg11[%dma_wait3A_672, %dma_wait3A_673, %dma_wait3A_674] : memref<2x128x128xf32, #tpu.memory_space<vmem>> -> memref<1x128x128xf32, #tpu.memory_space<vmem>>
      %dma_wait3A_676 = tpu.memref_squeeze %dma_wait3A_675 : memref<1x128x128xf32, #tpu.memory_space<vmem>> -> memref<128x128xf32, #tpu.memory_space<vmem>>
      %dma_wait3A_677 = arith.constant 0 : i32
      %dma_wait3A_678 = tpu.memref_slice %arg9[%dma_wait3A_670, %dma_wait3A_671, %dma_wait3A_677] : memref<2x8x128xi32, #tpu.memory_space<vmem>> -> memref<1x1x128xi32, #tpu.memory_space<vmem>>
      %dma_wait3A_679 = tpu.memref_squeeze %dma_wait3A_678 : memref<1x1x128xi32, #tpu.memory_space<vmem>> -> memref<128xi32, #tpu.memory_space<vmem>>
      %dma_wait3A_680 = arith.constant 0 : i32
      %dma_wait3A_681 = arith.constant 0 : i32
      %dma_wait3A_682 = tpu.memref_slice %arg2[%arg0, %dma_wait3A_680, %dma_wait3A_681] : memref<2x10000x128xf32, #tpu.memory_space<hbm>> -> memref<1x10000x128xf32, #tpu.memory_space<hbm>>
      %dma_wait3A_683 = tpu.memref_squeeze %dma_wait3A_682 : memref<1x10000x128xf32, #tpu.memory_space<hbm>> -> memref<10000x128xf32, #tpu.memory_space<hbm>>
      %dma_wait3A_684 = arith.constant 0 : i32
      %dma_wait3A_685 = arith.constant 0 : i32
      %dma_wait3A_686 = tpu.memref_slice %dma_wait3A_683[%dma_wait3A_684, %dma_wait3A_685] : memref<10000x128xf32, #tpu.memory_space<hbm>> -> memref<10000x128xf32, #tpu.memory_space<hbm>>
      tpu.wait_indirect_dma semaphore(%arg15 : memref<!tpu.dma_semaphore, #tpu.memory_space<semaphore_mem>>) src(%dma_wait3A_686 : memref<10000x128xf32, #tpu.memory_space<hbm>>) dst(%dma_wait3A_676 : memref<128x128xf32, #tpu.memory_space<vmem>>)
      %run_scoped3A_687 = arith.constant 1 : i32
      %run_scoped3A_688 = arith.constant 1 : i32
      %run_scoped3A_689 = arith.constant 5 : i32
      "tpu.region"() ({
        %run_scoped3A_767 = tpu.sem_alloc : memref<!tpu.dma_semaphore, #tpu.memory_space<semaphore_mem>>
        %dma_start3A_768 = arith.constant 0 : i32
        %dma_start3A_769 = arith.constant 0 : i32
        %dma_start3A_770 = tpu.memref_slice %arg11[%run_scoped3A_687, %dma_start3A_768, %dma_start3A_769] : memref<2x128x128xf32, #tpu.memory_space<vmem>> -> memref<1x128x128xf32, #tpu.memory_space<vmem>>
        %dma_start3A_771 = tpu.memref_squeeze %dma_start3A_770 : memref<1x128x128xf32, #tpu.memory_space<vmem>> -> memref<128x128xf32, #tpu.memory_space<vmem>>
        %dma_start3A_772 = arith.constant 0 : i32
        %dma_start3A_773 = tpu.memref_slice %arg10[%run_scoped3A_688, %run_scoped3A_689, %dma_start3A_772] : memref<2x8x128xi32, #tpu.memory_space<vmem>> -> memref<1x1x128xi32, #tpu.memory_space<vmem>>
        %dma_start3A_774 = tpu.memref_squeeze %dma_start3A_773 : memref<1x1x128xi32, #tpu.memory_space<vmem>> -> memref<128xi32, #tpu.memory_space<vmem>>
        %dma_start3A_775 = arith.constant 0 : i32
        %dma_start3A_776 = arith.constant 0 : i32
        %dma_start3A_777 = tpu.memref_slice %arg13[%dma_start3A_775, %dma_start3A_776] : memref<10240x128xf32, #tpu.memory_space<vmem_shared>> -> memref<10240x128xf32, #tpu.memory_space<vmem_shared>>
        tpu.enqueue_indirect_dma source(%dma_start3A_771 : memref<128x128xf32, #tpu.memory_space<vmem>>) target(%dma_start3A_777 : memref<10240x128xf32, #tpu.memory_space<vmem_shared>>) offsets(%dma_start3A_774 : memref<128xi32, #tpu.memory_space<vmem>>) semaphore(%run_scoped3A_767 : memref<!tpu.dma_semaphore, #tpu.memory_space<semaphore_mem>>) {add = true}
        %dma_wait3A_778 = arith.constant 0 : i32
        %dma_wait3A_779 = arith.constant 0 : i32
        %dma_wait3A_780 = tpu.memref_slice %arg11[%run_scoped3A_687, %dma_wait3A_778, %dma_wait3A_779] : memref<2x128x128xf32, #tpu.memory_space<vmem>> -> memref<1x128x128xf32, #tpu.memory_space<vmem>>
        %dma_wait3A_781 = tpu.memref_squeeze %dma_wait3A_780 : memref<1x128x128xf32, #tpu.memory_space<vmem>> -> memref<128x128xf32, #tpu.memory_space<vmem>>
        %dma_wait3A_782 = arith.constant 0 : i32
        %dma_wait3A_783 = tpu.memref_slice %arg10[%run_scoped3A_688, %run_scoped3A_689, %dma_wait3A_782] : memref<2x8x128xi32, #tpu.memory_space<vmem>> -> memref<1x1x128xi32, #tpu.memory_space<vmem>>
        %dma_wait3A_784 = tpu.memref_squeeze %dma_wait3A_783 : memref<1x1x128xi32, #tpu.memory_space<vmem>> -> memref<128xi32, #tpu.memory_space<vmem>>
        %dma_wait3A_785 = arith.constant 0 : i32
        %dma_wait3A_786 = arith.constant 0 : i32
        %dma_wait3A_787 = tpu.memref_slice %arg13[%dma_wait3A_785, %dma_wait3A_786] : memref<10240x128xf32, #tpu.memory_space<vmem_shared>> -> memref<10240x128xf32, #tpu.memory_space<vmem_shared>>
        tpu.wait_indirect_dma semaphore(%run_scoped3A_767 : memref<!tpu.dma_semaphore, #tpu.memory_space<semaphore_mem>>) src(%dma_wait3A_781 : memref<128x128xf32, #tpu.memory_space<vmem>>) dst(%dma_wait3A_787 : memref<10240x128xf32, #tpu.memory_space<vmem_shared>>)
        tpu.yield
      }) : () -> ()
      %dma_start3A_690 = arith.constant 1 : i32
      %dma_start3A_691 = arith.constant 7 : i32
      %dma_start3A_692 = arith.constant 1 : i32
      %dma_start3A_693 = arith.constant 0 : i32
      %dma_start3A_694 = arith.constant 0 : i32
      %dma_start3A_695 = tpu.memref_slice %arg11[%dma_start3A_692, %dma_start3A_693, %dma_start3A_694] : memref<2x128x128xf32, #tpu.memory_space<vmem>> -> memref<1x128x128xf32, #tpu.memory_space<vmem>>
      %dma_start3A_696 = tpu.memref_squeeze %dma_start3A_695 : memref<1x128x128xf32, #tpu.memory_space<vmem>> -> memref<128x128xf32, #tpu.memory_space<vmem>>
      %dma_start3A_697 = arith.constant 0 : i32
      %dma_start3A_698 = tpu.memref_slice %arg9[%dma_start3A_690, %dma_start3A_691, %dma_start3A_697] : memref<2x8x128xi32, #tpu.memory_space<vmem>> -> memref<1x1x128xi32, #tpu.memory_space<vmem>>
      %dma_start3A_699 = tpu.memref_squeeze %dma_start3A_698 : memref<1x1x128xi32, #tpu.memory_space<vmem>> -> memref<128xi32, #tpu.memory_space<vmem>>
      %dma_start3A_700 = arith.constant 0 : i32
      %dma_start3A_701 = arith.constant 0 : i32
      %dma_start3A_702 = tpu.memref_slice %arg2[%arg0, %dma_start3A_700, %dma_start3A_701] : memref<2x10000x128xf32, #tpu.memory_space<hbm>> -> memref<1x10000x128xf32, #tpu.memory_space<hbm>>
      %dma_start3A_703 = tpu.memref_squeeze %dma_start3A_702 : memref<1x10000x128xf32, #tpu.memory_space<hbm>> -> memref<10000x128xf32, #tpu.memory_space<hbm>>
      %dma_start3A_704 = arith.constant 0 : i32
      %dma_start3A_705 = arith.constant 0 : i32
      %dma_start3A_706 = tpu.memref_slice %dma_start3A_703[%dma_start3A_704, %dma_start3A_705] : memref<10000x128xf32, #tpu.memory_space<hbm>> -> memref<10000x128xf32, #tpu.memory_space<hbm>>
      tpu.enqueue_indirect_dma source(%dma_start3A_706 : memref<10000x128xf32, #tpu.memory_space<hbm>>) target(%dma_start3A_696 : memref<128x128xf32, #tpu.memory_space<vmem>>) offsets(%dma_start3A_699 : memref<128xi32, #tpu.memory_space<vmem>>) semaphore(%arg15 : memref<!tpu.dma_semaphore, #tpu.memory_space<semaphore_mem>>)
      %eq3A_707 = arith.constant 1 : i32
      %eq3A_708 = arith.cmpi eq, %arg0, %eq3A_707 : i32
      %convert_element_type3A_709 = arith.extui %eq3A_708 : i1 to i32
      %cond3A_710 = arith.constant 0 : i32
      %cond3A_711 = arith.cmpi ne, %convert_element_type3A_709, %cond3A_710 : i32
      scf.if %cond3A_711 {
        %get3A = arith.constant 1 : i32
        %get3A_767 = arith.constant 5 : i32
        %get3A_768 = arith.index_cast %get3A : i32 to index
        %get3A_769 = arith.index_cast %get3A_767 : i32 to index
        %get3A_770 = arith.constant 0 : index
        %get3A_771 = tpu.vector_load %arg10[%get3A_768, %get3A_769, %get3A_770] {strides = array<i32>} : memref<2x8x128xi32, #tpu.memory_space<vmem>>, vector<16xi32>,
        tpu.vector_store_idx %arg12[%get3A_771], %broadcast_in_dim3A_67 {add = true} : memref<10240xf32, #tpu.memory_space<vmem>>[vector<16xi32>], vector<16xf32>,
        %get3A_772 = arith.constant 1 : i32
        %get3A_773 = arith.constant 5 : i32
        %get3A_774 = arith.index_cast %get3A_772 : i32 to index
        %get3A_775 = arith.index_cast %get3A_773 : i32 to index
        %get3A_776 = arith.constant 16 : index
        %get3A_777 = tpu.vector_load %arg10[%get3A_774, %get3A_775, %get3A_776] {strides = array<i32>} : memref<2x8x128xi32, #tpu.memory_space<vmem>>, vector<16xi32>,
        tpu.vector_store_idx %arg12[%get3A_777], %broadcast_in_dim3A_67 {add = true} : memref<10240xf32, #tpu.memory_space<vmem>>[vector<16xi32>], vector<16xf32>,
        %get3A_778 = arith.constant 1 : i32
        %get3A_779 = arith.constant 5 : i32
        %get3A_780 = arith.index_cast %get3A_778 : i32 to index
        %get3A_781 = arith.index_cast %get3A_779 : i32 to index
        %get3A_782 = arith.constant 32 : index
        %get3A_783 = tpu.vector_load %arg10[%get3A_780, %get3A_781, %get3A_782] {strides = array<i32>} : memref<2x8x128xi32, #tpu.memory_space<vmem>>, vector<16xi32>,
        tpu.vector_store_idx %arg12[%get3A_783], %broadcast_in_dim3A_67 {add = true} : memref<10240xf32, #tpu.memory_space<vmem>>[vector<16xi32>], vector<16xf32>,
        %get3A_784 = arith.constant 1 : i32
        %get3A_785 = arith.constant 5 : i32
        %get3A_786 = arith.index_cast %get3A_784 : i32 to index
        %get3A_787 = arith.index_cast %get3A_785 : i32 to index
        %get3A_788 = arith.constant 48 : index
        %get3A_789 = tpu.vector_load %arg10[%get3A_786, %get3A_787, %get3A_788] {strides = array<i32>} : memref<2x8x128xi32, #tpu.memory_space<vmem>>, vector<16xi32>,
        tpu.vector_store_idx %arg12[%get3A_789], %broadcast_in_dim3A_67 {add = true} : memref<10240xf32, #tpu.memory_space<vmem>>[vector<16xi32>], vector<16xf32>,
        %get3A_790 = arith.constant 1 : i32
        %get3A_791 = arith.constant 5 : i32
        %get3A_792 = arith.index_cast %get3A_790 : i32 to index
        %get3A_793 = arith.index_cast %get3A_791 : i32 to index
        %get3A_794 = arith.constant 64 : index
        %get3A_795 = tpu.vector_load %arg10[%get3A_792, %get3A_793, %get3A_794] {strides = array<i32>} : memref<2x8x128xi32, #tpu.memory_space<vmem>>, vector<16xi32>,
        tpu.vector_store_idx %arg12[%get3A_795], %broadcast_in_dim3A_67 {add = true} : memref<10240xf32, #tpu.memory_space<vmem>>[vector<16xi32>], vector<16xf32>,
        %get3A_796 = arith.constant 1 : i32
        %get3A_797 = arith.constant 5 : i32
        %get3A_798 = arith.index_cast %get3A_796 : i32 to index
        %get3A_799 = arith.index_cast %get3A_797 : i32 to index
        %get3A_800 = arith.constant 80 : index
        %get3A_801 = tpu.vector_load %arg10[%get3A_798, %get3A_799, %get3A_800] {strides = array<i32>} : memref<2x8x128xi32, #tpu.memory_space<vmem>>, vector<16xi32>,
        tpu.vector_store_idx %arg12[%get3A_801], %broadcast_in_dim3A_67 {add = true} : memref<10240xf32, #tpu.memory_space<vmem>>[vector<16xi32>], vector<16xf32>,
        %get3A_802 = arith.constant 1 : i32
        %get3A_803 = arith.constant 5 : i32
        %get3A_804 = arith.index_cast %get3A_802 : i32 to index
        %get3A_805 = arith.index_cast %get3A_803 : i32 to index
        %get3A_806 = arith.constant 96 : index
        %get3A_807 = tpu.vector_load %arg10[%get3A_804, %get3A_805, %get3A_806] {strides = array<i32>} : memref<2x8x128xi32, #tpu.memory_space<vmem>>, vector<16xi32>,
        tpu.vector_store_idx %arg12[%get3A_807], %broadcast_in_dim3A_67 {add = true} : memref<10240xf32, #tpu.memory_space<vmem>>[vector<16xi32>], vector<16xf32>,
        %get3A_808 = arith.constant 1 : i32
        %get3A_809 = arith.constant 5 : i32
        %get3A_810 = arith.index_cast %get3A_808 : i32 to index
        %get3A_811 = arith.index_cast %get3A_809 : i32 to index
        %get3A_812 = arith.constant 112 : index
        %get3A_813 = tpu.vector_load %arg10[%get3A_810, %get3A_811, %get3A_812] {strides = array<i32>} : memref<2x8x128xi32, #tpu.memory_space<vmem>>, vector<16xi32>,
        tpu.vector_store_idx %arg12[%get3A_813], %broadcast_in_dim3A_67 {add = true} : memref<10240xf32, #tpu.memory_space<vmem>>[vector<16xi32>], vector<16xf32>,
      } else {
      }
      %dma_wait3A_712 = arith.constant 0 : i32
      %dma_wait3A_713 = arith.constant 0 : i32
      %dma_wait3A_714 = arith.constant 0 : i32
      %dma_wait3A_715 = arith.constant 0 : i32
      %dma_wait3A_716 = arith.constant 0 : i32
      %dma_wait3A_717 = tpu.memref_slice %arg11[%dma_wait3A_714, %dma_wait3A_715, %dma_wait3A_716] : memref<2x128x128xf32, #tpu.memory_space<vmem>> -> memref<1x128x128xf32, #tpu.memory_space<vmem>>
      %dma_wait3A_718 = tpu.memref_squeeze %dma_wait3A_717 : memref<1x128x128xf32, #tpu.memory_space<vmem>> -> memref<128x128xf32, #tpu.memory_space<vmem>>
      %dma_wait3A_719 = arith.constant 0 : i32
      %dma_wait3A_720 = tpu.memref_slice %arg9[%dma_wait3A_712, %dma_wait3A_713, %dma_wait3A_719] : memref<2x8x128xi32, #tpu.memory_space<vmem>> -> memref<1x1x128xi32, #tpu.memory_space<vmem>>
      %dma_wait3A_721 = tpu.memref_squeeze %dma_wait3A_720 : memref<1x1x128xi32, #tpu.memory_space<vmem>> -> memref<128xi32, #tpu.memory_space<vmem>>
      %dma_wait3A_722 = arith.constant 0 : i32
      %dma_wait3A_723 = arith.constant 0 : i32
      %dma_wait3A_724 = tpu.memref_slice %arg2[%arg0, %dma_wait3A_722, %dma_wait3A_723] : memref<2x10000x128xf32, #tpu.memory_space<hbm>> -> memref<1x10000x128xf32, #tpu.memory_space<hbm>>
      %dma_wait3A_725 = tpu.memref_squeeze %dma_wait3A_724 : memref<1x10000x128xf32, #tpu.memory_space<hbm>> -> memref<10000x128xf32, #tpu.memory_space<hbm>>
      %dma_wait3A_726 = arith.constant 0 : i32
      %dma_wait3A_727 = arith.constant 0 : i32
      %dma_wait3A_728 = tpu.memref_slice %dma_wait3A_725[%dma_wait3A_726, %dma_wait3A_727] : memref<10000x128xf32, #tpu.memory_space<hbm>> -> memref<10000x128xf32, #tpu.memory_space<hbm>>
      tpu.wait_indirect_dma semaphore(%arg14 : memref<!tpu.dma_semaphore, #tpu.memory_space<semaphore_mem>>) src(%dma_wait3A_728 : memref<10000x128xf32, #tpu.memory_space<hbm>>) dst(%dma_wait3A_718 : memref<128x128xf32, #tpu.memory_space<vmem>>)
      %run_scoped3A_729 = arith.constant 0 : i32
      %run_scoped3A_730 = arith.constant 1 : i32
      %run_scoped3A_731 = arith.constant 6 : i32
      "tpu.region"() ({
        %run_scoped3A_767 = tpu.sem_alloc : memref<!tpu.dma_semaphore, #tpu.memory_space<semaphore_mem>>
        %dma_start3A_768 = arith.constant 0 : i32
        %dma_start3A_769 = arith.constant 0 : i32
        %dma_start3A_770 = tpu.memref_slice %arg11[%run_scoped3A_729, %dma_start3A_768, %dma_start3A_769] : memref<2x128x128xf32, #tpu.memory_space<vmem>> -> memref<1x128x128xf32, #tpu.memory_space<vmem>>
        %dma_start3A_771 = tpu.memref_squeeze %dma_start3A_770 : memref<1x128x128xf32, #tpu.memory_space<vmem>> -> memref<128x128xf32, #tpu.memory_space<vmem>>
        %dma_start3A_772 = arith.constant 0 : i32
        %dma_start3A_773 = tpu.memref_slice %arg10[%run_scoped3A_730, %run_scoped3A_731, %dma_start3A_772] : memref<2x8x128xi32, #tpu.memory_space<vmem>> -> memref<1x1x128xi32, #tpu.memory_space<vmem>>
        %dma_start3A_774 = tpu.memref_squeeze %dma_start3A_773 : memref<1x1x128xi32, #tpu.memory_space<vmem>> -> memref<128xi32, #tpu.memory_space<vmem>>
        %dma_start3A_775 = arith.constant 0 : i32
        %dma_start3A_776 = arith.constant 0 : i32
        %dma_start3A_777 = tpu.memref_slice %arg13[%dma_start3A_775, %dma_start3A_776] : memref<10240x128xf32, #tpu.memory_space<vmem_shared>> -> memref<10240x128xf32, #tpu.memory_space<vmem_shared>>
        tpu.enqueue_indirect_dma source(%dma_start3A_771 : memref<128x128xf32, #tpu.memory_space<vmem>>) target(%dma_start3A_777 : memref<10240x128xf32, #tpu.memory_space<vmem_shared>>) offsets(%dma_start3A_774 : memref<128xi32, #tpu.memory_space<vmem>>) semaphore(%run_scoped3A_767 : memref<!tpu.dma_semaphore, #tpu.memory_space<semaphore_mem>>) {add = true}
        %dma_wait3A_778 = arith.constant 0 : i32
        %dma_wait3A_779 = arith.constant 0 : i32
        %dma_wait3A_780 = tpu.memref_slice %arg11[%run_scoped3A_729, %dma_wait3A_778, %dma_wait3A_779] : memref<2x128x128xf32, #tpu.memory_space<vmem>> -> memref<1x128x128xf32, #tpu.memory_space<vmem>>
        %dma_wait3A_781 = tpu.memref_squeeze %dma_wait3A_780 : memref<1x128x128xf32, #tpu.memory_space<vmem>> -> memref<128x128xf32, #tpu.memory_space<vmem>>
        %dma_wait3A_782 = arith.constant 0 : i32
        %dma_wait3A_783 = tpu.memref_slice %arg10[%run_scoped3A_730, %run_scoped3A_731, %dma_wait3A_782] : memref<2x8x128xi32, #tpu.memory_space<vmem>> -> memref<1x1x128xi32, #tpu.memory_space<vmem>>
        %dma_wait3A_784 = tpu.memref_squeeze %dma_wait3A_783 : memref<1x1x128xi32, #tpu.memory_space<vmem>> -> memref<128xi32, #tpu.memory_space<vmem>>
        %dma_wait3A_785 = arith.constant 0 : i32
        %dma_wait3A_786 = arith.constant 0 : i32
        %dma_wait3A_787 = tpu.memref_slice %arg13[%dma_wait3A_785, %dma_wait3A_786] : memref<10240x128xf32, #tpu.memory_space<vmem_shared>> -> memref<10240x128xf32, #tpu.memory_space<vmem_shared>>
        tpu.wait_indirect_dma semaphore(%run_scoped3A_767 : memref<!tpu.dma_semaphore, #tpu.memory_space<semaphore_mem>>) src(%dma_wait3A_781 : memref<128x128xf32, #tpu.memory_space<vmem>>) dst(%dma_wait3A_787 : memref<10240x128xf32, #tpu.memory_space<vmem_shared>>)
        tpu.yield
      }) : () -> ()
      %eq3A_732 = arith.constant 1 : i32
      %eq3A_733 = arith.cmpi eq, %arg0, %eq3A_732 : i32
      %convert_element_type3A_734 = arith.extui %eq3A_733 : i1 to i32
      %cond3A_735 = arith.constant 0 : i32
      %cond3A_736 = arith.cmpi ne, %convert_element_type3A_734, %cond3A_735 : i32
      scf.if %cond3A_736 {
        %get3A = arith.constant 1 : i32
        %get3A_767 = arith.constant 6 : i32
        %get3A_768 = arith.index_cast %get3A : i32 to index
        %get3A_769 = arith.index_cast %get3A_767 : i32 to index
        %get3A_770 = arith.constant 0 : index
        %get3A_771 = tpu.vector_load %arg10[%get3A_768, %get3A_769, %get3A_770] {strides = array<i32>} : memref<2x8x128xi32, #tpu.memory_space<vmem>>, vector<16xi32>,
        tpu.vector_store_idx %arg12[%get3A_771], %broadcast_in_dim3A_67 {add = true} : memref<10240xf32, #tpu.memory_space<vmem>>[vector<16xi32>], vector<16xf32>,
        %get3A_772 = arith.constant 1 : i32
        %get3A_773 = arith.constant 6 : i32
        %get3A_774 = arith.index_cast %get3A_772 : i32 to index
        %get3A_775 = arith.index_cast %get3A_773 : i32 to index
        %get3A_776 = arith.constant 16 : index
        %get3A_777 = tpu.vector_load %arg10[%get3A_774, %get3A_775, %get3A_776] {strides = array<i32>} : memref<2x8x128xi32, #tpu.memory_space<vmem>>, vector<16xi32>,
        tpu.vector_store_idx %arg12[%get3A_777], %broadcast_in_dim3A_67 {add = true} : memref<10240xf32, #tpu.memory_space<vmem>>[vector<16xi32>], vector<16xf32>,
        %get3A_778 = arith.constant 1 : i32
        %get3A_779 = arith.constant 6 : i32
        %get3A_780 = arith.index_cast %get3A_778 : i32 to index
        %get3A_781 = arith.index_cast %get3A_779 : i32 to index
        %get3A_782 = arith.constant 32 : index
        %get3A_783 = tpu.vector_load %arg10[%get3A_780, %get3A_781, %get3A_782] {strides = array<i32>} : memref<2x8x128xi32, #tpu.memory_space<vmem>>, vector<16xi32>,
        tpu.vector_store_idx %arg12[%get3A_783], %broadcast_in_dim3A_67 {add = true} : memref<10240xf32, #tpu.memory_space<vmem>>[vector<16xi32>], vector<16xf32>,
        %get3A_784 = arith.constant 1 : i32
        %get3A_785 = arith.constant 6 : i32
        %get3A_786 = arith.index_cast %get3A_784 : i32 to index
        %get3A_787 = arith.index_cast %get3A_785 : i32 to index
        %get3A_788 = arith.constant 48 : index
        %get3A_789 = tpu.vector_load %arg10[%get3A_786, %get3A_787, %get3A_788] {strides = array<i32>} : memref<2x8x128xi32, #tpu.memory_space<vmem>>, vector<16xi32>,
        tpu.vector_store_idx %arg12[%get3A_789], %broadcast_in_dim3A_67 {add = true} : memref<10240xf32, #tpu.memory_space<vmem>>[vector<16xi32>], vector<16xf32>,
        %get3A_790 = arith.constant 1 : i32
        %get3A_791 = arith.constant 6 : i32
        %get3A_792 = arith.index_cast %get3A_790 : i32 to index
        %get3A_793 = arith.index_cast %get3A_791 : i32 to index
        %get3A_794 = arith.constant 64 : index
        %get3A_795 = tpu.vector_load %arg10[%get3A_792, %get3A_793, %get3A_794] {strides = array<i32>} : memref<2x8x128xi32, #tpu.memory_space<vmem>>, vector<16xi32>,
        tpu.vector_store_idx %arg12[%get3A_795], %broadcast_in_dim3A_67 {add = true} : memref<10240xf32, #tpu.memory_space<vmem>>[vector<16xi32>], vector<16xf32>,
        %get3A_796 = arith.constant 1 : i32
        %get3A_797 = arith.constant 6 : i32
        %get3A_798 = arith.index_cast %get3A_796 : i32 to index
        %get3A_799 = arith.index_cast %get3A_797 : i32 to index
        %get3A_800 = arith.constant 80 : index
        %get3A_801 = tpu.vector_load %arg10[%get3A_798, %get3A_799, %get3A_800] {strides = array<i32>} : memref<2x8x128xi32, #tpu.memory_space<vmem>>, vector<16xi32>,
        tpu.vector_store_idx %arg12[%get3A_801], %broadcast_in_dim3A_67 {add = true} : memref<10240xf32, #tpu.memory_space<vmem>>[vector<16xi32>], vector<16xf32>,
        %get3A_802 = arith.constant 1 : i32
        %get3A_803 = arith.constant 6 : i32
        %get3A_804 = arith.index_cast %get3A_802 : i32 to index
        %get3A_805 = arith.index_cast %get3A_803 : i32 to index
        %get3A_806 = arith.constant 96 : index
        %get3A_807 = tpu.vector_load %arg10[%get3A_804, %get3A_805, %get3A_806] {strides = array<i32>} : memref<2x8x128xi32, #tpu.memory_space<vmem>>, vector<16xi32>,
        tpu.vector_store_idx %arg12[%get3A_807], %broadcast_in_dim3A_67 {add = true} : memref<10240xf32, #tpu.memory_space<vmem>>[vector<16xi32>], vector<16xf32>,
        %get3A_808 = arith.constant 1 : i32
        %get3A_809 = arith.constant 6 : i32
        %get3A_810 = arith.index_cast %get3A_808 : i32 to index
        %get3A_811 = arith.index_cast %get3A_809 : i32 to index
        %get3A_812 = arith.constant 112 : index
        %get3A_813 = tpu.vector_load %arg10[%get3A_810, %get3A_811, %get3A_812] {strides = array<i32>} : memref<2x8x128xi32, #tpu.memory_space<vmem>>, vector<16xi32>,
        tpu.vector_store_idx %arg12[%get3A_813], %broadcast_in_dim3A_67 {add = true} : memref<10240xf32, #tpu.memory_space<vmem>>[vector<16xi32>], vector<16xf32>,
      } else {
      }
      %dma_wait3A_737 = arith.constant 0 : i32
      %dma_wait3A_738 = arith.constant 0 : i32
      %dma_wait3A_739 = arith.constant 1 : i32
      %dma_wait3A_740 = arith.constant 0 : i32
      %dma_wait3A_741 = arith.constant 0 : i32
      %dma_wait3A_742 = tpu.memref_slice %arg11[%dma_wait3A_739, %dma_wait3A_740, %dma_wait3A_741] : memref<2x128x128xf32, #tpu.memory_space<vmem>> -> memref<1x128x128xf32, #tpu.memory_space<vmem>>
      %dma_wait3A_743 = tpu.memref_squeeze %dma_wait3A_742 : memref<1x128x128xf32, #tpu.memory_space<vmem>> -> memref<128x128xf32, #tpu.memory_space<vmem>>
      %dma_wait3A_744 = arith.constant 0 : i32
      %dma_wait3A_745 = tpu.memref_slice %arg9[%dma_wait3A_737, %dma_wait3A_738, %dma_wait3A_744] : memref<2x8x128xi32, #tpu.memory_space<vmem>> -> memref<1x1x128xi32, #tpu.memory_space<vmem>>
      %dma_wait3A_746 = tpu.memref_squeeze %dma_wait3A_745 : memref<1x1x128xi32, #tpu.memory_space<vmem>> -> memref<128xi32, #tpu.memory_space<vmem>>
      %dma_wait3A_747 = arith.constant 0 : i32
      %dma_wait3A_748 = arith.constant 0 : i32
      %dma_wait3A_749 = tpu.memref_slice %arg2[%arg0, %dma_wait3A_747, %dma_wait3A_748] : memref<2x10000x128xf32, #tpu.memory_space<hbm>> -> memref<1x10000x128xf32, #tpu.memory_space<hbm>>
      %dma_wait3A_750 = tpu.memref_squeeze %dma_wait3A_749 : memref<1x10000x128xf32, #tpu.memory_space<hbm>> -> memref<10000x128xf32, #tpu.memory_space<hbm>>
      %dma_wait3A_751 = arith.constant 0 : i32
      %dma_wait3A_752 = arith.constant 0 : i32
      %dma_wait3A_753 = tpu.memref_slice %dma_wait3A_750[%dma_wait3A_751, %dma_wait3A_752] : memref<10000x128xf32, #tpu.memory_space<hbm>> -> memref<10000x128xf32, #tpu.memory_space<hbm>>
      tpu.wait_indirect_dma semaphore(%arg15 : memref<!tpu.dma_semaphore, #tpu.memory_space<semaphore_mem>>) src(%dma_wait3A_753 : memref<10000x128xf32, #tpu.memory_space<hbm>>) dst(%dma_wait3A_743 : memref<128x128xf32, #tpu.memory_space<vmem>>)
      %run_scoped3A_754 = arith.constant 1 : i32
      %run_scoped3A_755 = arith.constant 1 : i32
      %run_scoped3A_756 = arith.constant 7 : i32
      "tpu.region"() ({
        %run_scoped3A_767 = tpu.sem_alloc : memref<!tpu.dma_semaphore, #tpu.memory_space<semaphore_mem>>
        %dma_start3A_768 = arith.constant 0 : i32
        %dma_start3A_769 = arith.constant 0 : i32
        %dma_start3A_770 = tpu.memref_slice %arg11[%run_scoped3A_754, %dma_start3A_768, %dma_start3A_769] : memref<2x128x128xf32, #tpu.memory_space<vmem>> -> memref<1x128x128xf32, #tpu.memory_space<vmem>>
        %dma_start3A_771 = tpu.memref_squeeze %dma_start3A_770 : memref<1x128x128xf32, #tpu.memory_space<vmem>> -> memref<128x128xf32, #tpu.memory_space<vmem>>
        %dma_start3A_772 = arith.constant 0 : i32
        %dma_start3A_773 = tpu.memref_slice %arg10[%run_scoped3A_755, %run_scoped3A_756, %dma_start3A_772] : memref<2x8x128xi32, #tpu.memory_space<vmem>> -> memref<1x1x128xi32, #tpu.memory_space<vmem>>
        %dma_start3A_774 = tpu.memref_squeeze %dma_start3A_773 : memref<1x1x128xi32, #tpu.memory_space<vmem>> -> memref<128xi32, #tpu.memory_space<vmem>>
        %dma_start3A_775 = arith.constant 0 : i32
        %dma_start3A_776 = arith.constant 0 : i32
        %dma_start3A_777 = tpu.memref_slice %arg13[%dma_start3A_775, %dma_start3A_776] : memref<10240x128xf32, #tpu.memory_space<vmem_shared>> -> memref<10240x128xf32, #tpu.memory_space<vmem_shared>>
        tpu.enqueue_indirect_dma source(%dma_start3A_771 : memref<128x128xf32, #tpu.memory_space<vmem>>) target(%dma_start3A_777 : memref<10240x128xf32, #tpu.memory_space<vmem_shared>>) offsets(%dma_start3A_774 : memref<128xi32, #tpu.memory_space<vmem>>) semaphore(%run_scoped3A_767 : memref<!tpu.dma_semaphore, #tpu.memory_space<semaphore_mem>>) {add = true}
        %dma_wait3A_778 = arith.constant 0 : i32
        %dma_wait3A_779 = arith.constant 0 : i32
        %dma_wait3A_780 = tpu.memref_slice %arg11[%run_scoped3A_754, %dma_wait3A_778, %dma_wait3A_779] : memref<2x128x128xf32, #tpu.memory_space<vmem>> -> memref<1x128x128xf32, #tpu.memory_space<vmem>>
        %dma_wait3A_781 = tpu.memref_squeeze %dma_wait3A_780 : memref<1x128x128xf32, #tpu.memory_space<vmem>> -> memref<128x128xf32, #tpu.memory_space<vmem>>
        %dma_wait3A_782 = arith.constant 0 : i32
        %dma_wait3A_783 = tpu.memref_slice %arg10[%run_scoped3A_755, %run_scoped3A_756, %dma_wait3A_782] : memref<2x8x128xi32, #tpu.memory_space<vmem>> -> memref<1x1x128xi32, #tpu.memory_space<vmem>>
        %dma_wait3A_784 = tpu.memref_squeeze %dma_wait3A_783 : memref<1x1x128xi32, #tpu.memory_space<vmem>> -> memref<128xi32, #tpu.memory_space<vmem>>
        %dma_wait3A_785 = arith.constant 0 : i32
        %dma_wait3A_786 = arith.constant 0 : i32
        %dma_wait3A_787 = tpu.memref_slice %arg13[%dma_wait3A_785, %dma_wait3A_786] : memref<10240x128xf32, #tpu.memory_space<vmem_shared>> -> memref<10240x128xf32, #tpu.memory_space<vmem_shared>>
        tpu.wait_indirect_dma semaphore(%run_scoped3A_767 : memref<!tpu.dma_semaphore, #tpu.memory_space<semaphore_mem>>) src(%dma_wait3A_781 : memref<128x128xf32, #tpu.memory_space<vmem>>) dst(%dma_wait3A_787 : memref<10240x128xf32, #tpu.memory_space<vmem_shared>>)
        tpu.yield
      }) : () -> ()
      %eq3A_757 = arith.constant 1 : i32
      %eq3A_758 = arith.cmpi eq, %arg0, %eq3A_757 : i32
      %convert_element_type3A_759 = arith.extui %eq3A_758 : i1 to i32
      %cond3A_760 = arith.constant 0 : i32
      %cond3A_761 = arith.cmpi ne, %convert_element_type3A_759, %cond3A_760 : i32
      scf.if %cond3A_761 {
        %get3A = arith.constant 1 : i32
        %get3A_767 = arith.constant 7 : i32
        %get3A_768 = arith.index_cast %get3A : i32 to index
        %get3A_769 = arith.index_cast %get3A_767 : i32 to index
        %get3A_770 = arith.constant 0 : index
        %get3A_771 = tpu.vector_load %arg10[%get3A_768, %get3A_769, %get3A_770] {strides = array<i32>} : memref<2x8x128xi32, #tpu.memory_space<vmem>>, vector<16xi32>,
        tpu.vector_store_idx %arg12[%get3A_771], %broadcast_in_dim3A_67 {add = true} : memref<10240xf32, #tpu.memory_space<vmem>>[vector<16xi32>], vector<16xf32>,
        %get3A_772 = arith.constant 1 : i32
        %get3A_773 = arith.constant 7 : i32
        %get3A_774 = arith.index_cast %get3A_772 : i32 to index
        %get3A_775 = arith.index_cast %get3A_773 : i32 to index
        %get3A_776 = arith.constant 16 : index
        %get3A_777 = tpu.vector_load %arg10[%get3A_774, %get3A_775, %get3A_776] {strides = array<i32>} : memref<2x8x128xi32, #tpu.memory_space<vmem>>, vector<16xi32>,
        tpu.vector_store_idx %arg12[%get3A_777], %broadcast_in_dim3A_67 {add = true} : memref<10240xf32, #tpu.memory_space<vmem>>[vector<16xi32>], vector<16xf32>,
        %get3A_778 = arith.constant 1 : i32
        %get3A_779 = arith.constant 7 : i32
        %get3A_780 = arith.index_cast %get3A_778 : i32 to index
        %get3A_781 = arith.index_cast %get3A_779 : i32 to index
        %get3A_782 = arith.constant 32 : index
        %get3A_783 = tpu.vector_load %arg10[%get3A_780, %get3A_781, %get3A_782] {strides = array<i32>} : memref<2x8x128xi32, #tpu.memory_space<vmem>>, vector<16xi32>,
        tpu.vector_store_idx %arg12[%get3A_783], %broadcast_in_dim3A_67 {add = true} : memref<10240xf32, #tpu.memory_space<vmem>>[vector<16xi32>], vector<16xf32>,
        %get3A_784 = arith.constant 1 : i32
        %get3A_785 = arith.constant 7 : i32
        %get3A_786 = arith.index_cast %get3A_784 : i32 to index
        %get3A_787 = arith.index_cast %get3A_785 : i32 to index
        %get3A_788 = arith.constant 48 : index
        %get3A_789 = tpu.vector_load %arg10[%get3A_786, %get3A_787, %get3A_788] {strides = array<i32>} : memref<2x8x128xi32, #tpu.memory_space<vmem>>, vector<16xi32>,
        tpu.vector_store_idx %arg12[%get3A_789], %broadcast_in_dim3A_67 {add = true} : memref<10240xf32, #tpu.memory_space<vmem>>[vector<16xi32>], vector<16xf32>,
        %get3A_790 = arith.constant 1 : i32
        %get3A_791 = arith.constant 7 : i32
        %get3A_792 = arith.index_cast %get3A_790 : i32 to index
        %get3A_793 = arith.index_cast %get3A_791 : i32 to index
        %get3A_794 = arith.constant 64 : index
        %get3A_795 = tpu.vector_load %arg10[%get3A_792, %get3A_793, %get3A_794] {strides = array<i32>} : memref<2x8x128xi32, #tpu.memory_space<vmem>>, vector<16xi32>,
        tpu.vector_store_idx %arg12[%get3A_795], %broadcast_in_dim3A_67 {add = true} : memref<10240xf32, #tpu.memory_space<vmem>>[vector<16xi32>], vector<16xf32>,
        %get3A_796 = arith.constant 1 : i32
        %get3A_797 = arith.constant 7 : i32
        %get3A_798 = arith.index_cast %get3A_796 : i32 to index
        %get3A_799 = arith.index_cast %get3A_797 : i32 to index
        %get3A_800 = arith.constant 80 : index
        %get3A_801 = tpu.vector_load %arg10[%get3A_798, %get3A_799, %get3A_800] {strides = array<i32>} : memref<2x8x128xi32, #tpu.memory_space<vmem>>, vector<16xi32>,
        tpu.vector_store_idx %arg12[%get3A_801], %broadcast_in_dim3A_67 {add = true} : memref<10240xf32, #tpu.memory_space<vmem>>[vector<16xi32>], vector<16xf32>,
        %get3A_802 = arith.constant 1 : i32
        %get3A_803 = arith.constant 7 : i32
        %get3A_804 = arith.index_cast %get3A_802 : i32 to index
        %get3A_805 = arith.index_cast %get3A_803 : i32 to index
        %get3A_806 = arith.constant 96 : index
        %get3A_807 = tpu.vector_load %arg10[%get3A_804, %get3A_805, %get3A_806] {strides = array<i32>} : memref<2x8x128xi32, #tpu.memory_space<vmem>>, vector<16xi32>,
        tpu.vector_store_idx %arg12[%get3A_807], %broadcast_in_dim3A_67 {add = true} : memref<10240xf32, #tpu.memory_space<vmem>>[vector<16xi32>], vector<16xf32>,
        %get3A_808 = arith.constant 1 : i32
        %get3A_809 = arith.constant 7 : i32
        %get3A_810 = arith.index_cast %get3A_808 : i32 to index
        %get3A_811 = arith.index_cast %get3A_809 : i32 to index
        %get3A_812 = arith.constant 112 : index
        %get3A_813 = tpu.vector_load %arg10[%get3A_810, %get3A_811, %get3A_812] {strides = array<i32>} : memref<2x8x128xi32, #tpu.memory_space<vmem>>, vector<16xi32>,
        tpu.vector_store_idx %arg12[%get3A_813], %broadcast_in_dim3A_67 {add = true} : memref<10240xf32, #tpu.memory_space<vmem>>[vector<16xi32>], vector<16xf32>,
      } else {
      }
      %lt3A_762 = arith.constant 9 : i32
      %lt3A_763 = arith.cmpi slt, %add3A_420, %lt3A_762 : i32
      %convert_element_type3A_764 = arith.extui %lt3A_763 : i1 to i32
      %cond3A_765 = arith.constant 0 : i32
      %cond3A_766 = arith.cmpi ne, %convert_element_type3A_764, %cond3A_765 : i32
      scf.if %cond3A_766 {
        %dma_wait3A_767 = arith.constant 0 : i32
        %dma_wait3A_768 = arith.constant 0 : i32
        %dma_wait3A_769 = arith.constant 0 : i32
        %dma_wait3A_770 = tpu.memref_slice %arg9[%dma_wait3A_767, %dma_wait3A_768, %dma_wait3A_769] : memref<2x8x128xi32, #tpu.memory_space<vmem>> -> memref<1x8x128xi32, #tpu.memory_space<vmem>>
        %dma_wait3A_771 = tpu.memref_squeeze %dma_wait3A_770 : memref<1x8x128xi32, #tpu.memory_space<vmem>> -> memref<8x128xi32, #tpu.memory_space<vmem>>
        %dma_wait3A_772 = arith.constant 0 : i32
        %dma_wait3A_773 = arith.constant 0 : i32
        %dma_wait3A_774 = tpu.memref_slice %arg3[%arg1, %dma_wait3A_772, %dma_wait3A_773] : memref<16x80x128xi32, #tpu.memory_space<hbm>> -> memref<1x8x128xi32, #tpu.memory_space<hbm>>
        %dma_wait3A_775 = tpu.memref_squeeze %dma_wait3A_774 : memref<1x8x128xi32, #tpu.memory_space<hbm>> -> memref<8x128xi32, #tpu.memory_space<hbm>>
        %dma_wait3A_776 = arith.constant 0 : i32
        %dma_wait3A_777 = arith.constant 0 : i32
        %dma_wait3A_778 = tpu.memref_slice %arg9[%dma_wait3A_767, %dma_wait3A_776, %dma_wait3A_777] : memref<2x8x128xi32, #tpu.memory_space<vmem>> -> memref<1x8x128xi32, #tpu.memory_space<vmem>>
        %dma_wait3A_779 = tpu.memref_squeeze %dma_wait3A_778 : memref<1x8x128xi32, #tpu.memory_space<vmem>> -> memref<8x128xi32, #tpu.memory_space<vmem>>
        %dma_wait3A_780 = arith.constant 0 : i32
        %dma_wait3A_781 = arith.constant 0 : i32
        %dma_wait3A_782 = tpu.memref_slice %arg3[%arg1, %dma_wait3A_780, %dma_wait3A_781] : memref<16x80x128xi32, #tpu.memory_space<hbm>> -> memref<1x8x128xi32, #tpu.memory_space<hbm>>
        %dma_wait3A_783 = tpu.memref_squeeze %dma_wait3A_782 : memref<1x8x128xi32, #tpu.memory_space<hbm>> -> memref<8x128xi32, #tpu.memory_space<hbm>>
        tpu.wait_dma2 semaphore(%arg16 : memref<!tpu.dma_semaphore, #tpu.memory_space<semaphore_mem>>) src(%dma_wait3A_783 : memref<8x128xi32, #tpu.memory_space<hbm>>) dst(%dma_wait3A_779 : memref<8x128xi32, #tpu.memory_space<vmem>>)
        %dma_wait3A_784 = arith.constant 0 : i32
        %dma_wait3A_785 = arith.constant 0 : i32
        %dma_wait3A_786 = arith.constant 0 : i32
        %dma_wait3A_787 = tpu.memref_slice %arg10[%dma_wait3A_784, %dma_wait3A_785, %dma_wait3A_786] : memref<2x8x128xi32, #tpu.memory_space<vmem>> -> memref<1x8x128xi32, #tpu.memory_space<vmem>>
        %dma_wait3A_788 = tpu.memref_squeeze %dma_wait3A_787 : memref<1x8x128xi32, #tpu.memory_space<vmem>> -> memref<8x128xi32, #tpu.memory_space<vmem>>
        %dma_wait3A_789 = arith.constant 0 : i32
        %dma_wait3A_790 = arith.constant 0 : i32
        %dma_wait3A_791 = tpu.memref_slice %arg4[%arg1, %dma_wait3A_789, %dma_wait3A_790] : memref<16x80x128xi32, #tpu.memory_space<hbm>> -> memref<1x8x128xi32, #tpu.memory_space<hbm>>
        %dma_wait3A_792 = tpu.memref_squeeze %dma_wait3A_791 : memref<1x8x128xi32, #tpu.memory_space<hbm>> -> memref<8x128xi32, #tpu.memory_space<hbm>>
        %dma_wait3A_793 = arith.constant 0 : i32
        %dma_wait3A_794 = arith.constant 0 : i32
        %dma_wait3A_795 = tpu.memref_slice %arg10[%dma_wait3A_784, %dma_wait3A_793, %dma_wait3A_794] : memref<2x8x128xi32, #tpu.memory_space<vmem>> -> memref<1x8x128xi32, #tpu.memory_space<vmem>>
        %dma_wait3A_796 = tpu.memref_squeeze %dma_wait3A_795 : memref<1x8x128xi32, #tpu.memory_space<vmem>> -> memref<8x128xi32, #tpu.memory_space<vmem>>
        %dma_wait3A_797 = arith.constant 0 : i32
        %dma_wait3A_798 = arith.constant 0 : i32
        %dma_wait3A_799 = tpu.memref_slice %arg4[%arg1, %dma_wait3A_797, %dma_wait3A_798] : memref<16x80x128xi32, #tpu.memory_space<hbm>> -> memref<1x8x128xi32, #tpu.memory_space<hbm>>
        %dma_wait3A_800 = tpu.memref_squeeze %dma_wait3A_799 : memref<1x8x128xi32, #tpu.memory_space<hbm>> -> memref<8x128xi32, #tpu.memory_space<hbm>>
        tpu.wait_dma2 semaphore(%arg16 : memref<!tpu.dma_semaphore, #tpu.memory_space<semaphore_mem>>) src(%dma_wait3A_800 : memref<8x128xi32, #tpu.memory_space<hbm>>) dst(%dma_wait3A_796 : memref<8x128xi32, #tpu.memory_space<vmem>>)
      } else {
      }
    }
    %scan3A_72 = arith.constant 5 : i32
    %barrier3A_73 = arith.constant 0 : index
    tpu.barrier barrier_id(%barrier3A_73)
    "tpu.region"() ({
      %run_scoped3A = tpu.sem_alloc : memref<!tpu.dma_semaphore, #tpu.memory_space<semaphore_mem>>
      %dma_start3A_74 = arith.constant 0 : i32
      %dma_start3A_75 = tpu.memref_slice %arg7[%arg0, %mul3A_0, %dma_start3A_74] : memref<2x10240x128xf32, #tpu.memory_space<hbm>> -> memref<1x640x128xf32, #tpu.memory_space<hbm>>
      %dma_start3A_76 = tpu.memref_squeeze %dma_start3A_75 : memref<1x640x128xf32, #tpu.memory_space<hbm>> -> memref<640x128xf32, #tpu.memory_space<hbm>>
      %dma_start3A_77 = arith.constant 0 : i32
      %dma_start3A_78 = tpu.memref_slice %arg13[%mul3A_0, %dma_start3A_77] : memref<10240x128xf32, #tpu.memory_space<vmem_shared>> -> memref<640x128xf32, #tpu.memory_space<vmem_shared>>
      tpu.enqueue_dma source(%dma_start3A_78 : memref<640x128xf32, #tpu.memory_space<vmem_shared>>) target(%dma_start3A_76 : memref<640x128xf32, #tpu.memory_space<hbm>>) target_semaphore(%run_scoped3A : memref<!tpu.dma_semaphore, #tpu.memory_space<semaphore_mem>>)
      %dma_wait3A_79 = arith.constant 0 : i32
      %dma_wait3A_80 = tpu.memref_slice %arg7[%arg0, %mul3A_0, %dma_wait3A_79] : memref<2x10240x128xf32, #tpu.memory_space<hbm>> -> memref<1x640x128xf32, #tpu.memory_space<hbm>>
      %dma_wait3A_81 = tpu.memref_squeeze %dma_wait3A_80 : memref<1x640x128xf32, #tpu.memory_space<hbm>> -> memref<640x128xf32, #tpu.memory_space<hbm>>
      %dma_wait3A_82 = arith.constant 0 : i32
      %dma_wait3A_83 = tpu.memref_slice %arg13[%mul3A_0, %dma_wait3A_82] : memref<10240x128xf32, #tpu.memory_space<vmem_shared>> -> memref<640x128xf32, #tpu.memory_space<vmem_shared>>
      tpu.wait_dma2 semaphore(%run_scoped3A : memref<!tpu.dma_semaphore, #tpu.memory_space<semaphore_mem>>) src(%dma_wait3A_83 : memref<640x128xf32, #tpu.memory_space<vmem_shared>>) dst(%dma_wait3A_81 : memref<640x128xf32, #tpu.memory_space<hbm>>)
      tpu.yield
    }) : () -> ()
    "tpu.region"() ({
      %run_scoped3A = tpu.sem_alloc : memref<!tpu.dma_semaphore, #tpu.memory_space<semaphore_mem>>
      %dma_start3A_74 = arith.constant 0 : i32
      %dma_start3A_75 = tpu.memref_slice %arg8[%arg0, %arg1, %dma_start3A_74] : memref<2x16x10240xf32, #tpu.memory_space<hbm>> -> memref<1x1x10240xf32, #tpu.memory_space<hbm>>
      %dma_start3A_76 = tpu.memref_squeeze %dma_start3A_75 : memref<1x1x10240xf32, #tpu.memory_space<hbm>> -> memref<10240xf32, #tpu.memory_space<hbm>>
      %dma_start3A_77 = arith.constant 0 : i32
      %dma_start3A_78 = tpu.memref_slice %arg8[%arg0, %arg1, %dma_start3A_77] : memref<2x16x10240xf32, #tpu.memory_space<hbm>> -> memref<1x1x10240xf32, #tpu.memory_space<hbm>>
      %dma_start3A_79 = tpu.memref_squeeze %dma_start3A_78 : memref<1x1x10240xf32, #tpu.memory_space<hbm>> -> memref<10240xf32, #tpu.memory_space<hbm>>
      tpu.enqueue_dma source(%arg12 : memref<10240xf32, #tpu.memory_space<vmem>>) target(%dma_start3A_79 : memref<10240xf32, #tpu.memory_space<hbm>>) target_semaphore(%run_scoped3A : memref<!tpu.dma_semaphore, #tpu.memory_space<semaphore_mem>>)
      %dma_wait3A_80 = arith.constant 0 : i32
      %dma_wait3A_81 = tpu.memref_slice %arg8[%arg0, %arg1, %dma_wait3A_80] : memref<2x16x10240xf32, #tpu.memory_space<hbm>> -> memref<1x1x10240xf32, #tpu.memory_space<hbm>>
      %dma_wait3A_82 = tpu.memref_squeeze %dma_wait3A_81 : memref<1x1x10240xf32, #tpu.memory_space<hbm>> -> memref<10240xf32, #tpu.memory_space<hbm>>
      %dma_wait3A_83 = arith.constant 0 : i32
      %dma_wait3A_84 = tpu.memref_slice %arg8[%arg0, %arg1, %dma_wait3A_83] : memref<2x16x10240xf32, #tpu.memory_space<hbm>> -> memref<1x1x10240xf32, #tpu.memory_space<hbm>>
      %dma_wait3A_85 = tpu.memref_squeeze %dma_wait3A_84 : memref<1x1x10240xf32, #tpu.memory_space<hbm>> -> memref<10240xf32, #tpu.memory_space<hbm>>
      tpu.wait_dma2 semaphore(%run_scoped3A : memref<!tpu.dma_semaphore, #tpu.memory_space<semaphore_mem>>) src(%arg12 : memref<10240xf32, #tpu.memory_space<vmem>>) dst(%dma_wait3A_85 : memref<10240xf32, #tpu.memory_space<hbm>>)
      tpu.yield
    }) : () -> ()
    return
  }
}

module attributes {stable_mosaic.version = 14 : i64} {
  func.func @body(%arg0: i32, %arg1: memref<1x512x128xf32, #tpu.memory_space<vmem>>, %arg2: memref<1x512x128xf32, #tpu.memory_space<vmem>>, %arg3: memref<32x512xf32, #tpu.memory_space<vmem>>, %arg4: memref<256x256xf32, #tpu.memory_space<vmem>>, %arg5: memref<1x256xf32, #tpu.memory_space<vmem>>, %arg6: memref<512x256xf32, #tpu.memory_space<vmem>>) attributes {dimension_semantics = [#tpu.dimension_semantics<arbitrary>], iteration_bounds = array<i64: 20>, scalar_prefetch = 0 : i64, scratch_operands = 0 : i64, tpu.core_type = #tpu.core_type<tc>, window_params = [{transform_indices = @transform_0, window_bounds = array<i64: 1, 512, 128>}, {transform_indices = @transform_1, window_bounds = array<i64: 1, 512, 128>}, {transform_indices = @transform_2, window_bounds = array<i64: 32, 512>}, {pipeline_mode = #tpu.pipeline_mode<synchronous>, transform_indices = @transform_3, window_bounds = array<i64: 256, 256>}, {pipeline_mode = #tpu.pipeline_mode<synchronous>, transform_indices = @transform_4, window_bounds = array<i64: 1, 256>}, {transform_indices = @transform_5, window_bounds = array<i64: 512, 256>}]} {
    %get3A = arith.constant 0 : index
    %get3A_0 = arith.constant 0 : index
    %get3A_1 = arith.constant 0 : index
    %get3A_2 = vector.load %arg1[%get3A, %get3A_0, %get3A_1] : memref<1x512x128xf32, #tpu.memory_space<vmem>>, vector<1x512x128xf32>
    %get3A_3 = vector.shape_cast %get3A_2 : vector<1x512x128xf32> to vector<512x128xf32>
    %get3A_4 = arith.constant 0 : index
    %get3A_5 = arith.constant 0 : index
    %get3A_6 = arith.constant 0 : index
    %get3A_7 = vector.load %arg2[%get3A_4, %get3A_5, %get3A_6] : memref<1x512x128xf32, #tpu.memory_space<vmem>>, vector<1x512x128xf32>
    %get3A_8 = vector.shape_cast %get3A_7 : vector<1x512x128xf32> to vector<512x128xf32>
    %get3A_9 = arith.constant 0 : index
    %get3A_10 = arith.constant 0 : index
    %get3A_11 = vector.load %arg4[%get3A_9, %get3A_10] : memref<256x256xf32, #tpu.memory_space<vmem>>, vector<256x256xf32>
    %slice3A = vector.extract_strided_slice %get3A_11 {offsets = [0, 0], sizes = [128, 256], strides = [1, 1]} : vector<256x256xf32> to vector<128x256xf32>
    %dot_general3A = arith.constant dense<0.000000e+00> : vector<512x256xf32>
    %dot_general3A_12 = tpu.matmul %get3A_3, %slice3A, %dot_general3A {dimension_numbers = #tpu.dot_dimension_numbers<[1], [0], [0], [1], [0, 0, 1, 1], [], []>, precision = #tpu.contract_precision<fp32>, transpose_lhs_hint = false} : vector<512x128xf32>, vector<128x256xf32>, vector<512x256xf32> -> vector<512x256xf32>
    %slice3A_13 = vector.extract_strided_slice %get3A_11 {offsets = [128, 0], sizes = [128, 256], strides = [1, 1]} : vector<256x256xf32> to vector<128x256xf32>
    %dot_general3A_14 = arith.constant dense<0.000000e+00> : vector<512x256xf32>
    %dot_general3A_15 = tpu.matmul %get3A_8, %slice3A_13, %dot_general3A_14 {dimension_numbers = #tpu.dot_dimension_numbers<[1], [0], [0], [1], [0, 0, 1, 1], [], []>, precision = #tpu.contract_precision<fp32>, transpose_lhs_hint = false} : vector<512x128xf32>, vector<128x256xf32>, vector<512x256xf32> -> vector<512x256xf32>
    %add3A = arith.addf %dot_general3A_12, %dot_general3A_15 : vector<512x256xf32>
    %get3A_16 = arith.constant 0 : index
    %get3A_17 = arith.constant 0 : index
    %get3A_18 = vector.load %arg3[%get3A_16, %get3A_17] : memref<32x512xf32, #tpu.memory_space<vmem>>, vector<32x512xf32>
    %reduce_sum3A = arith.constant dense<0.000000e+00> : vector<512xf32>
    %reduce_sum3A_19 = vector.multi_reduction <add>, %get3A_18, %reduce_sum3A [0] : vector<32x512xf32> to vector<512xf32>
    %broadcast_in_dim3A = vector.shape_cast %reduce_sum3A_19 : vector<512xf32> to vector<512x1xf32>
    %get3A_20 = arith.constant 0 : index
    %get3A_21 = arith.constant 0 : index
    %get3A_22 = vector.load %arg5[%get3A_20, %get3A_21] : memref<1x256xf32, #tpu.memory_space<vmem>>, vector<1x256xf32>
    %mul3A = vector.broadcast %broadcast_in_dim3A : vector<512x1xf32> to vector<512x256xf32>
    %mul3A_23 = vector.broadcast %get3A_22 : vector<1x256xf32> to vector<512x256xf32>
    %mul3A_24 = arith.mulf %mul3A, %mul3A_23 : vector<512x256xf32>
    %add3A_25 = arith.addf %add3A, %mul3A_24 : vector<512x256xf32>
    %tanh3A = math.tanh %add3A_25 : vector<512x256xf32>
    %swap3A = arith.constant 0 : index
    %swap3A_26 = arith.constant 0 : index
    %swap3A_27 = vector.load %arg6[%swap3A, %swap3A_26] : memref<512x256xf32, #tpu.memory_space<vmem>>, vector<512x256xf32>
    tpu.vector_store %arg6[%swap3A, %swap3A_26], %tanh3A {strides = array<i32>} : memref<512x256xf32, #tpu.memory_space<vmem>>, vector<512x256xf32>,
    return
  }
  func.func @transform_0(%arg0: i32) -> (i32, i32, i32) {
    %c0_i32 = arith.constant 0 : i32
    %c0_i32_0 = arith.constant 0 : i32
    %c0_i32_1 = arith.constant 0 : i32
    return %c0_i32, %arg0, %c0_i32_0 : i32, i32, i32
  }
  func.func @transform_1(%arg0: i32) -> (i32, i32, i32) {
    %c1_i32 = arith.constant 1 : i32
    %c0_i32 = arith.constant 0 : i32
    %c0_i32_0 = arith.constant 0 : i32
    return %c1_i32, %arg0, %c0_i32 : i32, i32, i32
  }
  func.func @transform_2(%arg0: i32) -> (i32, i32) {
    %c0_i32 = arith.constant 0 : i32
    %c0_i32_0 = arith.constant 0 : i32
    return %c0_i32, %arg0 : i32, i32
  }
  func.func @transform_3(%arg0: i32) -> (i32, i32) {
    %c0_i32 = arith.constant 0 : i32
    %c0_i32_0 = arith.constant 0 : i32
    %c0_i32_1 = arith.constant 0 : i32
    return %c0_i32, %c0_i32_0 : i32, i32
  }
  func.func @transform_4(%arg0: i32) -> (i32, i32) {
    %c0_i32 = arith.constant 0 : i32
    %c0_i32_0 = arith.constant 0 : i32
    %c0_i32_1 = arith.constant 0 : i32
    return %c0_i32, %c0_i32_0 : i32, i32
  }
  func.func @transform_5(%arg0: i32) -> (i32, i32) {
    %c0_i32 = arith.constant 0 : i32
    %c0_i32_0 = arith.constant 0 : i32
    return %arg0, %c0_i32 : i32, i32
  }
}

</mosaic_0001>

<sc_bundles>
// kernel: kernel.4.cloned.1.call-start
scs
__scs_entry_jumppad:
0x0: {  	(pc) =	sbr.rel $0x88, $3  }
0x1: {  	(tag) =	ssettag $0x0;
	lr =	simm.s32 $0x1  }
0x2: {  	[smem:$0x3F9D] =	sst lr;
	_ =	strace $0xD0000000  }
0x3: {  	_ = 	snop  }
0x4: {  	_ = 	snop  }
0x5: {  	_ = 	snop  }
0x6: {  	_ = 	snop  }
0x7: {  	_ = 	snop  }
__scs_overlays_trampoline_lowered:
0x8: {  	[smem:$0x3FAC] =	sst s0  }
0x9: {  	[smem:$0x3FAD] =	sst s1  }
0xa: {  	[smem:$0x3FAE] =	sst s2  }
0xb: {  	[smem:$0x3FAF] =	sst s3  }
0xc: {  	[smem:$0x3FB0] =	sst s4  }
0xd: {  	[smem:$0x3FB1] =	sst s5  }
0xe: {  	[smem:$0x3FB2] =	sst s6  }
0xf: {  	[smem:$0x3FB3] =	sst s7  }
0x10: {  	[smem:$0x3FB4] =	sst s8  }
0x11: {  	[smem:$0x3FB5] =	sst s9;
	s0 =	simm.s32 @!p0 $0x0  }
0x12: {  	s1 =	sld [smem:$0x3F9B];
	s0 =	simm.s32 @p0 $0x1  }
0x13: {  	[smem:$0x3FB6] =	sst s0;
	s0 =	simm.s32 @!p1 $0x0  }
0x14: {  	s2 =	sld [smem:$0x3F9A];
	s0 =	simm.s32 @p1 $0x1  }
0x15: {  	[smem:$0x3FB7] =	sst s0;
	s0 =	simm.s32 @!p2 $0x0  }
0x16: {  	s3 =	sld [smem:$0x3FDB];
	s0 =	simm.s32 @p2 $0x1  }
0x17: {  	s4 =	simm.s32 $0x1BF5;
	[smem:$0x3FB9] =	sst s0  }
0x18: {  	s0 =	sld [smem:$0x3F9C];
	_ =	swait.ge [sflag:s4], $0x0  }
0x19: {  	s7 =	sld [smem:$0x3F9D]  }
0x1a: {  	s8 =	sadd.s32 $0xFFFFE003, lr  }
0x1b: {  	s9 =	sadd.s32 $0xFFFFFEF7, lr;
	s5 =	simm.s32 $0xFFFFFFFF;
	p2 =	slt.u32 s8, $0xFFFFF086  }
0x1c: {  	p1 =	slt.u32 s9, $0xF7A;
	s5 =	simm.s32 @!p2 $0x0  }
0x1d: {  	s5 =	simm.s32 @p1 $0x1;
	p0 =	seq.s32 s7, s2  }
0x1e: {  	s7 =	smul.u32 @!p0 $0xF7A, s2;
	p2 =	seq.s32 @!p0 s5, $0x0  }
0x1f: {  	s9 =	smul.u32 $0xF7A, s1;
	s8 =	simm.s32 @!p0 $0x1BF5;
	p2 =	por !p2, p0  }
0x20: {  	[sflag:s8] =	ssyncset.s32 @!p0 $0xFFFFF086;
	s6 =	sadd.s32 @!p0 s3, s7;
	s7 =	simm.s32 @!p0 $0x108  }
0x21: {  	s3 =	sadd.s32 s3, s9;
	s6 =	sadd.s32 @!p0 $0x88, s6;
	s7 =	simm.s32 @p2 $0x1082  }
0x22: {  	[simem:s7], [sflag:s8] =	dma.local @!p0 [hbm:s6], $0xF7A  }
0x23: {  	s9 =	sor.u32 $0xD0000000, s2;
	s6 =	simm.s32 $0x108;
	_ =	swait.ge @!p0 [sflag:s8], $0x0  }
0x24: {  	s3 =	sadd.s32 $0x88, s3;
	s6 =	simm.s32 @!p1 $0x1082;
	[sflag:s4] =	ssyncset.s32 $0xFFFFF086  }
0x25: {  	[simem:s6], [sflag:s4] =	dma.local [hbm:s3], $0xF7A  }
0x26: {  	[smem:$0x3F9D] =	sst s1;
	(tag) =	ssettag s2;
	_ =	strace s9  }
0x27: {  	s1 =	sld [smem:$0x3FAD]  }
0x28: {  	s2 =	sld [smem:$0x3FAE]  }
0x29: {  	s4 =	sld [smem:$0x3FB0]  }
0x2a: {  	p0 =	seq.s32 s5, $0x0;
	s5 =	sld [smem:$0x3FB1]  }
0x2b: {  	s6 =	sld [smem:$0x3FB2]  }
0x2c: {  	s7 =	sld [smem:$0x3FB3]  }
0x2d: {  	s3 =	simm.s32 $0x108;
	s8 =	sld [smem:$0x3FB4]  }
0x2e: {  	s3 =	simm.s32 @!p0 $0x1082;
	s9 =	sld [smem:$0x3FB5]  }
0x2f: {  	lr =	sadd.s32 s0, s3;
	s0 =	sld [smem:$0x3FAC]  }
0x30: {  	s3 =	sld [smem:$0x3FAF]  }
0x31: {  	[smem:$0x3FB8] =	sst s10  }
0x32: {  	s10 =	sld [smem:$0x3FB6];
	_ =	sdelay $0x3  }
0x33: {  	p0 =	seq.s32 s10, $0x1;
	s10 =	sld [smem:$0x3FB8];
	_ =	sdelay $0x3  }
0x34: {  	[smem:$0x3FB8] =	sst s10  }
0x35: {  	s10 =	sld [smem:$0x3FB7];
	_ =	sdelay $0x3  }
0x36: {  	p1 =	seq.s32 s10, $0x1;
	s10 =	sld [smem:$0x3FB8];
	_ =	sdelay $0x3  }
0x37: {  	[smem:$0x3FB8] =	sst s10  }
0x38: {  	s10 =	sld [smem:$0x3FB9]  }
0x39: {  	_ = 	snop;
	(pc) =	sbr.ind lr, $3  }
0x3a: {  	_ = 	snop  }
0x3b: {  	_ = 	snop  }
0x3c: {  	p2 =	seq.s32 s10, $0x1;
	s10 =	sld [smem:$0x3FB8]  }
0x3d: {  	_ =	shalt  }
0x3e: {  	_ =	shalt  }
0x3f: {  	_ =	shalt  }
0x40: {  	_ =	shalt  }
0x41: {  	_ =	shalt  }
0x42: {  	_ =	shalt  }
0x43: {  	_ =	shalt  }
0x44: {  	_ =	shalt  }
0x45: {  	_ =	shalt  }
0x46: {  	_ =	shalt  }
0x47: {  	_ =	shalt  }
0x48: {  	_ =	shalt  }
0x49: {  	_ =	shalt  }
0x4a: {  	_ =	shalt  }
0x4b: {  	_ =	shalt  }
0x4c: {  	_ =	shalt  }
0x4d: {  	_ =	shalt  }
0x4e: {  	_ =	shalt  }
0x4f: {  	_ =	shalt  }
0x50: {  	_ =	shalt  }
0x51: {  	_ =	shalt  }
0x52: {  	_ =	shalt  }
0x53: {  	_ =	shalt  }
0x54: {  	_ =	shalt  }
0x55: {  	_ =	shalt  }
0x56: {  	_ =	shalt  }
0x57: {  	_ =	shalt  }
0x58: {  	_ =	shalt  }
0x59: {  	_ =	shalt  }
0x5a: {  	_ =	shalt  }
0x5b: {  	_ =	shalt  }
0x5c: {  	_ =	shalt  }
0x5d: {  	_ =	shalt  }
0x5e: {  	_ =	shalt  }
0x5f: {  	_ =	shalt  }
0x60: {  	_ =	shalt  }
0x61: {  	_ =	shalt  }
0x62: {  	_ =	shalt  }
0x63: {  	_ =	shalt  }
0x64: {  	_ =	shalt  }
0x65: {  	_ =	shalt  }
0x66: {  	_ =	shalt  }
0x67: {  	_ =	shalt  }
0x68: {  	_ =	shalt  }
0x69: {  	_ =	shalt  }
0x6a: {  	_ =	shalt  }
0x6b: {  	_ =	shalt  }
0x6c: {  	_ =	shalt  }
0x6d: {  	_ =	shalt  }
0x6e: {  	_ =	shalt  }
0x6f: {  	_ =	shalt  }
0x70: {  	_ =	shalt  }
0x71: {  	_ =	shalt  }
0x72: {  	_ =	shalt  }
0x73: {  	_ =	shalt  }
0x74: {  	_ =	shalt  }
0x75: {  	_ =	shalt  }
0x76: {  	_ =	shalt  }
0x77: {  	_ =	shalt  }
0x78: {  	_ =	shalt  }
0x79: {  	_ =	shalt  }
0x7a: {  	_ =	shalt  }
0x7b: {  	_ =	shalt  }
0x7c: {  	_ =	shalt  }
0x7d: {  	_ =	shalt  }
0x7e: {  	_ =	shalt  }
0x7f: {  	_ =	shalt  }
0x80: {  	_ =	shalt  }
0x81: {  	_ =	shalt  }
0x82: {  	_ =	shalt  }
0x83: {  	_ =	shalt  }
0x84: {  	_ =	shalt  }
0x85: {  	_ =	shalt  }
0x86: {  	_ =	shalt  }
0x87: {  	_ =	shalt  }
.Lfunc_end0:
.L_simem_size_0:
called_computation_lowered:
.L_overlay_start_0:
0x88: {  	s2 =	sld [smem:$0x3FD9]  }
0x89: {  	s3 =	sld [smem:$0x3FFE];
	_ =	sdelay $0x1  }
0x8a: {  	s1 =	srdreg.scid  }
0x8b: {  	s0 =	sand.u32 $0x1, s1  }
0x8c: {  	s17 =	sshll.u32 s0, $0xA;
	s2 =	sadd.s32 s3, s2  }
0x8d: {  	s2 =	sadd.s32 s2, s17  }
0x8e: {  	[smem:$0x3FC4] =	sst s2  }
0x8f: {  	_ = 	snop  }
0x90: {  	s2 =	sld [smem:$0x3FD0];
	(tm) =	ssettm $0x1  }
0x91: {  	s18 =	sld [smem:$0x3FFB];
	_ =	sdelay $0x3  }
0x92: {  	_ =	strace s18  }
0x93: {  	s3 =	sld [smem:$0x3FFC];
	_ =	sdelay $0x3  }
0x94: {  	_ =	strace s3  }
0x95: {  	s3 =	sld [smem:$0x3FFD];
	_ =	sdelay $0x3  }
0x96: {  	_ =	strace s3  }
0x97: {  	_ =	strace $0x8FFFFFFF  }
0x98: {  	s19 =	sld [smem:$0x3FDB];
	_ =	sdelay $0x1  }
0x99: {  	s4 =	simm.s32 $_scs_section_size  }
0x9a: {  	s5 =	simm.s32 $_size__tile_overlayer_lowered;
	s6 =	simm.s32 $_tile_overlayer_lowered  }
0x9b: {  	s22 =	simm.s32 $0x1BFF;
	s21 =	sshll.u32 s6, $0x1;
	s3 =	sadd.s32 s4, s19  }
0x9c: {  	s7 =	simm.s32 $0x0;
	s20 =	sshll.u32 s5, $0x1;
	s5 =	sadd.s32 s21, s3  }
0x9d: {  	[timem:s7], [sflag:s22] =	dma.local [hbm:s5], s20  }
0x9e: {  	_ =	swait.ge [sflag:s22], s20  }
0x9f: {  	s4 =	ssub.s32 $0x0, s20;
	[sflag:s22] =	ssyncset.done $0x0  }
0xa0: {  	[sflag:s22] =	ssyncadd.s32 s4;
	_ =	sdelay $0x1  }
0xa1: {  	s23 =	simm.s32 $0x1B8B  }
0xa2: {  	_ =	swait.ge [sflag:s23], $0x1  }
0xa3: {  	[sflag:s23] =	ssyncset.done $0x0  }
0xa4: {  	s25 =	simm.s32 $0x1B8E;
	s24 =	sld [smem:$0x3FFE];
	[sflag:s23] =	ssyncadd.s32 $0xFFFFFFFF  }
0xa5: {  	s26 =	simm.s32 $execute0_lowered;
	[smem:$0x3FD2] =	sst s25  }
0xa6: {  	s5 =	sshll.u32 s26, $0x1;
	_ =	strace $0x80000046;
	[dreg:$0x1] =	wrdreg $0xFFFFFFFF  }
0xa7: {  	s28 =	simm.s32 $_size_execute0_lowered;
	s3 =	sadd.s32 s3, s5;
	[dreg:$0x0] =	wrdreg $0x0  }
0xa8: {  	s5 =	sshll.u32 s28, $0x1;
	[dreg:$0x2] =	wrdreg s3  }
0xa9: {  	[dreg:$0x3] =	wrdreg s5  }
0xaa: {  	[dreg:$0x4] =	wrdreg $0xC0  }
0xab: {  	_ =	task [dreg:s7], $0x5FFFF  }
0xac: {  	[dreg:$0x1] =	wrdreg $0xFFFFFFFF  }
0xad: {  	[dreg:$0x0] =	wrdreg $0x60  }
0xae: {  	[dreg:$0x2] =	wrdreg s2  }
0xaf: {  	[dreg:$0x3] =	wrdreg s24  }
0xb0: {  	[dreg:$0x4] =	wrdreg $0xB8000  }
0xb1: {  	[dreg:$0x5] =	wrdreg $0x9  }
0xb2: {  	_ =	task.clear_ibuf [dreg:s7], $0x6FFFF;
	_ =	strace $0x90000046  }
0xb3: {  	s29 =	simm.s32 $0x9;
	_ =	strace $0x80000048  }
0xb4: {  	_ =	swait.ge [sflag:s29], $0x1  }
0xb5: {  	[sflag:s29] =	ssyncadd.s32 $0xFFFFFFFF  }
0xb6: {  	_ =	strace $0x90000048  }
0xb7: {  	_ =	sfence  }
0xb8: {  	s30 =	sld [smem:$0x0];
	_ =	sdelay $0x2  }
0xb9: {  	s31 =	sshll.u32 s1, $0xD;
	s1 =	sshrl.u32 s1, $0x2  }
0xba: {  	s3 =	sand.u32 $0x4000, s31;
	s1 =	sadd.s32 s1, s30  }
0xbb: {  	s0 =	sor.u32 s3, s0;
	s1 =	sshll.u32 s1, $0x11  }
0xbc: {  	s0 =	sor.u32 s1, s0  }
0xbd: {  	s0 =	sadd.s32 $0x8F2B, s0  }
0xbe: {  	[sflag:s0] =	ssyncadd.remote.s32 $0x1  }
0xbf: {  	_ =	sfence.sel $0xFFFF  }
0xc0: {  	[dreg:$0x0] =	wrdreg $0xFFFFFFFF;
	(pc) =	sbr.abs _section_cstart, $3  }
0xc1: {  	[dreg:$0x1] =	wrdreg $0xFFFFFFFF  }
0xc2: {  	_ =	task.clear_ibuf [dreg:s7], $0x2FFFF;
	_ =	strace $0x9FFFFFFF  }
0xc3: {  	(tm) =	ssettm $0x7FFFFFFF  }
tec
execute0_lowered:
.L_overlay_start_1:
0x0: {  	(tag) =	ssettag $0x1  }
0x1: {  	s1 =	rddreg [dreg:$0x0]  }
0x2: {  	s0 =	srdreg.scid;
	s4 =	rddreg [dreg:$0x1]  }
0x3: {  	s14 =	stileid.u32;
	s2 =	rddreg [dreg:$0x2];
	s3 =	simm.s32 $0x0  }
0x4: {  	s16 =	simm.s32 $0x100;
	s17 =	simm.s32 $0x900;
	s18 =	simm.s32 $0x200  }
0x5: {  	s20 =	simm.s32 $0xA00;
	s21 =	simm.s32 $0x300;
	s22 =	simm.s32 $0xB00  }
0x6: {  	s23 =	simm.s32 $0x480;
	[smem:$0x7FF] =	sst s3;
	s10 =	sadd.s32 $0xAE00, s4  }
0x7: {  	s29 =	sadd.s32 $0xA800, s4;
	_ =	strace $0x80000047;
	[dreg:$0x11] =	wrdreg s10  }
0x8: {  	s24 =	simm.s32 $0x500;
	s25 =	simm.s32 $0xD00;
	[dreg:$0x12] =	wrdreg s29  }
0x9: {  	s26 =	simm.s32 $0x600;
	s28 =	simm.s32 $0x0;
	[dreg:$0x4] =	wrdreg s16  }
0xa: {  	s0 =	sand.u32 $0x1, s0;
	s5 =	smul.u32 $0x14000, s14;
	[dreg:$0x5] =	wrdreg s17  }
0xb: {  	s7 =	smul.u32 $0x2800, s14;
	s9 =	sadd.s32 $0x5800, s4;
	[dreg:$0x6] =	wrdreg s18  }
0xc: {  	s12 =	sadd.s32 $0x800, s4;
	s15 =	smul.u32 $0x500, s14;
	[dreg:$0x7] =	wrdreg s20  }
0xd: {  	s19 =	sshll.u32 s14, $0x6;
	s6 =	smul.u32 $0x140000, s0;
	[dreg:$0x8] =	wrdreg s21  }
0xe: {  	s8 =	smul.u32 $0x28000, s0;
	s30 =	ssub.s32 $0x2, s0;
	[dreg:$0x9] =	wrdreg s22  }
0xf: {  	s11 =	smul.u32 $0x27100, s0;
	s16 =	sor.u32 $0x1C05, s19;
	[dreg:$0xa] =	wrdreg s23  }
0x10: {  	s18 =	simm.s32 $0x800;
	s19 =	simm.s32 $0x3;
	[dreg:$0xb] =	wrdreg s24  }
0x11: {  	p0 =	sne.s32 s0, $0x0;
	s20 =	simm.s32 $0x400;
	[dreg:$0xc] =	wrdreg s25  }
0x12: {  	s21 =	simm.s32 $0xC00;
	[dreg:$0xd] =	wrdreg s26;
	s29 =	simm.s32 $0xE00  }
0x13: {  	s22 =	simm.s32 $0x80;
	s23 =	simm.s32 $0x1000;
	p1 =	seq.s32 s0, $0x0  }
0x14: {  	s24 =	simm.s32 $0x5000;
	s25 =	simm.s32 $0x1;
	s26 =	simm.s32 $0x4  }
0x15: {  	s31 =	sshrl.u32 s30, $0x1;
	[dreg:$0xe] =	wrdreg s29;
	s6 =	sadd.s32 s5, s6  }
0x16: {  	s8 =	sadd.s32 s7, s8;
	s7 =	sshrl.u32 s7, $0x3;
	s13 =	ssub.s32 s30, s31  }
0x17: {  	s5 =	sadd.s32 s5, s2;
	s30 =	simm.s32 $0x700;
	s31 =	simm.s32 $0xF00  }
0x18: {  	s6 =	sshrl.u32 s6, $0x3;
	s8 =	sshrl.u32 s8, $0x3;
	[dreg:$0xf] =	wrdreg s30  }
0x19: {  	s10 =	sadd.s32 s9, s7;
	s7 =	sadd.s32 s12, s7;
	[dreg:$0x10] =	wrdreg s31  }
0x1a: {  	s12 =	sadd.s32 s15, s12;
	s17 =	sshrl.u32 s5, $0x3;
	[dreg:$0x13] =	wrdreg s10  }
0x1b: {  	s6 =	sadd.s32 s6, s4;
	s4 =	sadd.s32 s8, s4;
	[dreg:$0x14] =	wrdreg s7  }
0x1c: {  	s8 =	sadd.s32 s1, s11;
	s11 =	smax.u32 s13, $0x1;
	s6 =	sadd.s32 $0x17600, s6  }
0x1d: {  	s13 =	sadd.s32 s15, s9;
	s4 =	sadd.s32 $0xD600, s4;
	[dreg:$0x15] =	wrdreg s6  }
0x1e: {  	s15 =	simm.s32 $0x5;
	[dreg:$0x16] =	wrdreg s4;
	s6 =	simm.s32 $0x9000  }
.LBB2_1:
0x1f: {  	s0 =	rddreg [dreg:$0x12]  }
0x20: {  	[tilespmem:s6], [sflag:$0x5] =	stream.linear.gather [hbm4b:s0+s3], $0x2800, $0x38;
	[tilespmem:$0x1F800] =	vst v63  }
0x21: {  	_ =	swait.ge [sflag:s15], $0x2800  }
0x22: {  	[sflag:s15] =	ssyncset.done $0x0  }
0x23: {  	s10 =	rddreg [dreg:$0x11];
	[sflag:s15] =	ssyncadd.s32 $0xFFFFD800  }
0x24: {  	[spmem:s17], [sflag:s16] =	dma.local [hbm:s10], $0x2800  }
0x25: {  	_ =	swait.ge [sflag:s15], $0x2800  }
0x26: {  	[sflag:s15] =	ssyncset.done $0x0  }
0x27: {  	s14 =	rddreg [dreg:$0x13];
	[sflag:s15] =	ssyncadd.s32 $0xFFFFD800  }
0x28: {  	[tilespmem:s3], [sflag:$0x3] =	stream.linear.gather [hbm4b:s14+s3], $0x400, $0x38;
	[tilespmem:$0x1F800] =	vst v63  }
0x29: {  	s31 =	rddreg [dreg:$0x14]  }
0x2a: {  	[tilespmem:s18], [sflag:$0x3] =	stream.linear.gather [hbm4b:s31+s3], $0x400, $0x38;
	[tilespmem:$0x1F800] =	vst v63  }
0x2b: {  	_ =	swait.ge [sflag:s19], $0x400  }
0x2c: {  	[sflag:s19] =	ssyncset.done $0x0  }
0x2d: {  	[sflag:s19] =	ssyncadd.s32 $0xFFFFFC00  }
0x2e: {  	_ =	swait.ge [sflag:s19], $0x400  }
0x2f: {  	[sflag:s19] =	ssyncset.done $0x0  }
0x30: {  	[sflag:s19] =	ssyncadd.s32 $0xFFFFFC00  }
0x31: {  	s29 =	simm.s32 $0x0;
	s30 =	simm.s32 $0x0;
	[bflag:$0x0] =	sbarrier.arrive $0xFFFF  }
.LBB2_2:
0x32: {  	s0 =	sadd.s32 s29, s13  }
0x33: {  	s9 =	sadd.s32 s29, s12;
	s0 =	sadd.s32 $0x80, s0  }
0x34: {  	[tilespmem:s20], [sflag:$0x4] =	stream.linear.gather [hbm4b:s0+s3], $0x400, $0x38;
	[tilespmem:$0x1F800] =	vst v63  }
0x35: {  	s0 =	sadd.s32 $0x80, s9  }
0x36: {  	[tilespmem:s21], [sflag:$0x4] =	stream.linear.gather [hbm4b:s0+s3], $0x400, $0x38;
	[tilespmem:$0x1F800] =	vst v63  }
0x37: {  	_ = 	snop  }
0x38: {  	[tilespmem:s23], [sflag:$0x1] =	stream.indirect.gather [hbm4b:s8+s22], $0x80, s3, s22, $0xb8;
	[tilespmem:$0x1F800] =	vst v63  }
0x39: {  	_ = 	snop  }
0x3a: {  	[tilespmem:s24], [sflag:$0x2] =	stream.indirect.gather [hbm4b:s8+s22], $0x80, s22, s22, $0xb8;
	[tilespmem:$0x1F800] =	vst v63  }
0x3b: {  	_ =	swait.ge [sflag:s25], $0x4000  }
0x3c: {  	[sflag:s25] =	ssyncset.done $0x0  }
0x3d: {  	[sflag:s25] =	ssyncadd.s32 $0xFFFFC000  }
0x3e: {  	[spmem:s2] =	stream.indirect.scatter.add.f32 [tilespmem:s23], [sflag:$0x5], $0x80, s18, s22, $0xb8;
	[tilespmem:$0x1F800] =	vst v63  }
0x3f: {  	_ =	swait.ge [sflag:s15], $0x4000  }
0x40: {  	[sflag:s15] =	ssyncset.done $0x0  }
0x41: {  	s1 =	simm.s32 @p0 $0x2;
	s10 =	rddreg [dreg:$0x4];
	[sflag:s15] =	ssyncadd.s32 $0xFFFFC000  }
0x42: {  	[tilespmem:s23], [sflag:$0x1] =	stream.indirect.gather [hbm4b:s8+s22], $0x80, s10, s22, $0xb8;
	[tilespmem:$0x1F800] =	vst v63  }
0x43: {  	_ =	swait.ge @p0 [sflag:s1], $0x4000  }
0x44: {  	s4 =	simm.s32 @p0 $0x880;
	[sflag:s1] =	ssyncset.done @p0 $0x0  }
0x45: {  	s5 =	simm.s32 @p0 $0x5000;
	s0 =	simm.s32 @p0 $0x80;
	[sflag:s1] =	ssyncadd.s32 @p0 $0xFFFFC000  }
0x46: {  	[spmem:s2] =	stream.indirect.scatter.add.f32 @p0 [tilespmem:s5], [sflag:$0x5], $0x80, s4, s0, $0xb8;
	[tilespmem:$0x1F800] =	vst v63  }
0x47: {  	s4 =	simm.s32 @p0 $0x5  }
0x48: {  	_ =	swait.ge @p0 [sflag:s4], $0x4000  }
0x49: {  	[sflag:s4] =	ssyncset.done @p0 $0x0  }
0x4a: {  	s6 =	simm.s32 @p0 $0x180;
	[sflag:s4] =	ssyncadd.s32 @p0 $0xFFFFC000  }
0x4b: {  	[tilespmem:s5], [sflag:$0x2] =	stream.indirect.gather @p0 [hbm4b:s8+s0], $0x80, s6, s0, $0xb8;
	[tilespmem:$0x1F800] =	vst v63  }
0x4c: {  	v1 =	vld @!p0 [tilespmem:$0x800];
	_ =	sdelay $0x6  }
0x4d: {  	v0 =	vimm.f32 @!p0 $1.000000000e+00;
	s31 =	simm.s32 @!p0 $0x9000  }
0x4e: {  	[tilespmem:v1+s31+$0x0] =	vst.idx.add.f32.msk @!p0 $0xffff, v0  }
0x4f: {  	v1 =	vld @!p0 [tilespmem:$0x810];
	_ =	sdelay $0x7  }
0x50: {  	[tilespmem:v1+s31+$0x0] =	vst.idx.add.f32.msk @!p0 $0xffff, v0  }
0x51: {  	v1 =	vld @!p0 [tilespmem:$0x820];
	_ =	sdelay $0x7  }
0x52: {  	[tilespmem:v1+s31+$0x0] =	vst.idx.add.f32.msk @!p0 $0xffff, v0  }
0x53: {  	v1 =	vld @!p0 [tilespmem:$0x830];
	_ =	sdelay $0x7  }
0x54: {  	[tilespmem:v1+s31+$0x0] =	vst.idx.add.f32.msk @!p0 $0xffff, v0  }
0x55: {  	v1 =	vld @!p0 [tilespmem:$0x840];
	_ =	sdelay $0x7  }
0x56: {  	[tilespmem:v1+s31+$0x0] =	vst.idx.add.f32.msk @!p0 $0xffff, v0  }
0x57: {  	v1 =	vld @!p0 [tilespmem:$0x850];
	_ =	sdelay $0x7  }
0x58: {  	[tilespmem:v1+s31+$0x0] =	vst.idx.add.f32.msk @!p0 $0xffff, v0  }
0x59: {  	v1 =	vld @!p0 [tilespmem:$0x860];
	_ =	sdelay $0x7  }
0x5a: {  	[tilespmem:v1+s31+$0x0] =	vst.idx.add.f32.msk @!p0 $0xffff, v0  }
0x5b: {  	v1 =	vld @!p0 [tilespmem:$0x870];
	_ =	sdelay $0x7  }
0x5c: {  	s6 =	simm.s32 @!p0 $0x2;
	[tilespmem:v1+s31+$0x0] =	vst.idx.add.f32.msk @!p0 $0xffff, v0  }
0x5d: {  	_ =	swait.ge @!p0 [sflag:s6], $0x4000  }
0x5e: {  	s14 =	simm.s32 @!p0 $0x80;
	[sflag:s6] =	ssyncset.done @!p0 $0x0  }
0x5f: {  	s7 =	simm.s32 @!p0 $0x880;
	s9 =	simm.s32 @!p0 $0x5000;
	[sflag:s6] =	ssyncadd.s32 @!p0 $0xFFFFC000  }
0x60: {  	[spmem:s2] =	stream.indirect.scatter.add.f32 @!p0 [tilespmem:s9], [sflag:$0x5], $0x80, s7, s14, $0xb8;
	[tilespmem:$0x1F800] =	vst v63  }
0x61: {  	s7 =	simm.s32 @!p0 $0x5  }
0x62: {  	_ =	swait.ge @!p0 [sflag:s7], $0x4000  }
0x63: {  	[sflag:s7] =	ssyncset.done @!p0 $0x0  }
0x64: {  	s10 =	simm.s32 @!p0 $0x180;
	[sflag:s7] =	ssyncadd.s32 @!p0 $0xFFFFC000  }
0x65: {  	[tilespmem:s9], [sflag:$0x2] =	stream.indirect.gather @!p0 [hbm4b:s8+s14], $0x80, s10, s14, $0xb8;
	[tilespmem:$0x1F800] =	vst v63  }
0x66: {  	v1 =	vld @!p0 [tilespmem:$0x880];
	_ =	sdelay $0x7  }
0x67: {  	[tilespmem:v1+s31+$0x0] =	vst.idx.add.f32.msk @!p0 $0xffff, v0  }
0x68: {  	v1 =	vld @!p0 [tilespmem:$0x890];
	_ =	sdelay $0x7  }
0x69: {  	[tilespmem:v1+s31+$0x0] =	vst.idx.add.f32.msk @!p0 $0xffff, v0  }
0x6a: {  	v1 =	vld @!p0 [tilespmem:$0x8A0];
	_ =	sdelay $0x7  }
0x6b: {  	[tilespmem:v1+s31+$0x0] =	vst.idx.add.f32.msk @!p0 $0xffff, v0  }
0x6c: {  	v1 =	vld @!p0 [tilespmem:$0x8B0];
	_ =	sdelay $0x7  }
0x6d: {  	[tilespmem:v1+s31+$0x0] =	vst.idx.add.f32.msk @!p0 $0xffff, v0  }
0x6e: {  	v1 =	vld @!p0 [tilespmem:$0x8C0];
	_ =	sdelay $0x7  }
0x6f: {  	[tilespmem:v1+s31+$0x0] =	vst.idx.add.f32.msk @!p0 $0xffff, v0  }
0x70: {  	v1 =	vld @!p0 [tilespmem:$0x8D0];
	_ =	sdelay $0x7  }
0x71: {  	[tilespmem:v1+s31+$0x0] =	vst.idx.add.f32.msk @!p0 $0xffff, v0  }
0x72: {  	v1 =	vld @!p0 [tilespmem:$0x8E0];
	_ =	sdelay $0x7  }
0x73: {  	[tilespmem:v1+s31+$0x0] =	vst.idx.add.f32.msk @!p0 $0xffff, v0  }
0x74: {  	v1 =	vld @!p0 [tilespmem:$0x8F0];
	_ =	sdelay $0x7  }
0x75: {  	[tilespmem:v1+s31+$0x0] =	vst.idx.add.f32.msk @!p0 $0xffff, v0  }
0x76: {  	_ =	swait.ge [sflag:s25], $0x4000  }
0x77: {  	[sflag:s25] =	ssyncset.done $0x0  }
0x78: {  	s10 =	rddreg [dreg:$0x5];
	[sflag:s25] =	ssyncadd.s32 $0xFFFFC000  }
0x79: {  	[spmem:s2] =	stream.indirect.scatter.add.f32 [tilespmem:s23], [sflag:$0x5], $0x80, s10, s22, $0xb8;
	[tilespmem:$0x1F800] =	vst v63  }
0x7a: {  	_ =	swait.ge [sflag:s15], $0x4000  }
0x7b: {  	[sflag:s15] =	ssyncset.done $0x0  }
0x7c: {  	s10 =	rddreg [dreg:$0x6];
	[sflag:s15] =	ssyncadd.s32 $0xFFFFC000  }
0x7d: {  	[tilespmem:s23], [sflag:$0x1] =	stream.indirect.gather [hbm4b:s8+s22], $0x80, s10, s22, $0xb8;
	[tilespmem:$0x1F800] =	vst v63  }
0x7e: {  	_ =	swait.ge @p0 [sflag:s1], $0x4000  }
0x7f: {  	[sflag:s1] =	ssyncset.done @p0 $0x0  }
0x80: {  	s10 =	simm.s32 @p0 $0x980;
	[sflag:s1] =	ssyncadd.s32 @p0 $0xFFFFC000  }
0x81: {  	[spmem:s2] =	stream.indirect.scatter.add.f32 @p0 [tilespmem:s5], [sflag:$0x5], $0x80, s10, s0, $0xb8;
	[tilespmem:$0x1F800] =	vst v63  }
0x82: {  	_ =	swait.ge @p0 [sflag:s4], $0x4000  }
0x83: {  	[sflag:s4] =	ssyncset.done @p0 $0x0  }
0x84: {  	s10 =	simm.s32 @p0 $0x280;
	[sflag:s4] =	ssyncadd.s32 @p0 $0xFFFFC000  }
0x85: {  	[tilespmem:s5], [sflag:$0x2] =	stream.indirect.gather @p0 [hbm4b:s8+s0], $0x80, s10, s0, $0xb8;
	[tilespmem:$0x1F800] =	vst v63  }
0x86: {  	v1 =	vld @!p0 [tilespmem:$0x900];
	_ =	sdelay $0x7  }
0x87: {  	[tilespmem:v1+s31+$0x0] =	vst.idx.add.f32.msk @!p0 $0xffff, v0  }
0x88: {  	v1 =	vld @!p0 [tilespmem:$0x910];
	_ =	sdelay $0x7  }
0x89: {  	[tilespmem:v1+s31+$0x0] =	vst.idx.add.f32.msk @!p0 $0xffff, v0  }
0x8a: {  	v1 =	vld @!p0 [tilespmem:$0x920];
	_ =	sdelay $0x7  }
0x8b: {  	[tilespmem:v1+s31+$0x0] =	vst.idx.add.f32.msk @!p0 $0xffff, v0  }
0x8c: {  	v1 =	vld @!p0 [tilespmem:$0x930];
	_ =	sdelay $0x7  }
0x8d: {  	[tilespmem:v1+s31+$0x0] =	vst.idx.add.f32.msk @!p0 $0xffff, v0  }
0x8e: {  	v1 =	vld @!p0 [tilespmem:$0x940];
	_ =	sdelay $0x7  }
0x8f: {  	[tilespmem:v1+s31+$0x0] =	vst.idx.add.f32.msk @!p0 $0xffff, v0  }
0x90: {  	v1 =	vld @!p0 [tilespmem:$0x950];
	_ =	sdelay $0x7  }
0x91: {  	[tilespmem:v1+s31+$0x0] =	vst.idx.add.f32.msk @!p0 $0xffff, v0  }
0x92: {  	v1 =	vld @!p0 [tilespmem:$0x960];
	_ =	sdelay $0x7  }
0x93: {  	[tilespmem:v1+s31+$0x0] =	vst.idx.add.f32.msk @!p0 $0xffff, v0  }
0x94: {  	v1 =	vld @!p0 [tilespmem:$0x970];
	_ =	sdelay $0x7  }
0x95: {  	[tilespmem:v1+s31+$0x0] =	vst.idx.add.f32.msk @!p0 $0xffff, v0  }
0x96: {  	_ =	swait.ge @!p0 [sflag:s6], $0x4000  }
0x97: {  	[sflag:s6] =	ssyncset.done @!p0 $0x0  }
0x98: {  	s10 =	simm.s32 @!p0 $0x980;
	[sflag:s6] =	ssyncadd.s32 @!p0 $0xFFFFC000  }
0x99: {  	[spmem:s2] =	stream.indirect.scatter.add.f32 @!p0 [tilespmem:s9], [sflag:$0x5], $0x80, s10, s14, $0xb8;
	[tilespmem:$0x1F800] =	vst v63  }
0x9a: {  	_ =	swait.ge @!p0 [sflag:s7], $0x4000  }
0x9b: {  	[sflag:s7] =	ssyncset.done @!p0 $0x0  }
0x9c: {  	s10 =	simm.s32 @!p0 $0x280;
	[sflag:s7] =	ssyncadd.s32 @!p0 $0xFFFFC000  }
0x9d: {  	[tilespmem:s9], [sflag:$0x2] =	stream.indirect.gather @!p0 [hbm4b:s8+s14], $0x80, s10, s14, $0xb8;
	[tilespmem:$0x1F800] =	vst v63  }
0x9e: {  	v1 =	vld @!p0 [tilespmem:$0x980];
	_ =	sdelay $0x7  }
0x9f: {  	[tilespmem:v1+s31+$0x0] =	vst.idx.add.f32.msk @!p0 $0xffff, v0  }
0xa0: {  	v1 =	vld @!p0 [tilespmem:$0x990];
	_ =	sdelay $0x7  }
0xa1: {  	[tilespmem:v1+s31+$0x0] =	vst.idx.add.f32.msk @!p0 $0xffff, v0  }
0xa2: {  	v1 =	vld @!p0 [tilespmem:$0x9A0];
	_ =	sdelay $0x7  }
0xa3: {  	[tilespmem:v1+s31+$0x0] =	vst.idx.add.f32.msk @!p0 $0xffff, v0  }
0xa4: {  	v1 =	vld @!p0 [tilespmem:$0x9B0];
	_ =	sdelay $0x7  }
0xa5: {  	[tilespmem:v1+s31+$0x0] =	vst.idx.add.f32.msk @!p0 $0xffff, v0  }
0xa6: {  	v1 =	vld @!p0 [tilespmem:$0x9C0];
	_ =	sdelay $0x7  }
0xa7: {  	[tilespmem:v1+s31+$0x0] =	vst.idx.add.f32.msk @!p0 $0xffff, v0  }
0xa8: {  	v1 =	vld @!p0 [tilespmem:$0x9D0];
	_ =	sdelay $0x7  }
0xa9: {  	[tilespmem:v1+s31+$0x0] =	vst.idx.add.f32.msk @!p0 $0xffff, v0  }
0xaa: {  	v1 =	vld @!p0 [tilespmem:$0x9E0];
	_ =	sdelay $0x7  }
0xab: {  	[tilespmem:v1+s31+$0x0] =	vst.idx.add.f32.msk @!p0 $0xffff, v0  }
0xac: {  	v1 =	vld @!p0 [tilespmem:$0x9F0];
	_ =	sdelay $0x7  }
0xad: {  	[tilespmem:v1+s31+$0x0] =	vst.idx.add.f32.msk @!p0 $0xffff, v0  }
0xae: {  	_ =	swait.ge [sflag:s25], $0x4000  }
0xaf: {  	[sflag:s25] =	ssyncset.done $0x0  }
0xb0: {  	s10 =	rddreg [dreg:$0x7];
	[sflag:s25] =	ssyncadd.s32 $0xFFFFC000  }
0xb1: {  	[spmem:s2] =	stream.indirect.scatter.add.f32 [tilespmem:s23], [sflag:$0x5], $0x80, s10, s22, $0xb8;
	[tilespmem:$0x1F800] =	vst v63  }
0xb2: {  	_ =	swait.ge [sflag:s15], $0x4000  }
0xb3: {  	[sflag:s15] =	ssyncset.done $0x0  }
0xb4: {  	s10 =	rddreg [dreg:$0x8];
	[sflag:s15] =	ssyncadd.s32 $0xFFFFC000  }
0xb5: {  	[tilespmem:s23], [sflag:$0x1] =	stream.indirect.gather [hbm4b:s8+s22], $0x80, s10, s22, $0xb8;
	[tilespmem:$0x1F800] =	vst v63  }
0xb6: {  	_ =	swait.ge @p0 [sflag:s1], $0x4000  }
0xb7: {  	[sflag:s1] =	ssyncset.done @p0 $0x0  }
0xb8: {  	s10 =	simm.s32 @p0 $0xA80;
	[sflag:s1] =	ssyncadd.s32 @p0 $0xFFFFC000  }
0xb9: {  	[spmem:s2] =	stream.indirect.scatter.add.f32 @p0 [tilespmem:s5], [sflag:$0x5], $0x80, s10, s0, $0xb8;
	[tilespmem:$0x1F800] =	vst v63  }
0xba: {  	_ =	swait.ge @p0 [sflag:s4], $0x4000  }
0xbb: {  	[sflag:s4] =	ssyncset.done @p0 $0x0  }
0xbc: {  	s10 =	simm.s32 @p0 $0x380;
	[sflag:s4] =	ssyncadd.s32 @p0 $0xFFFFC000  }
0xbd: {  	[tilespmem:s5], [sflag:$0x2] =	stream.indirect.gather @p0 [hbm4b:s8+s0], $0x80, s10, s0, $0xb8;
	[tilespmem:$0x1F800] =	vst v63  }
0xbe: {  	v1 =	vld @!p0 [tilespmem:$0xA00];
	_ =	sdelay $0x7  }
0xbf: {  	[tilespmem:v1+s31+$0x0] =	vst.idx.add.f32.msk @!p0 $0xffff, v0  }
0xc0: {  	v1 =	vld @!p0 [tilespmem:$0xA10];
	_ =	sdelay $0x7  }
0xc1: {  	[tilespmem:v1+s31+$0x0] =	vst.idx.add.f32.msk @!p0 $0xffff, v0  }
0xc2: {  	v1 =	vld @!p0 [tilespmem:$0xA20];
	_ =	sdelay $0x7  }
0xc3: {  	[tilespmem:v1+s31+$0x0] =	vst.idx.add.f32.msk @!p0 $0xffff, v0  }
0xc4: {  	v1 =	vld @!p0 [tilespmem:$0xA30];
	_ =	sdelay $0x7  }
0xc5: {  	[tilespmem:v1+s31+$0x0] =	vst.idx.add.f32.msk @!p0 $0xffff, v0  }
0xc6: {  	v1 =	vld @!p0 [tilespmem:$0xA40];
	_ =	sdelay $0x7  }
0xc7: {  	[tilespmem:v1+s31+$0x0] =	vst.idx.add.f32.msk @!p0 $0xffff, v0  }
0xc8: {  	v1 =	vld @!p0 [tilespmem:$0xA50];
	_ =	sdelay $0x7  }
0xc9: {  	[tilespmem:v1+s31+$0x0] =	vst.idx.add.f32.msk @!p0 $0xffff, v0  }
0xca: {  	v1 =	vld @!p0 [tilespmem:$0xA60];
	_ =	sdelay $0x7  }
0xcb: {  	[tilespmem:v1+s31+$0x0] =	vst.idx.add.f32.msk @!p0 $0xffff, v0  }
0xcc: {  	v1 =	vld @!p0 [tilespmem:$0xA70];
	_ =	sdelay $0x7  }
0xcd: {  	[tilespmem:v1+s31+$0x0] =	vst.idx.add.f32.msk @!p0 $0xffff, v0  }
0xce: {  	_ =	swait.ge @!p0 [sflag:s6], $0x4000  }
0xcf: {  	[sflag:s6] =	ssyncset.done @!p0 $0x0  }
0xd0: {  	s10 =	simm.s32 @!p0 $0xA80;
	[sflag:s6] =	ssyncadd.s32 @!p0 $0xFFFFC000  }
0xd1: {  	[spmem:s2] =	stream.indirect.scatter.add.f32 @!p0 [tilespmem:s9], [sflag:$0x5], $0x80, s10, s14, $0xb8;
	[tilespmem:$0x1F800] =	vst v63  }
0xd2: {  	_ =	swait.ge @!p0 [sflag:s7], $0x4000  }
0xd3: {  	[sflag:s7] =	ssyncset.done @!p0 $0x0  }
0xd4: {  	s10 =	simm.s32 @!p0 $0x380;
	[sflag:s7] =	ssyncadd.s32 @!p0 $0xFFFFC000  }
0xd5: {  	[tilespmem:s9], [sflag:$0x2] =	stream.indirect.gather @!p0 [hbm4b:s8+s14], $0x80, s10, s14, $0xb8;
	[tilespmem:$0x1F800] =	vst v63  }
0xd6: {  	v1 =	vld @!p0 [tilespmem:$0xA80];
	_ =	sdelay $0x7  }
0xd7: {  	[tilespmem:v1+s31+$0x0] =	vst.idx.add.f32.msk @!p0 $0xffff, v0  }
0xd8: {  	v1 =	vld @!p0 [tilespmem:$0xA90];
	_ =	sdelay $0x7  }
0xd9: {  	[tilespmem:v1+s31+$0x0] =	vst.idx.add.f32.msk @!p0 $0xffff, v0  }
0xda: {  	v1 =	vld @!p0 [tilespmem:$0xAA0];
	_ =	sdelay $0x7  }
0xdb: {  	[tilespmem:v1+s31+$0x0] =	vst.idx.add.f32.msk @!p0 $0xffff, v0  }
0xdc: {  	v1 =	vld @!p0 [tilespmem:$0xAB0];
	_ =	sdelay $0x7  }
0xdd: {  	[tilespmem:v1+s31+$0x0] =	vst.idx.add.f32.msk @!p0 $0xffff, v0  }
0xde: {  	v1 =	vld @!p0 [tilespmem:$0xAC0];
	_ =	sdelay $0x7  }
0xdf: {  	[tilespmem:v1+s31+$0x0] =	vst.idx.add.f32.msk @!p0 $0xffff, v0  }
0xe0: {  	v1 =	vld @!p0 [tilespmem:$0xAD0];
	_ =	sdelay $0x7  }
0xe1: {  	[tilespmem:v1+s31+$0x0] =	vst.idx.add.f32.msk @!p0 $0xffff, v0  }
0xe2: {  	v1 =	vld @!p0 [tilespmem:$0xAE0];
	_ =	sdelay $0x7  }
0xe3: {  	[tilespmem:v1+s31+$0x0] =	vst.idx.add.f32.msk @!p0 $0xffff, v0  }
0xe4: {  	v1 =	vld @!p0 [tilespmem:$0xAF0];
	_ =	sdelay $0x7  }
0xe5: {  	[tilespmem:v1+s31+$0x0] =	vst.idx.add.f32.msk @!p0 $0xffff, v0  }
0xe6: {  	_ =	swait.ge [sflag:s25], $0x4000  }
0xe7: {  	[sflag:s25] =	ssyncset.done $0x0  }
0xe8: {  	s10 =	rddreg [dreg:$0x9];
	[sflag:s25] =	ssyncadd.s32 $0xFFFFC000  }
0xe9: {  	[spmem:s2] =	stream.indirect.scatter.add.f32 [tilespmem:s23], [sflag:$0x5], $0x80, s10, s22, $0xb8;
	[tilespmem:$0x1F800] =	vst v63  }
0xea: {  	_ =	swait.ge [sflag:s15], $0x4000  }
0xeb: {  	[sflag:s15] =	ssyncset.done $0x0  }
0xec: {  	[sflag:s15] =	ssyncadd.s32 $0xFFFFC000  }
0xed: {  	_ =	swait.ge @p0 [sflag:s1], $0x4000  }
0xee: {  	[sflag:s1] =	ssyncset.done @p0 $0x0  }
0xef: {  	[sflag:s1] =	ssyncadd.s32 @p0 $0xFFFFC000;
	s1 =	simm.s32 @p0 $0xB80  }
0xf0: {  	[spmem:s2] =	stream.indirect.scatter.add.f32 @p0 [tilespmem:s5], [sflag:$0x5], $0x80, s1, s0, $0xb8;
	[tilespmem:$0x1F800] =	vst v63  }
0xf1: {  	_ =	swait.ge @p0 [sflag:s4], $0x4000  }
0xf2: {  	[sflag:s4] =	ssyncset.done @p0 $0x0  }
0xf3: {  	[sflag:s4] =	ssyncadd.s32 @p0 $0xFFFFC000  }
0xf4: {  	v1 =	vld @!p0 [tilespmem:$0xB00];
	_ =	sdelay $0x7  }
0xf5: {  	[tilespmem:v1+s31+$0x0] =	vst.idx.add.f32.msk @!p0 $0xffff, v0  }
0xf6: {  	v1 =	vld @!p0 [tilespmem:$0xB10];
	_ =	sdelay $0x7  }
0xf7: {  	[tilespmem:v1+s31+$0x0] =	vst.idx.add.f32.msk @!p0 $0xffff, v0  }
0xf8: {  	v1 =	vld @!p0 [tilespmem:$0xB20];
	_ =	sdelay $0x7  }
0xf9: {  	[tilespmem:v1+s31+$0x0] =	vst.idx.add.f32.msk @!p0 $0xffff, v0  }
0xfa: {  	v1 =	vld @!p0 [tilespmem:$0xB30];
	_ =	sdelay $0x7  }
0xfb: {  	[tilespmem:v1+s31+$0x0] =	vst.idx.add.f32.msk @!p0 $0xffff, v0  }
0xfc: {  	v1 =	vld @!p0 [tilespmem:$0xB40];
	_ =	sdelay $0x7  }
0xfd: {  	[tilespmem:v1+s31+$0x0] =	vst.idx.add.f32.msk @!p0 $0xffff, v0  }
0xfe: {  	v1 =	vld @!p0 [tilespmem:$0xB50];
	_ =	sdelay $0x7  }
0xff: {  	[tilespmem:v1+s31+$0x0] =	vst.idx.add.f32.msk @!p0 $0xffff, v0  }
0x100: {  	v1 =	vld @!p0 [tilespmem:$0xB60];
	_ =	sdelay $0x7  }
0x101: {  	[tilespmem:v1+s31+$0x0] =	vst.idx.add.f32.msk @!p0 $0xffff, v0  }
0x102: {  	v1 =	vld @!p0 [tilespmem:$0xB70];
	_ =	sdelay $0x7  }
0x103: {  	[tilespmem:v1+s31+$0x0] =	vst.idx.add.f32.msk @!p0 $0xffff, v0  }
0x104: {  	_ =	swait.ge @!p0 [sflag:s6], $0x4000  }
0x105: {  	[sflag:s6] =	ssyncset.done @!p0 $0x0  }
0x106: {  	s0 =	simm.s32 @!p0 $0xB80;
	[sflag:s6] =	ssyncadd.s32 @!p0 $0xFFFFC000  }
0x107: {  	[spmem:s2] =	stream.indirect.scatter.add.f32 @!p0 [tilespmem:s9], [sflag:$0x5], $0x80, s0, s14, $0xb8;
	[tilespmem:$0x1F800] =	vst v63  }
0x108: {  	_ =	swait.ge @!p0 [sflag:s7], $0x4000  }
0x109: {  	[sflag:s7] =	ssyncset.done @!p0 $0x0  }
0x10a: {  	[sflag:s7] =	ssyncadd.s32 @!p0 $0xFFFFC000  }
0x10b: {  	v1 =	vld @!p0 [tilespmem:$0xB80];
	_ =	sdelay $0x7  }
0x10c: {  	[tilespmem:v1+s31+$0x0] =	vst.idx.add.f32.msk @!p0 $0xffff, v0  }
0x10d: {  	v1 =	vld @!p0 [tilespmem:$0xB90];
	_ =	sdelay $0x7  }
0x10e: {  	[tilespmem:v1+s31+$0x0] =	vst.idx.add.f32.msk @!p0 $0xffff, v0  }
0x10f: {  	v1 =	vld @!p0 [tilespmem:$0xBA0];
	_ =	sdelay $0x7  }
0x110: {  	[tilespmem:v1+s31+$0x0] =	vst.idx.add.f32.msk @!p0 $0xffff, v0  }
0x111: {  	v1 =	vld @!p0 [tilespmem:$0xBB0];
	_ =	sdelay $0x7  }
0x112: {  	[tilespmem:v1+s31+$0x0] =	vst.idx.add.f32.msk @!p0 $0xffff, v0  }
0x113: {  	v1 =	vld @!p0 [tilespmem:$0xBC0];
	_ =	sdelay $0x7  }
0x114: {  	[tilespmem:v1+s31+$0x0] =	vst.idx.add.f32.msk @!p0 $0xffff, v0  }
0x115: {  	v1 =	vld @!p0 [tilespmem:$0xBD0];
	_ =	sdelay $0x7  }
0x116: {  	[tilespmem:v1+s31+$0x0] =	vst.idx.add.f32.msk @!p0 $0xffff, v0  }
0x117: {  	v1 =	vld @!p0 [tilespmem:$0xBE0];
	_ =	sdelay $0x7  }
0x118: {  	[tilespmem:v1+s31+$0x0] =	vst.idx.add.f32.msk @!p0 $0xffff, v0  }
0x119: {  	v1 =	vld @!p0 [tilespmem:$0xBF0];
	_ =	sdelay $0x7  }
0x11a: {  	[tilespmem:v1+s31+$0x0] =	vst.idx.add.f32.msk @!p0 $0xffff, v0  }
0x11b: {  	_ =	swait.ge [sflag:s26], $0x400  }
0x11c: {  	[sflag:s26] =	ssyncset.done $0x0  }
0x11d: {  	[sflag:s26] =	ssyncadd.s32 $0xFFFFFC00  }
0x11e: {  	p2 =	sgt.u32 s30, $0x3;
	_ =	swait.ge [sflag:s26], $0x400  }
0x11f: {  	s0 =	sadd.s32 @!p2 s29, s13;
	[sflag:s26] =	ssyncset.done $0x0  }
0x120: {  	s1 =	simm.s32 @!p2 $0x0;
	s0 =	sadd.s32 @!p2 $0x100, s0;
	[sflag:s26] =	ssyncadd.s32 $0xFFFFFC00  }
0x121: {  	[tilespmem:s1], [sflag:$0x3] =	stream.linear.gather @!p2 [hbm4b:s0+s1], $0x400, $0x38;
	[tilespmem:$0x1F800] =	vst v63  }
0x122: {  	s0 =	sadd.s32 @!p2 s29, s12  }
0x123: {  	s4 =	simm.s32 @!p2 $0x800;
	s0 =	sadd.s32 @!p2 $0x100, s0  }
0x124: {  	[tilespmem:s4], [sflag:$0x3] =	stream.linear.gather @!p2 [hbm4b:s0+s1], $0x400, $0x38;
	[tilespmem:$0x1F800] =	vst v63  }
0x125: {  	_ = 	snop  }
0x126: {  	[tilespmem:s23], [sflag:$0x1] =	stream.indirect.gather [hbm4b:s8+s22], $0x80, s20, s22, $0xb8;
	[tilespmem:$0x1F800] =	vst v63  }
0x127: {  	s14 =	rddreg [dreg:$0xa]  }
0x128: {  	[tilespmem:s24], [sflag:$0x2] =	stream.indirect.gather [hbm4b:s8+s22], $0x80, s14, s22, $0xb8;
	[tilespmem:$0x1F800] =	vst v63  }
0x129: {  	_ =	swait.ge [sflag:s25], $0x4000  }
0x12a: {  	[sflag:s25] =	ssyncset.done $0x0  }
0x12b: {  	[sflag:s25] =	ssyncadd.s32 $0xFFFFC000  }
0x12c: {  	[spmem:s2] =	stream.indirect.scatter.add.f32 [tilespmem:s23], [sflag:$0x5], $0x80, s21, s22, $0xb8;
	[tilespmem:$0x1F800] =	vst v63  }
0x12d: {  	_ =	swait.ge [sflag:s15], $0x4000  }
0x12e: {  	[sflag:s15] =	ssyncset.done $0x0  }
0x12f: {  	s1 =	simm.s32 @p1 $0x2;
	s31 =	rddreg [dreg:$0xb];
	[sflag:s15] =	ssyncadd.s32 $0xFFFFC000  }
0x130: {  	[tilespmem:s23], [sflag:$0x1] =	stream.indirect.gather [hbm4b:s8+s22], $0x80, s31, s22, $0xb8;
	[tilespmem:$0x1F800] =	vst v63  }
0x131: {  	_ =	swait.ge @p1 [sflag:s1], $0x4000  }
0x132: {  	s5 =	simm.s32 @p1 $0x5000;
	[sflag:s1] =	ssyncset.done @p1 $0x0  }
0x133: {  	s0 =	simm.s32 @p1 $0x80;
	s4 =	simm.s32 @p1 $0xC80;
	[sflag:s1] =	ssyncadd.s32 @p1 $0xFFFFC000  }
0x134: {  	[spmem:s2] =	stream.indirect.scatter.add.f32 @p1 [tilespmem:s5], [sflag:$0x5], $0x80, s4, s0, $0xb8;
	[tilespmem:$0x1F800] =	vst v63  }
0x135: {  	s4 =	simm.s32 @p1 $0x5  }
0x136: {  	_ =	swait.ge @p1 [sflag:s4], $0x4000  }
0x137: {  	[sflag:s4] =	ssyncset.done @p1 $0x0  }
0x138: {  	s6 =	simm.s32 @p1 $0x580;
	[sflag:s4] =	ssyncadd.s32 @p1 $0xFFFFC000  }
0x139: {  	[tilespmem:s5], [sflag:$0x2] =	stream.indirect.gather @p1 [hbm4b:s8+s0], $0x80, s6, s0, $0xb8;
	[tilespmem:$0x1F800] =	vst v63  }
0x13a: {  	v1 =	vld @!p1 [tilespmem:$0xC00];
	_ =	sdelay $0x6  }
0x13b: {  	v0 =	vimm.f32 @!p1 $1.000000000e+00;
	s31 =	simm.s32 @!p1 $0x9000  }
0x13c: {  	[tilespmem:v1+s31+$0x0] =	vst.idx.add.f32.msk @!p1 $0xffff, v0  }
0x13d: {  	v1 =	vld @!p1 [tilespmem:$0xC10];
	_ =	sdelay $0x7  }
0x13e: {  	[tilespmem:v1+s31+$0x0] =	vst.idx.add.f32.msk @!p1 $0xffff, v0  }
0x13f: {  	v1 =	vld @!p1 [tilespmem:$0xC20];
	_ =	sdelay $0x7  }
0x140: {  	[tilespmem:v1+s31+$0x0] =	vst.idx.add.f32.msk @!p1 $0xffff, v0  }
0x141: {  	v1 =	vld @!p1 [tilespmem:$0xC30];
	_ =	sdelay $0x7  }
0x142: {  	[tilespmem:v1+s31+$0x0] =	vst.idx.add.f32.msk @!p1 $0xffff, v0  }
0x143: {  	v1 =	vld @!p1 [tilespmem:$0xC40];
	_ =	sdelay $0x7  }
0x144: {  	[tilespmem:v1+s31+$0x0] =	vst.idx.add.f32.msk @!p1 $0xffff, v0  }
0x145: {  	v1 =	vld @!p1 [tilespmem:$0xC50];
	_ =	sdelay $0x7  }
0x146: {  	[tilespmem:v1+s31+$0x0] =	vst.idx.add.f32.msk @!p1 $0xffff, v0  }
0x147: {  	v1 =	vld @!p1 [tilespmem:$0xC60];
	_ =	sdelay $0x7  }
0x148: {  	[tilespmem:v1+s31+$0x0] =	vst.idx.add.f32.msk @!p1 $0xffff, v0  }
0x149: {  	v1 =	vld @!p1 [tilespmem:$0xC70];
	_ =	sdelay $0x7  }
0x14a: {  	s6 =	simm.s32 @!p1 $0x2;
	[tilespmem:v1+s31+$0x0] =	vst.idx.add.f32.msk @!p1 $0xffff, v0  }
0x14b: {  	_ =	swait.ge @!p1 [sflag:s6], $0x4000  }
0x14c: {  	s9 =	simm.s32 @!p1 $0x5000;
	[sflag:s6] =	ssyncset.done @!p1 $0x0  }
0x14d: {  	s7 =	simm.s32 @!p1 $0xC80;
	s14 =	simm.s32 @!p1 $0x80;
	[sflag:s6] =	ssyncadd.s32 @!p1 $0xFFFFC000  }
0x14e: {  	[spmem:s2] =	stream.indirect.scatter.add.f32 @!p1 [tilespmem:s9], [sflag:$0x5], $0x80, s7, s14, $0xb8;
	[tilespmem:$0x1F800] =	vst v63  }
0x14f: {  	s7 =	simm.s32 @!p1 $0x5  }
0x150: {  	_ =	swait.ge @!p1 [sflag:s7], $0x4000  }
0x151: {  	[sflag:s7] =	ssyncset.done @!p1 $0x0  }
0x152: {  	s10 =	simm.s32 @!p1 $0x580;
	[sflag:s7] =	ssyncadd.s32 @!p1 $0xFFFFC000  }
0x153: {  	[tilespmem:s9], [sflag:$0x2] =	stream.indirect.gather @!p1 [hbm4b:s8+s14], $0x80, s10, s14, $0xb8;
	[tilespmem:$0x1F800] =	vst v63  }
0x154: {  	v1 =	vld @!p1 [tilespmem:$0xC80];
	_ =	sdelay $0x7  }
0x155: {  	[tilespmem:v1+s31+$0x0] =	vst.idx.add.f32.msk @!p1 $0xffff, v0  }
0x156: {  	v1 =	vld @!p1 [tilespmem:$0xC90];
	_ =	sdelay $0x7  }
0x157: {  	[tilespmem:v1+s31+$0x0] =	vst.idx.add.f32.msk @!p1 $0xffff, v0  }
0x158: {  	v1 =	vld @!p1 [tilespmem:$0xCA0];
	_ =	sdelay $0x7  }
0x159: {  	[tilespmem:v1+s31+$0x0] =	vst.idx.add.f32.msk @!p1 $0xffff, v0  }
0x15a: {  	v1 =	vld @!p1 [tilespmem:$0xCB0];
	_ =	sdelay $0x7  }
0x15b: {  	[tilespmem:v1+s31+$0x0] =	vst.idx.add.f32.msk @!p1 $0xffff, v0  }
0x15c: {  	v1 =	vld @!p1 [tilespmem:$0xCC0];
	_ =	sdelay $0x7  }
0x15d: {  	[tilespmem:v1+s31+$0x0] =	vst.idx.add.f32.msk @!p1 $0xffff, v0  }
0x15e: {  	v1 =	vld @!p1 [tilespmem:$0xCD0];
	_ =	sdelay $0x7  }
0x15f: {  	[tilespmem:v1+s31+$0x0] =	vst.idx.add.f32.msk @!p1 $0xffff, v0  }
0x160: {  	v1 =	vld @!p1 [tilespmem:$0xCE0];
	_ =	sdelay $0x7  }
0x161: {  	[tilespmem:v1+s31+$0x0] =	vst.idx.add.f32.msk @!p1 $0xffff, v0  }
0x162: {  	v1 =	vld @!p1 [tilespmem:$0xCF0];
	_ =	sdelay $0x7  }
0x163: {  	[tilespmem:v1+s31+$0x0] =	vst.idx.add.f32.msk @!p1 $0xffff, v0  }
0x164: {  	_ =	swait.ge [sflag:s25], $0x4000  }
0x165: {  	[sflag:s25] =	ssyncset.done $0x0  }
0x166: {  	s10 =	rddreg [dreg:$0xc];
	[sflag:s25] =	ssyncadd.s32 $0xFFFFC000  }
0x167: {  	[spmem:s2] =	stream.indirect.scatter.add.f32 [tilespmem:s23], [sflag:$0x5], $0x80, s10, s22, $0xb8;
	[tilespmem:$0x1F800] =	vst v63  }
0x168: {  	_ =	swait.ge [sflag:s15], $0x4000  }
0x169: {  	[sflag:s15] =	ssyncset.done $0x0  }
0x16a: {  	s10 =	rddreg [dreg:$0xd];
	[sflag:s15] =	ssyncadd.s32 $0xFFFFC000  }
0x16b: {  	[tilespmem:s23], [sflag:$0x1] =	stream.indirect.gather [hbm4b:s8+s22], $0x80, s10, s22, $0xb8;
	[tilespmem:$0x1F800] =	vst v63  }
0x16c: {  	_ =	swait.ge @p1 [sflag:s1], $0x4000  }
0x16d: {  	[sflag:s1] =	ssyncset.done @p1 $0x0  }
0x16e: {  	s10 =	simm.s32 @p1 $0xD80;
	[sflag:s1] =	ssyncadd.s32 @p1 $0xFFFFC000  }
0x16f: {  	[spmem:s2] =	stream.indirect.scatter.add.f32 @p1 [tilespmem:s5], [sflag:$0x5], $0x80, s10, s0, $0xb8;
	[tilespmem:$0x1F800] =	vst v63  }
0x170: {  	_ =	swait.ge @p1 [sflag:s4], $0x4000  }
0x171: {  	[sflag:s4] =	ssyncset.done @p1 $0x0  }
0x172: {  	s10 =	simm.s32 @p1 $0x680;
	[sflag:s4] =	ssyncadd.s32 @p1 $0xFFFFC000  }
0x173: {  	[tilespmem:s5], [sflag:$0x2] =	stream.indirect.gather @p1 [hbm4b:s8+s0], $0x80, s10, s0, $0xb8;
	[tilespmem:$0x1F800] =	vst v63  }
0x174: {  	v1 =	vld @!p1 [tilespmem:$0xD00];
	_ =	sdelay $0x7  }
0x175: {  	[tilespmem:v1+s31+$0x0] =	vst.idx.add.f32.msk @!p1 $0xffff, v0  }
0x176: {  	v1 =	vld @!p1 [tilespmem:$0xD10];
	_ =	sdelay $0x7  }
0x177: {  	[tilespmem:v1+s31+$0x0] =	vst.idx.add.f32.msk @!p1 $0xffff, v0  }
0x178: {  	v1 =	vld @!p1 [tilespmem:$0xD20];
	_ =	sdelay $0x7  }
0x179: {  	[tilespmem:v1+s31+$0x0] =	vst.idx.add.f32.msk @!p1 $0xffff, v0  }
0x17a: {  	v1 =	vld @!p1 [tilespmem:$0xD30];
	_ =	sdelay $0x7  }
0x17b: {  	[tilespmem:v1+s31+$0x0] =	vst.idx.add.f32.msk @!p1 $0xffff, v0  }
0x17c: {  	v1 =	vld @!p1 [tilespmem:$0xD40];
	_ =	sdelay $0x7  }
0x17d: {  	[tilespmem:v1+s31+$0x0] =	vst.idx.add.f32.msk @!p1 $0xffff, v0  }
0x17e: {  	v1 =	vld @!p1 [tilespmem:$0xD50];
	_ =	sdelay $0x7  }
0x17f: {  	[tilespmem:v1+s31+$0x0] =	vst.idx.add.f32.msk @!p1 $0xffff, v0  }
0x180: {  	v1 =	vld @!p1 [tilespmem:$0xD60];
	_ =	sdelay $0x7  }
0x181: {  	[tilespmem:v1+s31+$0x0] =	vst.idx.add.f32.msk @!p1 $0xffff, v0  }
0x182: {  	v1 =	vld @!p1 [tilespmem:$0xD70];
	_ =	sdelay $0x7  }
0x183: {  	[tilespmem:v1+s31+$0x0] =	vst.idx.add.f32.msk @!p1 $0xffff, v0  }
0x184: {  	_ =	swait.ge @!p1 [sflag:s6], $0x4000  }
0x185: {  	[sflag:s6] =	ssyncset.done @!p1 $0x0  }
0x186: {  	s10 =	simm.s32 @!p1 $0xD80;
	[sflag:s6] =	ssyncadd.s32 @!p1 $0xFFFFC000  }
0x187: {  	[spmem:s2] =	stream.indirect.scatter.add.f32 @!p1 [tilespmem:s9], [sflag:$0x5], $0x80, s10, s14, $0xb8;
	[tilespmem:$0x1F800] =	vst v63  }
0x188: {  	_ =	swait.ge @!p1 [sflag:s7], $0x4000  }
0x189: {  	[sflag:s7] =	ssyncset.done @!p1 $0x0  }
0x18a: {  	s10 =	simm.s32 @!p1 $0x680;
	[sflag:s7] =	ssyncadd.s32 @!p1 $0xFFFFC000  }
0x18b: {  	[tilespmem:s9], [sflag:$0x2] =	stream.indirect.gather @!p1 [hbm4b:s8+s14], $0x80, s10, s14, $0xb8;
	[tilespmem:$0x1F800] =	vst v63  }
0x18c: {  	v1 =	vld @!p1 [tilespmem:$0xD80];
	_ =	sdelay $0x7  }
0x18d: {  	[tilespmem:v1+s31+$0x0] =	vst.idx.add.f32.msk @!p1 $0xffff, v0  }
0x18e: {  	v1 =	vld @!p1 [tilespmem:$0xD90];
	_ =	sdelay $0x7  }
0x18f: {  	[tilespmem:v1+s31+$0x0] =	vst.idx.add.f32.msk @!p1 $0xffff, v0  }
0x190: {  	v1 =	vld @!p1 [tilespmem:$0xDA0];
	_ =	sdelay $0x7  }
0x191: {  	[tilespmem:v1+s31+$0x0] =	vst.idx.add.f32.msk @!p1 $0xffff, v0  }
0x192: {  	v1 =	vld @!p1 [tilespmem:$0xDB0];
	_ =	sdelay $0x7  }
0x193: {  	[tilespmem:v1+s31+$0x0] =	vst.idx.add.f32.msk @!p1 $0xffff, v0  }
0x194: {  	v1 =	vld @!p1 [tilespmem:$0xDC0];
	_ =	sdelay $0x7  }
0x195: {  	[tilespmem:v1+s31+$0x0] =	vst.idx.add.f32.msk @!p1 $0xffff, v0  }
0x196: {  	v1 =	vld @!p1 [tilespmem:$0xDD0];
	_ =	sdelay $0x7  }
0x197: {  	[tilespmem:v1+s31+$0x0] =	vst.idx.add.f32.msk @!p1 $0xffff, v0  }
0x198: {  	v1 =	vld @!p1 [tilespmem:$0xDE0];
	_ =	sdelay $0x7  }
0x199: {  	[tilespmem:v1+s31+$0x0] =	vst.idx.add.f32.msk @!p1 $0xffff, v0  }
0x19a: {  	v1 =	vld @!p1 [tilespmem:$0xDF0];
	_ =	sdelay $0x7  }
0x19b: {  	[tilespmem:v1+s31+$0x0] =	vst.idx.add.f32.msk @!p1 $0xffff, v0  }
0x19c: {  	_ =	swait.ge [sflag:s25], $0x4000  }
0x19d: {  	[sflag:s25] =	ssyncset.done $0x0  }
0x19e: {  	s10 =	rddreg [dreg:$0xe];
	[sflag:s25] =	ssyncadd.s32 $0xFFFFC000  }
0x19f: {  	[spmem:s2] =	stream.indirect.scatter.add.f32 [tilespmem:s23], [sflag:$0x5], $0x80, s10, s22, $0xb8;
	[tilespmem:$0x1F800] =	vst v63  }
0x1a0: {  	_ =	swait.ge [sflag:s15], $0x4000  }
0x1a1: {  	[sflag:s15] =	ssyncset.done $0x0  }
0x1a2: {  	s10 =	rddreg [dreg:$0xf];
	[sflag:s15] =	ssyncadd.s32 $0xFFFFC000  }
0x1a3: {  	[tilespmem:s23], [sflag:$0x1] =	stream.indirect.gather [hbm4b:s8+s22], $0x80, s10, s22, $0xb8;
	[tilespmem:$0x1F800] =	vst v63  }
0x1a4: {  	_ =	swait.ge @p1 [sflag:s1], $0x4000  }
0x1a5: {  	[sflag:s1] =	ssyncset.done @p1 $0x0  }
0x1a6: {  	s10 =	simm.s32 @p1 $0xE80;
	[sflag:s1] =	ssyncadd.s32 @p1 $0xFFFFC000  }
0x1a7: {  	[spmem:s2] =	stream.indirect.scatter.add.f32 @p1 [tilespmem:s5], [sflag:$0x5], $0x80, s10, s0, $0xb8;
	[tilespmem:$0x1F800] =	vst v63  }
0x1a8: {  	_ =	swait.ge @p1 [sflag:s4], $0x4000  }
0x1a9: {  	[sflag:s4] =	ssyncset.done @p1 $0x0  }
0x1aa: {  	s10 =	simm.s32 @p1 $0x780;
	[sflag:s4] =	ssyncadd.s32 @p1 $0xFFFFC000  }
0x1ab: {  	[tilespmem:s5], [sflag:$0x2] =	stream.indirect.gather @p1 [hbm4b:s8+s0], $0x80, s10, s0, $0xb8;
	[tilespmem:$0x1F800] =	vst v63  }
0x1ac: {  	v1 =	vld @!p1 [tilespmem:$0xE00];
	_ =	sdelay $0x7  }
0x1ad: {  	[tilespmem:v1+s31+$0x0] =	vst.idx.add.f32.msk @!p1 $0xffff, v0  }
0x1ae: {  	v1 =	vld @!p1 [tilespmem:$0xE10];
	_ =	sdelay $0x7  }
0x1af: {  	[tilespmem:v1+s31+$0x0] =	vst.idx.add.f32.msk @!p1 $0xffff, v0  }
0x1b0: {  	v1 =	vld @!p1 [tilespmem:$0xE20];
	_ =	sdelay $0x7  }
0x1b1: {  	[tilespmem:v1+s31+$0x0] =	vst.idx.add.f32.msk @!p1 $0xffff, v0  }
0x1b2: {  	v1 =	vld @!p1 [tilespmem:$0xE30];
	_ =	sdelay $0x7  }
0x1b3: {  	[tilespmem:v1+s31+$0x0] =	vst.idx.add.f32.msk @!p1 $0xffff, v0  }
0x1b4: {  	v1 =	vld @!p1 [tilespmem:$0xE40];
	_ =	sdelay $0x7  }
0x1b5: {  	[tilespmem:v1+s31+$0x0] =	vst.idx.add.f32.msk @!p1 $0xffff, v0  }
0x1b6: {  	v1 =	vld @!p1 [tilespmem:$0xE50];
	_ =	sdelay $0x7  }
0x1b7: {  	[tilespmem:v1+s31+$0x0] =	vst.idx.add.f32.msk @!p1 $0xffff, v0  }
0x1b8: {  	v1 =	vld @!p1 [tilespmem:$0xE60];
	_ =	sdelay $0x7  }
0x1b9: {  	[tilespmem:v1+s31+$0x0] =	vst.idx.add.f32.msk @!p1 $0xffff, v0  }
0x1ba: {  	v1 =	vld @!p1 [tilespmem:$0xE70];
	_ =	sdelay $0x7  }
0x1bb: {  	[tilespmem:v1+s31+$0x0] =	vst.idx.add.f32.msk @!p1 $0xffff, v0  }
0x1bc: {  	_ =	swait.ge @!p1 [sflag:s6], $0x4000  }
0x1bd: {  	[sflag:s6] =	ssyncset.done @!p1 $0x0  }
0x1be: {  	s10 =	simm.s32 @!p1 $0xE80;
	[sflag:s6] =	ssyncadd.s32 @!p1 $0xFFFFC000  }
0x1bf: {  	[spmem:s2] =	stream.indirect.scatter.add.f32 @!p1 [tilespmem:s9], [sflag:$0x5], $0x80, s10, s14, $0xb8;
	[tilespmem:$0x1F800] =	vst v63  }
0x1c0: {  	_ =	swait.ge @!p1 [sflag:s7], $0x4000  }
0x1c1: {  	[sflag:s7] =	ssyncset.done @!p1 $0x0  }
0x1c2: {  	s10 =	simm.s32 @!p1 $0x780;
	[sflag:s7] =	ssyncadd.s32 @!p1 $0xFFFFC000  }
0x1c3: {  	[tilespmem:s9], [sflag:$0x2] =	stream.indirect.gather @!p1 [hbm4b:s8+s14], $0x80, s10, s14, $0xb8;
	[tilespmem:$0x1F800] =	vst v63  }
0x1c4: {  	v1 =	vld @!p1 [tilespmem:$0xE80];
	_ =	sdelay $0x7  }
0x1c5: {  	[tilespmem:v1+s31+$0x0] =	vst.idx.add.f32.msk @!p1 $0xffff, v0  }
0x1c6: {  	v1 =	vld @!p1 [tilespmem:$0xE90];
	_ =	sdelay $0x7  }
0x1c7: {  	[tilespmem:v1+s31+$0x0] =	vst.idx.add.f32.msk @!p1 $0xffff, v0  }
0x1c8: {  	v1 =	vld @!p1 [tilespmem:$0xEA0];
	_ =	sdelay $0x7  }
0x1c9: {  	[tilespmem:v1+s31+$0x0] =	vst.idx.add.f32.msk @!p1 $0xffff, v0  }
0x1ca: {  	v1 =	vld @!p1 [tilespmem:$0xEB0];
	_ =	sdelay $0x7  }
0x1cb: {  	[tilespmem:v1+s31+$0x0] =	vst.idx.add.f32.msk @!p1 $0xffff, v0  }
0x1cc: {  	v1 =	vld @!p1 [tilespmem:$0xEC0];
	_ =	sdelay $0x7  }
0x1cd: {  	[tilespmem:v1+s31+$0x0] =	vst.idx.add.f32.msk @!p1 $0xffff, v0  }
0x1ce: {  	v1 =	vld @!p1 [tilespmem:$0xED0];
	_ =	sdelay $0x7  }
0x1cf: {  	[tilespmem:v1+s31+$0x0] =	vst.idx.add.f32.msk @!p1 $0xffff, v0  }
0x1d0: {  	v1 =	vld @!p1 [tilespmem:$0xEE0];
	_ =	sdelay $0x7  }
0x1d1: {  	[tilespmem:v1+s31+$0x0] =	vst.idx.add.f32.msk @!p1 $0xffff, v0  }
0x1d2: {  	v1 =	vld @!p1 [tilespmem:$0xEF0];
	_ =	sdelay $0x7  }
0x1d3: {  	[tilespmem:v1+s31+$0x0] =	vst.idx.add.f32.msk @!p1 $0xffff, v0  }
0x1d4: {  	_ =	swait.ge [sflag:s25], $0x4000  }
0x1d5: {  	[sflag:s25] =	ssyncset.done $0x0  }
0x1d6: {  	s10 =	rddreg [dreg:$0x10];
	[sflag:s25] =	ssyncadd.s32 $0xFFFFC000  }
0x1d7: {  	[spmem:s2] =	stream.indirect.scatter.add.f32 [tilespmem:s23], [sflag:$0x5], $0x80, s10, s22, $0xb8;
	[tilespmem:$0x1F800] =	vst v63  }
0x1d8: {  	_ =	swait.ge [sflag:s15], $0x4000  }
0x1d9: {  	[sflag:s15] =	ssyncset.done $0x0  }
0x1da: {  	[sflag:s15] =	ssyncadd.s32 $0xFFFFC000  }
0x1db: {  	_ =	swait.ge @p1 [sflag:s1], $0x4000  }
0x1dc: {  	[sflag:s1] =	ssyncset.done @p1 $0x0  }
0x1dd: {  	[sflag:s1] =	ssyncadd.s32 @p1 $0xFFFFC000;
	s1 =	simm.s32 @p1 $0xF80  }
0x1de: {  	[spmem:s2] =	stream.indirect.scatter.add.f32 @p1 [tilespmem:s5], [sflag:$0x5], $0x80, s1, s0, $0xb8;
	[tilespmem:$0x1F800] =	vst v63  }
0x1df: {  	_ =	swait.ge @p1 [sflag:s4], $0x4000  }
0x1e0: {  	[sflag:s4] =	ssyncset.done @p1 $0x0  }
0x1e1: {  	[sflag:s4] =	ssyncadd.s32 @p1 $0xFFFFC000  }
0x1e2: {  	v1 =	vld @!p1 [tilespmem:$0xF00];
	_ =	sdelay $0x7  }
0x1e3: {  	[tilespmem:v1+s31+$0x0] =	vst.idx.add.f32.msk @!p1 $0xffff, v0  }
0x1e4: {  	v1 =	vld @!p1 [tilespmem:$0xF10];
	_ =	sdelay $0x7  }
0x1e5: {  	[tilespmem:v1+s31+$0x0] =	vst.idx.add.f32.msk @!p1 $0xffff, v0  }
0x1e6: {  	v1 =	vld @!p1 [tilespmem:$0xF20];
	_ =	sdelay $0x7  }
0x1e7: {  	[tilespmem:v1+s31+$0x0] =	vst.idx.add.f32.msk @!p1 $0xffff, v0  }
0x1e8: {  	v1 =	vld @!p1 [tilespmem:$0xF30];
	_ =	sdelay $0x7  }
0x1e9: {  	[tilespmem:v1+s31+$0x0] =	vst.idx.add.f32.msk @!p1 $0xffff, v0  }
0x1ea: {  	v1 =	vld @!p1 [tilespmem:$0xF40];
	_ =	sdelay $0x7  }
0x1eb: {  	[tilespmem:v1+s31+$0x0] =	vst.idx.add.f32.msk @!p1 $0xffff, v0  }
0x1ec: {  	v1 =	vld @!p1 [tilespmem:$0xF50];
	_ =	sdelay $0x7  }
0x1ed: {  	[tilespmem:v1+s31+$0x0] =	vst.idx.add.f32.msk @!p1 $0xffff, v0  }
0x1ee: {  	v1 =	vld @!p1 [tilespmem:$0xF60];
	_ =	sdelay $0x7  }
0x1ef: {  	[tilespmem:v1+s31+$0x0] =	vst.idx.add.f32.msk @!p1 $0xffff, v0  }
0x1f0: {  	v1 =	vld @!p1 [tilespmem:$0xF70];
	_ =	sdelay $0x7  }
0x1f1: {  	[tilespmem:v1+s31+$0x0] =	vst.idx.add.f32.msk @!p1 $0xffff, v0  }
0x1f2: {  	_ =	swait.ge @!p1 [sflag:s6], $0x4000  }
0x1f3: {  	[sflag:s6] =	ssyncset.done @!p1 $0x0  }
0x1f4: {  	s0 =	simm.s32 @!p1 $0xF80;
	[sflag:s6] =	ssyncadd.s32 @!p1 $0xFFFFC000  }
0x1f5: {  	[spmem:s2] =	stream.indirect.scatter.add.f32 @!p1 [tilespmem:s9], [sflag:$0x5], $0x80, s0, s14, $0xb8;
	[tilespmem:$0x1F800] =	vst v63  }
0x1f6: {  	_ =	swait.ge @!p1 [sflag:s7], $0x4000  }
0x1f7: {  	[sflag:s7] =	ssyncset.done @!p1 $0x0  }
0x1f8: {  	[sflag:s7] =	ssyncadd.s32 @!p1 $0xFFFFC000  }
0x1f9: {  	v1 =	vld @!p1 [tilespmem:$0xF80];
	_ =	sdelay $0x7  }
0x1fa: {  	[tilespmem:v1+s31+$0x0] =	vst.idx.add.f32.msk @!p1 $0xffff, v0  }
0x1fb: {  	v1 =	vld @!p1 [tilespmem:$0xF90];
	_ =	sdelay $0x7  }
0x1fc: {  	[tilespmem:v1+s31+$0x0] =	vst.idx.add.f32.msk @!p1 $0xffff, v0  }
0x1fd: {  	v1 =	vld @!p1 [tilespmem:$0xFA0];
	_ =	sdelay $0x7  }
0x1fe: {  	[tilespmem:v1+s31+$0x0] =	vst.idx.add.f32.msk @!p1 $0xffff, v0  }
0x1ff: {  	v1 =	vld @!p1 [tilespmem:$0xFB0];
	_ =	sdelay $0x7  }
0x200: {  	[tilespmem:v1+s31+$0x0] =	vst.idx.add.f32.msk @!p1 $0xffff, v0  }
0x201: {  	v1 =	vld @!p1 [tilespmem:$0xFC0];
	_ =	sdelay $0x7  }
0x202: {  	[tilespmem:v1+s31+$0x0] =	vst.idx.add.f32.msk @!p1 $0xffff, v0  }
0x203: {  	v1 =	vld @!p1 [tilespmem:$0xFD0];
	_ =	sdelay $0x7  }
0x204: {  	[tilespmem:v1+s31+$0x0] =	vst.idx.add.f32.msk @!p1 $0xffff, v0  }
0x205: {  	v1 =	vld @!p1 [tilespmem:$0xFE0];
	_ =	sdelay $0x7  }
0x206: {  	[tilespmem:v1+s31+$0x0] =	vst.idx.add.f32.msk @!p1 $0xffff, v0  }
0x207: {  	v1 =	vld @!p1 [tilespmem:$0xFF0];
	_ =	sdelay $0x7  }
0x208: {  	s29 =	sadd.s32 $0x100, s29;
	s0 =	simm.s32 @!p2 $0x3;
	[tilespmem:v1+s31+$0x0] =	vst.idx.add.f32.msk @!p1 $0xffff, v0  }
0x209: {  	p3 =	sne.s32 s29, $0x500;
	_ =	swait.ge @!p2 [sflag:s0], $0x400  }
.Ltmp0:
0x20a: {  	[sflag:s0] =	ssyncset.done @!p2 $0x0;
	(pc) =	sbr.rel @p3 .LBB2_2-.Ltmp0, $4  }
0x20b: {  	[sflag:s0] =	ssyncadd.s32 @!p2 $0xFFFFFC00  }
0x20c: {  	_ =	swait.ge @!p2 [sflag:s0], $0x400  }
0x20d: {  	[sflag:s0] =	ssyncset.done @!p2 $0x0  }
0x20e: {  	s30 =	sadd.s32 $0x1, s30;
	[sflag:s0] =	ssyncadd.s32 @!p2 $0xFFFFFC00  }
0x20f: {  	[bflag:$0x0] =	sbarrier.arrive $0xFFFF  }
0x210: {  	s0 =	rddreg [dreg:$0x15]  }
0x211: {  	[hbm:s0], [sflag:s16] =	dma.local [spmem:s17], $0x2800  }
0x212: {  	s28 =	sadd.s32 $0x1, s28;
	_ =	swait.ge [sflag:s15], $0x2800  }
0x213: {  	s6 =	simm.s32 $0x9000;
	p2 =	sne.s32 s28, s11;
	[sflag:s15] =	ssyncset.done $0x0  }
.Ltmp1:
0x214: {  	s31 =	rddreg [dreg:$0x16];
	[sflag:s15] =	ssyncadd.s32 $0xFFFFD800;
	(pc) =	sbr.rel @p2 .LBB2_1-.Ltmp1, $4  }
0x215: {  	[hbm4b:s31+s3] =	stream.linear.scatter [tilespmem:s6], [sflag:$0x5], $0x2800, $0x38;
	[tilespmem:$0x1F800] =	vst v63  }
0x216: {  	_ =	swait.ge [sflag:s15], $0x2800  }
0x217: {  	[sflag:s15] =	ssyncset.done $0x0  }
0x218: {  	[sflag:s15] =	ssyncadd.s32 $0xFFFFD800  }
0x219: {  	_ =	sfence.sel $0x180000  }
0x21a: {  	[bflag:$0x0] =	sbarrier.arrive $0xFFFF  }
0x21b: {  	_ =	strace $0x90000047  }
0x21c: {  	s0 =	stileid.u32;
	[bflag:$0x2] =	sbarrier.arrive $0xFFFF  }
0x21d: {  	p0 =	sne.s32 s0, $0x0;
	s0 =	rddreg [dreg:$0x3]  }
0x21e: {  	s0 =	sadd.s32 @!p0 $0x100000, s0  }
0x21f: {  	[sflag:s0] =	ssyncadd.tile.s32 @!p0 $0x1;
	_ =	shalt  }
.Lfunc_end2:
_tile_overlayer_lowered:
.L_overlay_start_2:
0x220: {  	(tag) =	ssettag $0x2  }
0x221: {  	s0 =	rddreg [dreg:$0x0];
	s2 =	stileid.u32  }
0x222: {  	s1 =	rddreg [dreg:$0x1];
	p0 =	sne.s32 s2, $0x0  }
0x223: {  	s3 =	rddreg [dreg:$0x2];
	[bflag:$0x3] =	sbarrier.arrive $0xFFFF;
	s2 =	simm.s32 @!p0 $0x1C05  }
0x224: {  	[timem:s3], [sflag:s2] =	dma.local @!p0 [hbm:s0], s1  }
0x225: {  	s0 =	simm.s32 @!p0 $0x5  }
0x226: {  	_ =	swait.ge @!p0 [sflag:s0], s1  }
0x227: {  	s1 =	ssub.s32 @!p0 $0x0, s1;
	[sflag:s0] =	ssyncset.done @!p0 $0x0  }
0x228: {  	[sflag:s0] =	ssyncadd.s32 @!p0 s1  }
0x229: {  	[bflag:$0x3] =	sbarrier.arrive $0xFFFF  }
0x22a: {  	_ =	shalt  }

</sc_bundles>
